<compile_context>
chip_gen: v7x
topology: tpu7x:2x2x1
jax: 0.10.2.dev20260603
libtpu: 0.0.44.dev20260713+nightly
codegen_flags: <defaults>
</compile_context>

<pallas_src>
import functools

import jax
import jax.numpy as jnp
from jax import lax
from jax.experimental import pallas as pl
from jax.experimental.pallas import tpu as pltpu
from jax.experimental.pallas import tpu_sc as plsc

N, E, D, H, O = 10000, 320000, 128, 128, 2
NC, NS = 2, 16
NW = NC * NS
WIN = 128
NPAD = 16
NROWS = 10112
NWIN = 2 * (-(-(-(-E // NW)) // (2 * WIN)))
EPW = NWIN * WIN
EP = EPW * NW
DEG_ROWS = 2 * NROWS
_DEG_RPS = DEG_ROWS // NS
_AGG_RPS = NROWS // NS

_mesh = plsc.VectorSubcoreMesh(core_axis_name="c", subcore_axis_name="s")


@functools.partial(
    pl.kernel,
    mesh=_mesh,
    out_type=jax.ShapeDtypeStruct((NC, DEG_ROWS, 16), jnp.float32),
    compiler_params=pltpu.CompilerParams(use_tc_tiling_on_sc=False),
    scratch_types=[
        pltpu.VMEM((NWIN, WIN), jnp.int32),
        pltpu.VMEM((NWIN, WIN), jnp.int32),
        pltpu.VMEM((WIN, 16), jnp.float32),
        pltpu.SemaphoreType.DMA,
        pltpu.VMEM_SHARED((DEG_ROWS, 16), jnp.float32),
    ],
)
def _deg_kernel(sidx_hbm, didx_hbm, ones_hbm, zeros_hbm, out_hbm,
                sidx_v, didx_v, ones_v, dsem, acc_sh):
    c = lax.axis_index("c")
    s = lax.axis_index("s")
    wid = c * NS + s
    r0 = s * _DEG_RPS
    pltpu.sync_copy(zeros_hbm, acc_sh.at[pl.ds(r0, _DEG_RPS)])
    pltpu.sync_copy(ones_hbm, ones_v)
    pltpu.sync_copy(sidx_hbm.at[wid], sidx_v)
    pltpu.sync_copy(didx_hbm.at[wid], didx_v)
    plsc.subcore_barrier()

    @pl.loop(0, NWIN)
    def _(j):
        pltpu.async_copy(ones_v, acc_sh.at[sidx_v.at[j]], dsem, add=True)
        pltpu.async_copy(ones_v, acc_sh.at[didx_v.at[j]], dsem, add=True)

        @pl.when(j > 0)
        def _():
            pltpu.make_async_copy(ones_v, acc_sh.at[sidx_v.at[j]],
                                  dsem).wait()
            pltpu.make_async_copy(ones_v, acc_sh.at[didx_v.at[j]],
                                  dsem).wait()

    pltpu.make_async_copy(ones_v, acc_sh.at[sidx_v.at[0]], dsem).wait()
    pltpu.make_async_copy(ones_v, acc_sh.at[didx_v.at[0]], dsem).wait()
    plsc.subcore_barrier()
    pltpu.sync_copy(acc_sh.at[pl.ds(r0, _DEG_RPS)],
                    out_hbm.at[c, pl.ds(r0, _DEG_RPS)])


def _make_agg_kernel_resident(width, dtype=jnp.float32):
    @functools.partial(
        pl.kernel,
        mesh=_mesh,
        out_type=jax.ShapeDtypeStruct((NC, NROWS, width), dtype),
        compiler_params=pltpu.CompilerParams(use_tc_tiling_on_sc=False),
        scratch_types=[
            pltpu.VMEM((2, WIN), jnp.int32),
            pltpu.VMEM((NWIN, WIN), jnp.int32),
            pltpu.VMEM((WIN, width), dtype),
            pltpu.VMEM((WIN, width), dtype),
            pltpu.SemaphoreType.DMA,
            pltpu.SemaphoreType.DMA,
            pltpu.SemaphoreType.DMA,
            pltpu.SemaphoreType.DMA,
            pltpu.SemaphoreType.DMA,
            pltpu.SemaphoreType.DMA,
            pltpu.VMEM_SHARED((NROWS, width), dtype),
            pltpu.VMEM_SHARED((NROWS, width), dtype),
        ],
    )
    def _agg_kernel(y_hbm, gidx_hbm, sidx_hbm, zeros_hbm, out_hbm,
                    gidx_v, sidx_v, rows0, rows1, semi0, semi1, semg0, semg1,
                    sems0, sems1, acc_sh, tab_sh):
        c = lax.axis_index("c")
        s = lax.axis_index("s")
        wid = c * NS + s
        r0 = s * _AGG_RPS
        pltpu.sync_copy(zeros_hbm, acc_sh.at[pl.ds(r0, _AGG_RPS)])
        pltpu.sync_copy(y_hbm.at[pl.ds(r0, _AGG_RPS)],
                        tab_sh.at[pl.ds(r0, _AGG_RPS)])
        pltpu.sync_copy(sidx_hbm.at[wid], sidx_v)

        def gidx_start(j, b, sem):
            pltpu.make_async_copy(gidx_hbm.at[wid, j], gidx_v.at[b],
                                  sem).start()

        def gidx_wait(j, b, sem):
            pltpu.make_async_copy(gidx_hbm.at[wid, j], gidx_v.at[b],
                                  sem).wait()

        plsc.subcore_barrier()

        gidx_start(0, 0, semi0)
        gidx_wait(0, 0, semi0)
        pltpu.make_async_copy(tab_sh.at[gidx_v.at[0]], rows0, semg0).start()
        gidx_start(1, 1, semi1)

        @pl.loop(0, NWIN, step=2)
        def _(j):
            @pl.when(j > 0)
            def _():
                pltpu.make_async_copy(rows1, acc_sh.at[sidx_v.at[j]],
                                      sems1).wait()

            pltpu.make_async_copy(tab_sh.at[gidx_v.at[0]], rows0,
                                  semg0).wait()
            gidx_wait(j + 1, 1, semi1)
            pltpu.make_async_copy(tab_sh.at[gidx_v.at[1]], rows1,
                                  semg1).start()
            pltpu.async_copy(rows0, acc_sh.at[sidx_v.at[j]], sems0, add=True)

            @pl.when(j + 2 < NWIN)
            def _():
                gidx_start(j + 2, 0, semi0)

            pltpu.make_async_copy(tab_sh.at[gidx_v.at[1]], rows1,
                                  semg1).wait()
            pltpu.make_async_copy(rows0, acc_sh.at[sidx_v.at[j]],
                                  sems0).wait()

            @pl.when(j + 2 < NWIN)
            def _():
                gidx_wait(j + 2, 0, semi0)
                pltpu.make_async_copy(tab_sh.at[gidx_v.at[0]], rows0,
                                      semg0).start()

            pltpu.async_copy(rows1, acc_sh.at[sidx_v.at[j + 1]], sems1,
                             add=True)

            @pl.when(j + 3 < NWIN)
            def _():
                gidx_start(j + 3, 1, semi1)

        pltpu.make_async_copy(rows1, acc_sh.at[sidx_v.at[NWIN - 1]],
                              sems1).wait()
        plsc.subcore_barrier()
        pltpu.sync_copy(acc_sh.at[pl.ds(r0, _AGG_RPS)],
                        out_hbm.at[c, pl.ds(r0, _AGG_RPS)])

    return _agg_kernel


def _make_agg_kernel(width, dtype=jnp.float32):
    @functools.partial(
        pl.kernel,
        mesh=_mesh,
        out_type=jax.ShapeDtypeStruct((NC, NROWS, width), dtype),
        compiler_params=pltpu.CompilerParams(use_tc_tiling_on_sc=False),
        scratch_types=[
            pltpu.VMEM((2, WIN), jnp.int32),
            pltpu.VMEM((NWIN, WIN), jnp.int32),
            pltpu.VMEM((WIN, width), dtype),
            pltpu.VMEM((WIN, width), dtype),
            pltpu.SemaphoreType.DMA,
            pltpu.SemaphoreType.DMA,
            pltpu.SemaphoreType.DMA,
            pltpu.SemaphoreType.DMA,
            pltpu.SemaphoreType.DMA,
            pltpu.SemaphoreType.DMA,
            pltpu.VMEM_SHARED((NROWS, width), dtype),
        ],
    )
    def _agg_kernel(y_hbm, gidx_hbm, sidx_hbm, zeros_hbm, out_hbm,
                    gidx_v, sidx_v, rows0, rows1, semi0, semi1, semg0, semg1,
                    sems0, sems1, acc_sh):
        c = lax.axis_index("c")
        s = lax.axis_index("s")
        wid = c * NS + s
        r0 = s * _AGG_RPS
        pltpu.sync_copy(zeros_hbm, acc_sh.at[pl.ds(r0, _AGG_RPS)])
        pltpu.sync_copy(sidx_hbm.at[wid], sidx_v)

        def gidx_start(j, b, sem):
            pltpu.make_async_copy(gidx_hbm.at[wid, j], gidx_v.at[b],
                                  sem).start()

        def gidx_wait(j, b, sem):
            pltpu.make_async_copy(gidx_hbm.at[wid, j], gidx_v.at[b],
                                  sem).wait()

        plsc.subcore_barrier()

        gidx_start(0, 0, semi0)
        gidx_wait(0, 0, semi0)
        pltpu.make_async_copy(y_hbm.at[gidx_v.at[0]], rows0, semg0).start()
        gidx_start(1, 1, semi1)

        @pl.loop(0, NWIN, step=2)
        def _(j):
            @pl.when(j > 0)
            def _():
                pltpu.make_async_copy(rows1, acc_sh.at[sidx_v.at[j]],
                                      sems1).wait()

            pltpu.make_async_copy(y_hbm.at[gidx_v.at[0]], rows0,
                                  semg0).wait()
            gidx_wait(j + 1, 1, semi1)
            pltpu.make_async_copy(y_hbm.at[gidx_v.at[1]], rows1,
                                  semg1).start()
            pltpu.async_copy(rows0, acc_sh.at[sidx_v.at[j]], sems0, add=True)

            @pl.when(j + 2 < NWIN)
            def _():
                gidx_start(j + 2, 0, semi0)

            pltpu.make_async_copy(y_hbm.at[gidx_v.at[1]], rows1,
                                  semg1).wait()
            pltpu.make_async_copy(rows0, acc_sh.at[sidx_v.at[j]],
                                  sems0).wait()

            @pl.when(j + 2 < NWIN)
            def _():
                gidx_wait(j + 2, 0, semi0)
                pltpu.make_async_copy(y_hbm.at[gidx_v.at[0]], rows0,
                                      semg0).start()

            pltpu.async_copy(rows1, acc_sh.at[sidx_v.at[j + 1]], sems1,
                             add=True)

            @pl.when(j + 3 < NWIN)
            def _():
                gidx_start(j + 3, 1, semi1)

        pltpu.make_async_copy(rows1, acc_sh.at[sidx_v.at[NWIN - 1]],
                              sems1).wait()
        plsc.subcore_barrier()
        pltpu.sync_copy(acc_sh.at[pl.ds(r0, _AGG_RPS)],
                        out_hbm.at[c, pl.ds(r0, _AGG_RPS)])

    return _agg_kernel


def _make_agg_kernel_deep(width):
    @functools.partial(
        pl.kernel,
        mesh=_mesh,
        out_type=jax.ShapeDtypeStruct((NC, NROWS, width), jnp.float32),
        compiler_params=pltpu.CompilerParams(use_tc_tiling_on_sc=False),
        scratch_types=(
            [pltpu.VMEM((4, WIN), jnp.int32),
             pltpu.VMEM((NWIN, WIN), jnp.int32)]
            + [pltpu.VMEM((WIN, width), jnp.float32) for _ in range(4)]
            + [pltpu.SemaphoreType.DMA for _ in range(12)]
            + [pltpu.VMEM_SHARED((NROWS, width), jnp.float32)]
        ),
    )
    def _agg_kernel(y_hbm, gidx_hbm, sidx_hbm, zeros_hbm, out_hbm,
                    gidx_v, sidx_v, r0b, r1b, r2b, r3b,
                    i0, i1, i2, i3, g0, g1, g2, g3, s0, s1, s2, s3,
                    acc_sh):
        rows = [r0b, r1b, r2b, r3b]
        semi = [i0, i1, i2, i3]
        semg = [g0, g1, g2, g3]
        sems = [s0, s1, s2, s3]
        c = lax.axis_index("c")
        s = lax.axis_index("s")
        wid = c * NS + s
        rb = s * _AGG_RPS
        pltpu.sync_copy(zeros_hbm, acc_sh.at[pl.ds(rb, _AGG_RPS)])
        pltpu.sync_copy(sidx_hbm.at[wid], sidx_v)

        def gi_start(w, b):
            pltpu.make_async_copy(gidx_hbm.at[wid, w], gidx_v.at[b],
                                  semi[b]).start()

        def gi_wait(w, b):
            pltpu.make_async_copy(gidx_hbm.at[wid, w], gidx_v.at[b],
                                  semi[b]).wait()

        def g_start(b):
            pltpu.make_async_copy(y_hbm.at[gidx_v.at[b]], rows[b],
                                  semg[b]).start()

        def g_wait(b):
            pltpu.make_async_copy(y_hbm.at[gidx_v.at[b]], rows[b],
                                  semg[b]).wait()

        def s_start(w, b):
            pltpu.async_copy(rows[b], acc_sh.at[sidx_v.at[w]], sems[b],
                             add=True)

        def s_wait(w, b):
            pltpu.make_async_copy(rows[b], acc_sh.at[sidx_v.at[w]],
                                  sems[b]).wait()

        plsc.subcore_barrier()

        for b in range(4):
            gi_start(b, b)
        for b in range(2):
            gi_wait(b, b)
            g_start(b)

        @pl.loop(0, NWIN, step=4)
        def _(j):
            for b in range(4):
                w = j + b

                @pl.when(w >= 2)
                def _():
                    s_wait(w - 2, (b + 2) % 4)

                g_wait(b)

                @pl.when(w + 4 < NWIN)
                def _():
                    gi_start(w + 4, b)

                @pl.when(w + 2 < NWIN)
                def _():
                    gi_wait(w + 2, (b + 2) % 4)
                    g_start((b + 2) % 4)

                s_start(w, b)

        s_wait(NWIN - 2, (NWIN - 2) % 4)
        s_wait(NWIN - 1, (NWIN - 1) % 4)
        plsc.subcore_barrier()
        pltpu.sync_copy(acc_sh.at[pl.ds(rb, _AGG_RPS)],
                        out_hbm.at[c, pl.ds(rb, _AGG_RPS)])

    return _agg_kernel


_W3COLS = 16
_agg128 = _make_agg_kernel(D)
_agg3 = _agg128 if _W3COLS == D else _make_agg_kernel_deep(_W3COLS)


def _prep_body(degp_ref, feat_ref, ns_ref, nd_ref, y1_ref):
    od = degp_ref[0, :N, 0:1] + degp_ref[1, :N, 0:1]
    idg = (degp_ref[0, NROWS:NROWS + N, 0:1]
           + degp_ref[1, NROWS:NROWS + N, 0:1])
    ns = jnp.where(od > 0, 1.0 / jnp.sqrt(od), 0.0)
    nd = jnp.where(idg > 0, 1.0 / jnp.sqrt(idg), 0.0)
    ns_ref[...] = ns
    nd_ref[...] = nd
    y1_ref[...] = (feat_ref[...] * ns).astype(y1_ref.dtype)


def _f1_body(feat_ref, W_ref, o_ref):
    o_ref[...] = jnp.dot(feat_ref[...], W_ref[...],
                         preferred_element_type=jnp.float32)


def _mid_body(p_ref, nd_ref, W_ref, b_ref, g_ref, be_ref, ns_ref, o_ref):
    agg = (p_ref[0, :N, :].astype(jnp.float32)
           + p_ref[1, :N, :].astype(jnp.float32))
    t = jnp.dot(agg * nd_ref[...], W_ref[...],
                preferred_element_type=jnp.float32) + b_ref[...]
    mu = jnp.mean(t, -1, keepdims=True)
    var = jnp.mean((t - mu) ** 2, -1, keepdims=True)
    x = (t - mu) / jnp.sqrt(var + 1e-5) * g_ref[...] + be_ref[...]
    x = jnp.where(x > 0, x, 0.01 * x)
    o_ref[...] = x * ns_ref[...]


def _fin_body(p_ref, nd_ref, W_ref, b3_ref, o_ref):
    a = p_ref[0, :N, :] + p_ref[1, :N, :]
    o_ref[...] = jnp.dot(a * nd_ref[...], W_ref[...],
                         preferred_element_type=jnp.float32) + b3_ref[...]


def kernel(features, edge_index, W1, b1, g1, beta1, W2, b2, g2, beta2, W3, b3):
    src = edge_index[0]
    dst = edge_index[1]

    pad = EP - E
    k = jnp.arange(pad, dtype=jnp.int32)
    kp = k % NPAD
    trash = N + kp
    src_g = jnp.concatenate([src, kp]).reshape(NW, NWIN, WIN)
    dst_s = jnp.concatenate([dst, trash]).reshape(NW, NWIN, WIN)
    src_d = jnp.concatenate([src, trash]).reshape(NW, NWIN, WIN)
    dst_d = jnp.concatenate([dst + NROWS, trash + NROWS]).reshape(NW, NWIN, WIN)

    ones16 = jnp.ones((WIN, 16), jnp.float32)
    zdeg = jnp.zeros((_DEG_RPS, 16), jnp.float32)
    zagg = jnp.zeros((_AGG_RPS, D), jnp.float32)
    zagg16 = jnp.zeros((_AGG_RPS, _W3COLS), jnp.float32)

    degp = _deg_kernel(src_d, dst_d, ones16, zdeg)

    ns, nd, y1 = pl.pallas_call(
        _prep_body,
        out_shape=(jax.ShapeDtypeStruct((N, 1), jnp.float32),
                   jax.ShapeDtypeStruct((N, 1), jnp.float32),
                   jax.ShapeDtypeStruct((N, H), jnp.float32)),
    )(degp, features)

    b1r, g1r, be1r = b1.reshape(1, H), g1.reshape(1, H), beta1.reshape(1, H)
    b2r, g2r, be2r = b2.reshape(1, H), g2.reshape(1, H), beta2.reshape(1, H)
    W3p = jnp.pad(W3, ((0, 0), (0, _W3COLS - O)))
    b3p = jnp.pad(b3, (0, _W3COLS - O)).reshape(1, _W3COLS)

    p1 = _agg128(y1, src_g, dst_s, zagg)
    y2 = pl.pallas_call(
        _mid_body,
        out_shape=jax.ShapeDtypeStruct((N, H), jnp.float32),
    )(p1, nd, W1, b1r, g1r, be1r, ns)

    p2 = _agg128(y2, src_g, dst_s, zagg)
    y3 = pl.pallas_call(
        _mid_body,
        out_shape=jax.ShapeDtypeStruct((N, H), jnp.float32),
    )(p2, nd, W2, b2r, g2r, be2r, ns)

    p3 = _agg128(y3, src_g, dst_s, zagg)
    out = pl.pallas_call(
        _fin_body,
        out_shape=jax.ShapeDtypeStruct((N, _W3COLS), jnp.float32),
    )(p3, nd, W3p, b3p)
    return out[:, :O]

# --- scband reference (transcript-rebuilt; emitter-appended) ---
"""Pipeline reference for scband-fraud-detection-gnn-89369679495194 (READ-ONLY COPY).

The authoritative reference and input builder live on the scoring server;
editing this copy changes nothing except your own understanding.
"""

import jax, jax.numpy as jnp
import numpy as np

N, E, D, H, O = 10000, 320000, 128, 128, 2

def setup_inputs(seed: int = 0) -> dict:
    key = jax.random.key(seed)
    ks = jax.random.split(key, 8)
    features = jax.random.normal(ks[0], (N, D), dtype=jnp.float32)
    edge_index = jax.random.randint(ks[1], (2, E), 0, N, dtype=jnp.int32)
    W1 = jax.random.normal(ks[2], (D, H), dtype=jnp.float32) * (1.0 / np.sqrt(D))
    b1 = jnp.zeros((H,), dtype=jnp.float32)
    g1 = jnp.ones((H,), dtype=jnp.float32)
    beta1 = jnp.zeros((H,), dtype=jnp.float32)
    W2 = jax.random.normal(ks[3], (H, H), dtype=jnp.float32) * (1.0 / np.sqrt(H))
    b2 = jnp.zeros((H,), dtype=jnp.float32)
    g2 = jnp.ones((H,), dtype=jnp.float32)
    beta2 = jnp.zeros((H,), dtype=jnp.float32)
    W3 = jax.random.normal(ks[4], (H, O), dtype=jnp.float32) * (1.0 / np.sqrt(H))
    b3 = jnp.zeros((O,), dtype=jnp.float32)
    return {"features": features, "edge_index": edge_index, "W1": W1, "b1": b1, "g1": g1, "beta1": beta1, "W2": W2, "b2": b2, "g2": g2, "beta2": beta2, "W3": W3, "b3": b3}


def _graph_conv(x, src, dst, W, b, n_nodes):
    # DGL GraphConv with norm='both': D_src^{-1/2} A D_dst^{-1/2}
    out_deg = jnp.zeros((n_nodes,), dtype=jnp.float32).at[src].add(1.0)
    in_deg = jnp.zeros((n_nodes,), dtype=jnp.float32).at[dst].add(1.0)
    norm_src = jnp.where(out_deg > 0, out_deg ** -0.5, 0.0)
    norm_dst = jnp.where(in_deg > 0, in_deg ** -0.5, 0.0)
    h = x * norm_src[:, None]
    agg = jax.ops.segment_sum(h[src], dst, num_segments=n_nodes)
    h = agg * norm_dst[:, None]
    return h @ W + b


def _layer_norm(x, gamma, beta, eps=1e-5):
    mu = jnp.mean(x, axis=-1, keepdims=True)
    var = jnp.var(x, axis=-1, keepdims=True)
    return (x - mu) / jnp.sqrt(var + eps) * gamma + beta


def reference(features, edge_index, W1, b1, g1, beta1, W2, b2, g2, beta2, W3, b3):
    src, dst = edge_index[0], edge_index[1]
    x = _graph_conv(features, src, dst, W1, b1, N)
    x = jax.nn.leaky_relu(_layer_norm(x, g1, beta1), negative_slope=0.01)
    # dropout is identity in eval mode
    x = _graph_conv(x, src, dst, W2, b2, N)
    x = jax.nn.leaky_relu(_layer_norm(x, g2, beta2), negative_slope=0.01)
    x = _graph_conv(x, src, dst, W3, b3, N)
    return x

if __name__ == "__main__":
    import jax
    _d = setup_inputs()
    print(jax.jit(kernel)(*tuple(_d.values())))

</pallas_src>

<mosaic_0001>
#map = affine_map<(d0, d1) -> (0, 0, 0)>
#map1 = affine_map<(d0, d1) -> (0, 0)>
module attributes {stable_mosaic.version = 14 : i64} {
  func.func @_deg_kernel(%arg0: i32, %arg1: i32, %arg2: memref<32x80x128xi32, #tpu.memory_space<hbm>>, %arg3: memref<32x80x128xi32, #tpu.memory_space<hbm>>, %arg4: memref<128x16xf32, #tpu.memory_space<hbm>>, %arg5: memref<1264x16xf32, #tpu.memory_space<hbm>>, %arg6: memref<2x20224x16xf32, #tpu.memory_space<hbm>>, %arg7: memref<80x128xi32, #tpu.memory_space<vmem>>, %arg8: memref<80x128xi32, #tpu.memory_space<vmem>>, %arg9: memref<128x16xf32, #tpu.memory_space<vmem>>, %arg10: memref<!tpu.dma_semaphore, #tpu.memory_space<semaphore_mem>>, %arg11: memref<20224x16xf32, #tpu.memory_space<vmem_shared>>) attributes {dimension_semantics = [#tpu.dimension_semantics<core_parallel>, #tpu.dimension_semantics<subcore_parallel>], iteration_bounds = array<i64: 2, 16>, scalar_prefetch = 0 : i64, scratch_operands = 5 : i64, tpu.core_type = #tpu.core_type<sc_vector_subcore>, window_params = [{transform_indices = #map}, {transform_indices = #map}, {transform_indices = #map1}, {transform_indices = #map1}, {transform_indices = #map}]} {
    %mul3A = arith.constant 16 : i32
    %mul3A_0 = arith.muli %arg0, %mul3A : i32
    %add3A = arith.addi %mul3A_0, %arg1 : i32
    %mul3A_1 = arith.constant 1264 : i32
    %mul3A_2 = arith.muli %arg1, %mul3A_1 : i32
    "tpu.region"() ({
      %run_scoped3A = tpu.sem_alloc : memref<!tpu.dma_semaphore, #tpu.memory_space<semaphore_mem>>
      %dma_start3A = arith.constant 0 : i32
      %dma_start3A_21 = tpu.memref_slice %arg11[%mul3A_2, %dma_start3A] : memref<20224x16xf32, #tpu.memory_space<vmem_shared>> -> memref<1264x16xf32, #tpu.memory_space<vmem_shared>>
      tpu.enqueue_dma source(%arg5 : memref<1264x16xf32, #tpu.memory_space<hbm>>) target(%dma_start3A_21 : memref<1264x16xf32, #tpu.memory_space<vmem_shared>>) target_semaphore(%run_scoped3A : memref<!tpu.dma_semaphore, #tpu.memory_space<semaphore_mem>>)
      %dma_wait3A_22 = arith.constant 0 : i32
      %dma_wait3A_23 = tpu.memref_slice %arg11[%mul3A_2, %dma_wait3A_22] : memref<20224x16xf32, #tpu.memory_space<vmem_shared>> -> memref<1264x16xf32, #tpu.memory_space<vmem_shared>>
      tpu.wait_dma2 semaphore(%run_scoped3A : memref<!tpu.dma_semaphore, #tpu.memory_space<semaphore_mem>>) src(%arg5 : memref<1264x16xf32, #tpu.memory_space<hbm>>) dst(%dma_wait3A_23 : memref<1264x16xf32, #tpu.memory_space<vmem_shared>>)
      tpu.yield
    }) : () -> ()
    "tpu.region"() ({
      %run_scoped3A = tpu.sem_alloc : memref<!tpu.dma_semaphore, #tpu.memory_space<semaphore_mem>>
      tpu.enqueue_dma source(%arg4 : memref<128x16xf32, #tpu.memory_space<hbm>>) target(%arg9 : memref<128x16xf32, #tpu.memory_space<vmem>>) target_semaphore(%run_scoped3A : memref<!tpu.dma_semaphore, #tpu.memory_space<semaphore_mem>>)
      tpu.wait_dma2 semaphore(%run_scoped3A : memref<!tpu.dma_semaphore, #tpu.memory_space<semaphore_mem>>) src(%arg4 : memref<128x16xf32, #tpu.memory_space<hbm>>) dst(%arg9 : memref<128x16xf32, #tpu.memory_space<vmem>>)
      tpu.yield
    }) : () -> ()
    "tpu.region"() ({
      %run_scoped3A = tpu.sem_alloc : memref<!tpu.dma_semaphore, #tpu.memory_space<semaphore_mem>>
      %dma_start3A = arith.constant 0 : i32
      %dma_start3A_21 = arith.constant 0 : i32
      %dma_start3A_22 = tpu.memref_slice %arg2[%add3A, %dma_start3A, %dma_start3A_21] : memref<32x80x128xi32, #tpu.memory_space<hbm>> -> memref<1x80x128xi32, #tpu.memory_space<hbm>>
      %dma_start3A_23 = tpu.memref_squeeze %dma_start3A_22 : memref<1x80x128xi32, #tpu.memory_space<hbm>> -> memref<80x128xi32, #tpu.memory_space<hbm>>
      %dma_start3A_24 = arith.constant 0 : i32
      %dma_start3A_25 = arith.constant 0 : i32
      %dma_start3A_26 = tpu.memref_slice %arg2[%add3A, %dma_start3A_24, %dma_start3A_25] : memref<32x80x128xi32, #tpu.memory_space<hbm>> -> memref<1x80x128xi32, #tpu.memory_space<hbm>>
      %dma_start3A_27 = tpu.memref_squeeze %dma_start3A_26 : memref<1x80x128xi32, #tpu.memory_space<hbm>> -> memref<80x128xi32, #tpu.memory_space<hbm>>
      tpu.enqueue_dma source(%dma_start3A_27 : memref<80x128xi32, #tpu.memory_space<hbm>>) target(%arg7 : memref<80x128xi32, #tpu.memory_space<vmem>>) target_semaphore(%run_scoped3A : memref<!tpu.dma_semaphore, #tpu.memory_space<semaphore_mem>>)
      %dma_wait3A_28 = arith.constant 0 : i32
      %dma_wait3A_29 = arith.constant 0 : i32
      %dma_wait3A_30 = tpu.memref_slice %arg2[%add3A, %dma_wait3A_28, %dma_wait3A_29] : memref<32x80x128xi32, #tpu.memory_space<hbm>> -> memref<1x80x128xi32, #tpu.memory_space<hbm>>
      %dma_wait3A_31 = tpu.memref_squeeze %dma_wait3A_30 : memref<1x80x128xi32, #tpu.memory_space<hbm>> -> memref<80x128xi32, #tpu.memory_space<hbm>>
      %dma_wait3A_32 = arith.constant 0 : i32
      %dma_wait3A_33 = arith.constant 0 : i32
      %dma_wait3A_34 = tpu.memref_slice %arg2[%add3A, %dma_wait3A_32, %dma_wait3A_33] : memref<32x80x128xi32, #tpu.memory_space<hbm>> -> memref<1x80x128xi32, #tpu.memory_space<hbm>>
      %dma_wait3A_35 = tpu.memref_squeeze %dma_wait3A_34 : memref<1x80x128xi32, #tpu.memory_space<hbm>> -> memref<80x128xi32, #tpu.memory_space<hbm>>
      tpu.wait_dma2 semaphore(%run_scoped3A : memref<!tpu.dma_semaphore, #tpu.memory_space<semaphore_mem>>) src(%dma_wait3A_35 : memref<80x128xi32, #tpu.memory_space<hbm>>) dst(%arg7 : memref<80x128xi32, #tpu.memory_space<vmem>>)
      tpu.yield
    }) : () -> ()
    "tpu.region"() ({
      %run_scoped3A = tpu.sem_alloc : memref<!tpu.dma_semaphore, #tpu.memory_space<semaphore_mem>>
      %dma_start3A = arith.constant 0 : i32
      %dma_start3A_21 = arith.constant 0 : i32
      %dma_start3A_22 = tpu.memref_slice %arg3[%add3A, %dma_start3A, %dma_start3A_21] : memref<32x80x128xi32, #tpu.memory_space<hbm>> -> memref<1x80x128xi32, #tpu.memory_space<hbm>>
      %dma_start3A_23 = tpu.memref_squeeze %dma_start3A_22 : memref<1x80x128xi32, #tpu.memory_space<hbm>> -> memref<80x128xi32, #tpu.memory_space<hbm>>
      %dma_start3A_24 = arith.constant 0 : i32
      %dma_start3A_25 = arith.constant 0 : i32
      %dma_start3A_26 = tpu.memref_slice %arg3[%add3A, %dma_start3A_24, %dma_start3A_25] : memref<32x80x128xi32, #tpu.memory_space<hbm>> -> memref<1x80x128xi32, #tpu.memory_space<hbm>>
      %dma_start3A_27 = tpu.memref_squeeze %dma_start3A_26 : memref<1x80x128xi32, #tpu.memory_space<hbm>> -> memref<80x128xi32, #tpu.memory_space<hbm>>
      tpu.enqueue_dma source(%dma_start3A_27 : memref<80x128xi32, #tpu.memory_space<hbm>>) target(%arg8 : memref<80x128xi32, #tpu.memory_space<vmem>>) target_semaphore(%run_scoped3A : memref<!tpu.dma_semaphore, #tpu.memory_space<semaphore_mem>>)
      %dma_wait3A_28 = arith.constant 0 : i32
      %dma_wait3A_29 = arith.constant 0 : i32
      %dma_wait3A_30 = tpu.memref_slice %arg3[%add3A, %dma_wait3A_28, %dma_wait3A_29] : memref<32x80x128xi32, #tpu.memory_space<hbm>> -> memref<1x80x128xi32, #tpu.memory_space<hbm>>
      %dma_wait3A_31 = tpu.memref_squeeze %dma_wait3A_30 : memref<1x80x128xi32, #tpu.memory_space<hbm>> -> memref<80x128xi32, #tpu.memory_space<hbm>>
      %dma_wait3A_32 = arith.constant 0 : i32
      %dma_wait3A_33 = arith.constant 0 : i32
      %dma_wait3A_34 = tpu.memref_slice %arg3[%add3A, %dma_wait3A_32, %dma_wait3A_33] : memref<32x80x128xi32, #tpu.memory_space<hbm>> -> memref<1x80x128xi32, #tpu.memory_space<hbm>>
      %dma_wait3A_35 = tpu.memref_squeeze %dma_wait3A_34 : memref<1x80x128xi32, #tpu.memory_space<hbm>> -> memref<80x128xi32, #tpu.memory_space<hbm>>
      tpu.wait_dma2 semaphore(%run_scoped3A : memref<!tpu.dma_semaphore, #tpu.memory_space<semaphore_mem>>) src(%dma_wait3A_35 : memref<80x128xi32, #tpu.memory_space<hbm>>) dst(%arg8 : memref<80x128xi32, #tpu.memory_space<vmem>>)
      tpu.yield
    }) : () -> ()
    %barrier3A = arith.constant 0 : index
    tpu.barrier barrier_id(%barrier3A)
    %scan3A = arith.constant 0 : i32
    %scan3A_3 = arith.constant 80 : i32
    %scan3A_4 = arith.addi %scan3A, %scan3A_3 : i32
    %scan3A_5 = arith.constant 1 : i32
    scf.for %scan3A_21 = %scan3A to %scan3A_4 step %scan3A_5  : i32 {
      %mul3A_22 = arith.constant 1 : i32
      %mul3A_23 = arith.muli %scan3A_21, %mul3A_22 : i32
      %add3A_24 = arith.constant 0 : i32
      %add3A_25 = arith.addi %add3A_24, %mul3A_23 : i32
      %dma_start3A = arith.constant 0 : i32
      %dma_start3A_26 = tpu.memref_slice %arg7[%add3A_25, %dma_start3A] : memref<80x128xi32, #tpu.memory_space<vmem>> -> memref<1x128xi32, #tpu.memory_space<vmem>>
      %dma_start3A_27 = tpu.memref_squeeze %dma_start3A_26 : memref<1x128xi32, #tpu.memory_space<vmem>> -> memref<128xi32, #tpu.memory_space<vmem>>
      %dma_start3A_28 = arith.constant 0 : i32
      %dma_start3A_29 = arith.constant 0 : i32
      %dma_start3A_30 = tpu.memref_slice %arg11[%dma_start3A_28, %dma_start3A_29] : memref<20224x16xf32, #tpu.memory_space<vmem_shared>> -> memref<20224x16xf32, #tpu.memory_space<vmem_shared>>
      tpu.enqueue_indirect_dma source(%arg9 : memref<128x16xf32, #tpu.memory_space<vmem>>) target(%dma_start3A_30 : memref<20224x16xf32, #tpu.memory_space<vmem_shared>>) offsets(%dma_start3A_27 : memref<128xi32, #tpu.memory_space<vmem>>) semaphore(%arg10 : memref<!tpu.dma_semaphore, #tpu.memory_space<semaphore_mem>>) {add = true}
      %dma_start3A_31 = arith.constant 0 : i32
      %dma_start3A_32 = tpu.memref_slice %arg8[%add3A_25, %dma_start3A_31] : memref<80x128xi32, #tpu.memory_space<vmem>> -> memref<1x128xi32, #tpu.memory_space<vmem>>
      %dma_start3A_33 = tpu.memref_squeeze %dma_start3A_32 : memref<1x128xi32, #tpu.memory_space<vmem>> -> memref<128xi32, #tpu.memory_space<vmem>>
      %dma_start3A_34 = arith.constant 0 : i32
      %dma_start3A_35 = arith.constant 0 : i32
      %dma_start3A_36 = tpu.memref_slice %arg11[%dma_start3A_34, %dma_start3A_35] : memref<20224x16xf32, #tpu.memory_space<vmem_shared>> -> memref<20224x16xf32, #tpu.memory_space<vmem_shared>>
      tpu.enqueue_indirect_dma source(%arg9 : memref<128x16xf32, #tpu.memory_space<vmem>>) target(%dma_start3A_36 : memref<20224x16xf32, #tpu.memory_space<vmem_shared>>) offsets(%dma_start3A_33 : memref<128xi32, #tpu.memory_space<vmem>>) semaphore(%arg10 : memref<!tpu.dma_semaphore, #tpu.memory_space<semaphore_mem>>) {add = true}
      %gt3A = arith.constant 0 : i32
      %gt3A_37 = arith.cmpi sgt, %add3A_25, %gt3A : i32
      %convert_element_type3A = arith.extui %gt3A_37 : i1 to i32
      %cond3A = arith.constant 0 : i32
      %cond3A_38 = arith.cmpi ne, %convert_element_type3A, %cond3A : i32
      scf.if %cond3A_38 {
        %dma_wait3A_39 = arith.constant 0 : i32
        %dma_wait3A_40 = tpu.memref_slice %arg7[%add3A_25, %dma_wait3A_39] : memref<80x128xi32, #tpu.memory_space<vmem>> -> memref<1x128xi32, #tpu.memory_space<vmem>>
        %dma_wait3A_41 = tpu.memref_squeeze %dma_wait3A_40 : memref<1x128xi32, #tpu.memory_space<vmem>> -> memref<128xi32, #tpu.memory_space<vmem>>
        %dma_wait3A_42 = arith.constant 0 : i32
        %dma_wait3A_43 = arith.constant 0 : i32
        %dma_wait3A_44 = tpu.memref_slice %arg11[%dma_wait3A_42, %dma_wait3A_43] : memref<20224x16xf32, #tpu.memory_space<vmem_shared>> -> memref<20224x16xf32, #tpu.memory_space<vmem_shared>>
        tpu.wait_indirect_dma semaphore(%arg10 : memref<!tpu.dma_semaphore, #tpu.memory_space<semaphore_mem>>) src(%arg9 : memref<128x16xf32, #tpu.memory_space<vmem>>) dst(%dma_wait3A_44 : memref<20224x16xf32, #tpu.memory_space<vmem_shared>>)
        %dma_wait3A_45 = arith.constant 0 : i32
        %dma_wait3A_46 = tpu.memref_slice %arg8[%add3A_25, %dma_wait3A_45] : memref<80x128xi32, #tpu.memory_space<vmem>> -> memref<1x128xi32, #tpu.memory_space<vmem>>
        %dma_wait3A_47 = tpu.memref_squeeze %dma_wait3A_46 : memref<1x128xi32, #tpu.memory_space<vmem>> -> memref<128xi32, #tpu.memory_space<vmem>>
        %dma_wait3A_48 = arith.constant 0 : i32
        %dma_wait3A_49 = arith.constant 0 : i32
        %dma_wait3A_50 = tpu.memref_slice %arg11[%dma_wait3A_48, %dma_wait3A_49] : memref<20224x16xf32, #tpu.memory_space<vmem_shared>> -> memref<20224x16xf32, #tpu.memory_space<vmem_shared>>
        tpu.wait_indirect_dma semaphore(%arg10 : memref<!tpu.dma_semaphore, #tpu.memory_space<semaphore_mem>>) src(%arg9 : memref<128x16xf32, #tpu.memory_space<vmem>>) dst(%dma_wait3A_50 : memref<20224x16xf32, #tpu.memory_space<vmem_shared>>)
      } else {
      }
    }
    %scan3A_6 = arith.constant 80 : i32
    %dma_wait3A = arith.constant 0 : i32
    %dma_wait3A_7 = arith.constant 0 : i32
    %dma_wait3A_8 = tpu.memref_slice %arg7[%dma_wait3A, %dma_wait3A_7] : memref<80x128xi32, #tpu.memory_space<vmem>> -> memref<1x128xi32, #tpu.memory_space<vmem>>
    %dma_wait3A_9 = tpu.memref_squeeze %dma_wait3A_8 : memref<1x128xi32, #tpu.memory_space<vmem>> -> memref<128xi32, #tpu.memory_space<vmem>>
    %dma_wait3A_10 = arith.constant 0 : i32
    %dma_wait3A_11 = arith.constant 0 : i32
    %dma_wait3A_12 = tpu.memref_slice %arg11[%dma_wait3A_10, %dma_wait3A_11] : memref<20224x16xf32, #tpu.memory_space<vmem_shared>> -> memref<20224x16xf32, #tpu.memory_space<vmem_shared>>
    tpu.wait_indirect_dma semaphore(%arg10 : memref<!tpu.dma_semaphore, #tpu.memory_space<semaphore_mem>>) src(%arg9 : memref<128x16xf32, #tpu.memory_space<vmem>>) dst(%dma_wait3A_12 : memref<20224x16xf32, #tpu.memory_space<vmem_shared>>)
    %dma_wait3A_13 = arith.constant 0 : i32
    %dma_wait3A_14 = arith.constant 0 : i32
    %dma_wait3A_15 = tpu.memref_slice %arg8[%dma_wait3A_13, %dma_wait3A_14] : memref<80x128xi32, #tpu.memory_space<vmem>> -> memref<1x128xi32, #tpu.memory_space<vmem>>
    %dma_wait3A_16 = tpu.memref_squeeze %dma_wait3A_15 : memref<1x128xi32, #tpu.memory_space<vmem>> -> memref<128xi32, #tpu.memory_space<vmem>>
    %dma_wait3A_17 = arith.constant 0 : i32
    %dma_wait3A_18 = arith.constant 0 : i32
    %dma_wait3A_19 = tpu.memref_slice %arg11[%dma_wait3A_17, %dma_wait3A_18] : memref<20224x16xf32, #tpu.memory_space<vmem_shared>> -> memref<20224x16xf32, #tpu.memory_space<vmem_shared>>
    tpu.wait_indirect_dma semaphore(%arg10 : memref<!tpu.dma_semaphore, #tpu.memory_space<semaphore_mem>>) src(%arg9 : memref<128x16xf32, #tpu.memory_space<vmem>>) dst(%dma_wait3A_19 : memref<20224x16xf32, #tpu.memory_space<vmem_shared>>)
    %barrier3A_20 = arith.constant 0 : index
    tpu.barrier barrier_id(%barrier3A_20)
    "tpu.region"() ({
      %run_scoped3A = tpu.sem_alloc : memref<!tpu.dma_semaphore, #tpu.memory_space<semaphore_mem>>
      %dma_start3A = arith.constant 0 : i32
      %dma_start3A_21 = tpu.memref_slice %arg6[%arg0, %mul3A_2, %dma_start3A] : memref<2x20224x16xf32, #tpu.memory_space<hbm>> -> memref<1x1264x16xf32, #tpu.memory_space<hbm>>
      %dma_start3A_22 = tpu.memref_squeeze %dma_start3A_21 : memref<1x1264x16xf32, #tpu.memory_space<hbm>> -> memref<1264x16xf32, #tpu.memory_space<hbm>>
      %dma_start3A_23 = arith.constant 0 : i32
      %dma_start3A_24 = tpu.memref_slice %arg11[%mul3A_2, %dma_start3A_23] : memref<20224x16xf32, #tpu.memory_space<vmem_shared>> -> memref<1264x16xf32, #tpu.memory_space<vmem_shared>>
      tpu.enqueue_dma source(%dma_start3A_24 : memref<1264x16xf32, #tpu.memory_space<vmem_shared>>) target(%dma_start3A_22 : memref<1264x16xf32, #tpu.memory_space<hbm>>) target_semaphore(%run_scoped3A : memref<!tpu.dma_semaphore, #tpu.memory_space<semaphore_mem>>)
      %dma_wait3A_25 = arith.constant 0 : i32
      %dma_wait3A_26 = tpu.memref_slice %arg6[%arg0, %mul3A_2, %dma_wait3A_25] : memref<2x20224x16xf32, #tpu.memory_space<hbm>> -> memref<1x1264x16xf32, #tpu.memory_space<hbm>>
      %dma_wait3A_27 = tpu.memref_squeeze %dma_wait3A_26 : memref<1x1264x16xf32, #tpu.memory_space<hbm>> -> memref<1264x16xf32, #tpu.memory_space<hbm>>
      %dma_wait3A_28 = arith.constant 0 : i32
      %dma_wait3A_29 = tpu.memref_slice %arg11[%mul3A_2, %dma_wait3A_28] : memref<20224x16xf32, #tpu.memory_space<vmem_shared>> -> memref<1264x16xf32, #tpu.memory_space<vmem_shared>>
      tpu.wait_dma2 semaphore(%run_scoped3A : memref<!tpu.dma_semaphore, #tpu.memory_space<semaphore_mem>>) src(%dma_wait3A_29 : memref<1264x16xf32, #tpu.memory_space<vmem_shared>>) dst(%dma_wait3A_27 : memref<1264x16xf32, #tpu.memory_space<hbm>>)
      tpu.yield
    }) : () -> ()
    return
  }
}

#map = affine_map<(d0, d1) -> (0, 0)>
#map1 = affine_map<(d0, d1) -> (0, 0, 0)>
module attributes {stable_mosaic.version = 14 : i64} {
  func.func @_agg_kernel(%arg0: i32, %arg1: i32, %arg2: memref<10000x128xf32, #tpu.memory_space<hbm>>, %arg3: memref<32x80x128xi32, #tpu.memory_space<hbm>>, %arg4: memref<32x80x128xi32, #tpu.memory_space<hbm>>, %arg5: memref<632x128xf32, #tpu.memory_space<hbm>>, %arg6: memref<2x10112x128xf32, #tpu.memory_space<hbm>>, %arg7: memref<2x128xi32, #tpu.memory_space<vmem>>, %arg8: memref<80x128xi32, #tpu.memory_space<vmem>>, %arg9: memref<128x128xf32, #tpu.memory_space<vmem>>, %arg10: memref<128x128xf32, #tpu.memory_space<vmem>>, %arg11: memref<!tpu.dma_semaphore, #tpu.memory_space<semaphore_mem>>, %arg12: memref<!tpu.dma_semaphore, #tpu.memory_space<semaphore_mem>>, %arg13: memref<!tpu.dma_semaphore, #tpu.memory_space<semaphore_mem>>, %arg14: memref<!tpu.dma_semaphore, #tpu.memory_space<semaphore_mem>>, %arg15: memref<!tpu.dma_semaphore, #tpu.memory_space<semaphore_mem>>, %arg16: memref<!tpu.dma_semaphore, #tpu.memory_space<semaphore_mem>>, %arg17: memref<10112x128xf32, #tpu.memory_space<vmem_shared>>) attributes {dimension_semantics = [#tpu.dimension_semantics<core_parallel>, #tpu.dimension_semantics<subcore_parallel>], iteration_bounds = array<i64: 2, 16>, scalar_prefetch = 0 : i64, scratch_operands = 11 : i64, tpu.core_type = #tpu.core_type<sc_vector_subcore>, window_params = [{transform_indices = #map}, {transform_indices = #map1}, {transform_indices = #map1}, {transform_indices = #map}, {transform_indices = #map1}]} {
    %mul3A = arith.constant 16 : i32
    %mul3A_0 = arith.muli %arg0, %mul3A : i32
    %add3A = arith.addi %mul3A_0, %arg1 : i32
    %mul3A_1 = arith.constant 632 : i32
    %mul3A_2 = arith.muli %arg1, %mul3A_1 : i32
    "tpu.region"() ({
      %run_scoped3A = tpu.sem_alloc : memref<!tpu.dma_semaphore, #tpu.memory_space<semaphore_mem>>
      %dma_start3A_62 = arith.constant 0 : i32
      %dma_start3A_63 = tpu.memref_slice %arg17[%mul3A_2, %dma_start3A_62] : memref<10112x128xf32, #tpu.memory_space<vmem_shared>> -> memref<632x128xf32, #tpu.memory_space<vmem_shared>>
      tpu.enqueue_dma source(%arg5 : memref<632x128xf32, #tpu.memory_space<hbm>>) target(%dma_start3A_63 : memref<632x128xf32, #tpu.memory_space<vmem_shared>>) target_semaphore(%run_scoped3A : memref<!tpu.dma_semaphore, #tpu.memory_space<semaphore_mem>>)
      %dma_wait3A_64 = arith.constant 0 : i32
      %dma_wait3A_65 = tpu.memref_slice %arg17[%mul3A_2, %dma_wait3A_64] : memref<10112x128xf32, #tpu.memory_space<vmem_shared>> -> memref<632x128xf32, #tpu.memory_space<vmem_shared>>
      tpu.wait_dma2 semaphore(%run_scoped3A : memref<!tpu.dma_semaphore, #tpu.memory_space<semaphore_mem>>) src(%arg5 : memref<632x128xf32, #tpu.memory_space<hbm>>) dst(%dma_wait3A_65 : memref<632x128xf32, #tpu.memory_space<vmem_shared>>)
      tpu.yield
    }) : () -> ()
    "tpu.region"() ({
      %run_scoped3A = tpu.sem_alloc : memref<!tpu.dma_semaphore, #tpu.memory_space<semaphore_mem>>
      %dma_start3A_62 = arith.constant 0 : i32
      %dma_start3A_63 = arith.constant 0 : i32
      %dma_start3A_64 = tpu.memref_slice %arg4[%add3A, %dma_start3A_62, %dma_start3A_63] : memref<32x80x128xi32, #tpu.memory_space<hbm>> -> memref<1x80x128xi32, #tpu.memory_space<hbm>>
      %dma_start3A_65 = tpu.memref_squeeze %dma_start3A_64 : memref<1x80x128xi32, #tpu.memory_space<hbm>> -> memref<80x128xi32, #tpu.memory_space<hbm>>
      %dma_start3A_66 = arith.constant 0 : i32
      %dma_start3A_67 = arith.constant 0 : i32
      %dma_start3A_68 = tpu.memref_slice %arg4[%add3A, %dma_start3A_66, %dma_start3A_67] : memref<32x80x128xi32, #tpu.memory_space<hbm>> -> memref<1x80x128xi32, #tpu.memory_space<hbm>>
      %dma_start3A_69 = tpu.memref_squeeze %dma_start3A_68 : memref<1x80x128xi32, #tpu.memory_space<hbm>> -> memref<80x128xi32, #tpu.memory_space<hbm>>
      tpu.enqueue_dma source(%dma_start3A_69 : memref<80x128xi32, #tpu.memory_space<hbm>>) target(%arg8 : memref<80x128xi32, #tpu.memory_space<vmem>>) target_semaphore(%run_scoped3A : memref<!tpu.dma_semaphore, #tpu.memory_space<semaphore_mem>>)
      %dma_wait3A_70 = arith.constant 0 : i32
      %dma_wait3A_71 = arith.constant 0 : i32
      %dma_wait3A_72 = tpu.memref_slice %arg4[%add3A, %dma_wait3A_70, %dma_wait3A_71] : memref<32x80x128xi32, #tpu.memory_space<hbm>> -> memref<1x80x128xi32, #tpu.memory_space<hbm>>
      %dma_wait3A_73 = tpu.memref_squeeze %dma_wait3A_72 : memref<1x80x128xi32, #tpu.memory_space<hbm>> -> memref<80x128xi32, #tpu.memory_space<hbm>>
      %dma_wait3A_74 = arith.constant 0 : i32
      %dma_wait3A_75 = arith.constant 0 : i32
      %dma_wait3A_76 = tpu.memref_slice %arg4[%add3A, %dma_wait3A_74, %dma_wait3A_75] : memref<32x80x128xi32, #tpu.memory_space<hbm>> -> memref<1x80x128xi32, #tpu.memory_space<hbm>>
      %dma_wait3A_77 = tpu.memref_squeeze %dma_wait3A_76 : memref<1x80x128xi32, #tpu.memory_space<hbm>> -> memref<80x128xi32, #tpu.memory_space<hbm>>
      tpu.wait_dma2 semaphore(%run_scoped3A : memref<!tpu.dma_semaphore, #tpu.memory_space<semaphore_mem>>) src(%dma_wait3A_77 : memref<80x128xi32, #tpu.memory_space<hbm>>) dst(%arg8 : memref<80x128xi32, #tpu.memory_space<vmem>>)
      tpu.yield
    }) : () -> ()
    %barrier3A = arith.constant 0 : index
    tpu.barrier barrier_id(%barrier3A)
    %dma_start3A = arith.constant 0 : i32
    %dma_start3A_3 = arith.constant 0 : i32
    %dma_start3A_4 = arith.constant 0 : i32
    %dma_start3A_5 = tpu.memref_slice %arg7[%dma_start3A_3, %dma_start3A_4] : memref<2x128xi32, #tpu.memory_space<vmem>> -> memref<1x128xi32, #tpu.memory_space<vmem>>
    %dma_start3A_6 = tpu.memref_squeeze %dma_start3A_5 : memref<1x128xi32, #tpu.memory_space<vmem>> -> memref<128xi32, #tpu.memory_space<vmem>>
    %dma_start3A_7 = arith.constant 0 : i32
    %dma_start3A_8 = tpu.memref_slice %arg3[%add3A, %dma_start3A, %dma_start3A_7] : memref<32x80x128xi32, #tpu.memory_space<hbm>> -> memref<1x1x128xi32, #tpu.memory_space<hbm>>
    %dma_start3A_9 = tpu.memref_squeeze %dma_start3A_8 : memref<1x1x128xi32, #tpu.memory_space<hbm>> -> memref<128xi32, #tpu.memory_space<hbm>>
    %dma_start3A_10 = arith.constant 0 : i32
    %dma_start3A_11 = tpu.memref_slice %arg7[%dma_start3A_3, %dma_start3A_10] : memref<2x128xi32, #tpu.memory_space<vmem>> -> memref<1x128xi32, #tpu.memory_space<vmem>>
    %dma_start3A_12 = tpu.memref_squeeze %dma_start3A_11 : memref<1x128xi32, #tpu.memory_space<vmem>> -> memref<128xi32, #tpu.memory_space<vmem>>
    %dma_start3A_13 = arith.constant 0 : i32
    %dma_start3A_14 = tpu.memref_slice %arg3[%add3A, %dma_start3A, %dma_start3A_13] : memref<32x80x128xi32, #tpu.memory_space<hbm>> -> memref<1x1x128xi32, #tpu.memory_space<hbm>>
    %dma_start3A_15 = tpu.memref_squeeze %dma_start3A_14 : memref<1x1x128xi32, #tpu.memory_space<hbm>> -> memref<128xi32, #tpu.memory_space<hbm>>
    tpu.enqueue_dma source(%dma_start3A_15 : memref<128xi32, #tpu.memory_space<hbm>>) target(%dma_start3A_12 : memref<128xi32, #tpu.memory_space<vmem>>) target_semaphore(%arg11 : memref<!tpu.dma_semaphore, #tpu.memory_space<semaphore_mem>>)
    %dma_wait3A = arith.constant 0 : i32
    %dma_wait3A_16 = arith.constant 0 : i32
    %dma_wait3A_17 = arith.constant 0 : i32
    %dma_wait3A_18 = tpu.memref_slice %arg7[%dma_wait3A_16, %dma_wait3A_17] : memref<2x128xi32, #tpu.memory_space<vmem>> -> memref<1x128xi32, #tpu.memory_space<vmem>>
    %dma_wait3A_19 = tpu.memref_squeeze %dma_wait3A_18 : memref<1x128xi32, #tpu.memory_space<vmem>> -> memref<128xi32, #tpu.memory_space<vmem>>
    %dma_wait3A_20 = arith.constant 0 : i32
    %dma_wait3A_21 = tpu.memref_slice %arg3[%add3A, %dma_wait3A, %dma_wait3A_20] : memref<32x80x128xi32, #tpu.memory_space<hbm>> -> memref<1x1x128xi32, #tpu.memory_space<hbm>>
    %dma_wait3A_22 = tpu.memref_squeeze %dma_wait3A_21 : memref<1x1x128xi32, #tpu.memory_space<hbm>> -> memref<128xi32, #tpu.memory_space<hbm>>
    %dma_wait3A_23 = arith.constant 0 : i32
    %dma_wait3A_24 = tpu.memref_slice %arg7[%dma_wait3A_16, %dma_wait3A_23] : memref<2x128xi32, #tpu.memory_space<vmem>> -> memref<1x128xi32, #tpu.memory_space<vmem>>
    %dma_wait3A_25 = tpu.memref_squeeze %dma_wait3A_24 : memref<1x128xi32, #tpu.memory_space<vmem>> -> memref<128xi32, #tpu.memory_space<vmem>>
    %dma_wait3A_26 = arith.constant 0 : i32
    %dma_wait3A_27 = tpu.memref_slice %arg3[%add3A, %dma_wait3A, %dma_wait3A_26] : memref<32x80x128xi32, #tpu.memory_space<hbm>> -> memref<1x1x128xi32, #tpu.memory_space<hbm>>
    %dma_wait3A_28 = tpu.memref_squeeze %dma_wait3A_27 : memref<1x1x128xi32, #tpu.memory_space<hbm>> -> memref<128xi32, #tpu.memory_space<hbm>>
    tpu.wait_dma2 semaphore(%arg11 : memref<!tpu.dma_semaphore, #tpu.memory_space<semaphore_mem>>) src(%dma_wait3A_28 : memref<128xi32, #tpu.memory_space<hbm>>) dst(%dma_wait3A_25 : memref<128xi32, #tpu.memory_space<vmem>>)
    %dma_start3A_29 = arith.constant 0 : i32
    %dma_start3A_30 = arith.constant 0 : i32
    %dma_start3A_31 = tpu.memref_slice %arg7[%dma_start3A_29, %dma_start3A_30] : memref<2x128xi32, #tpu.memory_space<vmem>> -> memref<1x128xi32, #tpu.memory_space<vmem>>
    %dma_start3A_32 = tpu.memref_squeeze %dma_start3A_31 : memref<1x128xi32, #tpu.memory_space<vmem>> -> memref<128xi32, #tpu.memory_space<vmem>>
    %dma_start3A_33 = arith.constant 0 : i32
    %dma_start3A_34 = arith.constant 0 : i32
    %dma_start3A_35 = tpu.memref_slice %arg2[%dma_start3A_33, %dma_start3A_34] : memref<10000x128xf32, #tpu.memory_space<hbm>> -> memref<10000x128xf32, #tpu.memory_space<hbm>>
    tpu.enqueue_indirect_dma source(%dma_start3A_35 : memref<10000x128xf32, #tpu.memory_space<hbm>>) target(%arg9 : memref<128x128xf32, #tpu.memory_space<vmem>>) offsets(%dma_start3A_32 : memref<128xi32, #tpu.memory_space<vmem>>) semaphore(%arg13 : memref<!tpu.dma_semaphore, #tpu.memory_space<semaphore_mem>>)
    %dma_start3A_36 = arith.constant 1 : i32
    %dma_start3A_37 = arith.constant 1 : i32
    %dma_start3A_38 = arith.constant 0 : i32
    %dma_start3A_39 = tpu.memref_slice %arg7[%dma_start3A_37, %dma_start3A_38] : memref<2x128xi32, #tpu.memory_space<vmem>> -> memref<1x128xi32, #tpu.memory_space<vmem>>
    %dma_start3A_40 = tpu.memref_squeeze %dma_start3A_39 : memref<1x128xi32, #tpu.memory_space<vmem>> -> memref<128xi32, #tpu.memory_space<vmem>>
    %dma_start3A_41 = arith.constant 0 : i32
    %dma_start3A_42 = tpu.memref_slice %arg3[%add3A, %dma_start3A_36, %dma_start3A_41] : memref<32x80x128xi32, #tpu.memory_space<hbm>> -> memref<1x1x128xi32, #tpu.memory_space<hbm>>
    %dma_start3A_43 = tpu.memref_squeeze %dma_start3A_42 : memref<1x1x128xi32, #tpu.memory_space<hbm>> -> memref<128xi32, #tpu.memory_space<hbm>>
    %dma_start3A_44 = arith.constant 0 : i32
    %dma_start3A_45 = tpu.memref_slice %arg7[%dma_start3A_37, %dma_start3A_44] : memref<2x128xi32, #tpu.memory_space<vmem>> -> memref<1x128xi32, #tpu.memory_space<vmem>>
    %dma_start3A_46 = tpu.memref_squeeze %dma_start3A_45 : memref<1x128xi32, #tpu.memory_space<vmem>> -> memref<128xi32, #tpu.memory_space<vmem>>
    %dma_start3A_47 = arith.constant 0 : i32
    %dma_start3A_48 = tpu.memref_slice %arg3[%add3A, %dma_start3A_36, %dma_start3A_47] : memref<32x80x128xi32, #tpu.memory_space<hbm>> -> memref<1x1x128xi32, #tpu.memory_space<hbm>>
    %dma_start3A_49 = tpu.memref_squeeze %dma_start3A_48 : memref<1x1x128xi32, #tpu.memory_space<hbm>> -> memref<128xi32, #tpu.memory_space<hbm>>
    tpu.enqueue_dma source(%dma_start3A_49 : memref<128xi32, #tpu.memory_space<hbm>>) target(%dma_start3A_46 : memref<128xi32, #tpu.memory_space<vmem>>) target_semaphore(%arg12 : memref<!tpu.dma_semaphore, #tpu.memory_space<semaphore_mem>>)
    %scan3A = arith.constant 0 : i32
    %scan3A_50 = arith.constant 40 : i32
    %scan3A_51 = arith.addi %scan3A, %scan3A_50 : i32
    %scan3A_52 = arith.constant 1 : i32
    scf.for %scan3A_62 = %scan3A to %scan3A_51 step %scan3A_52  : i32 {
      %mul3A_63 = arith.constant 2 : i32
      %mul3A_64 = arith.muli %scan3A_62, %mul3A_63 : i32
      %add3A_65 = arith.constant 0 : i32
      %add3A_66 = arith.addi %add3A_65, %mul3A_64 : i32
      %gt3A = arith.constant 0 : i32
      %gt3A_67 = arith.cmpi sgt, %add3A_66, %gt3A : i32
      %convert_element_type3A = arith.extui %gt3A_67 : i1 to i32
      %cond3A = arith.constant 0 : i32
      %cond3A_68 = arith.cmpi ne, %convert_element_type3A, %cond3A : i32
      scf.if %cond3A_68 {
        %dma_wait3A_145 = arith.constant 0 : i32
        %dma_wait3A_146 = tpu.memref_slice %arg8[%add3A_66, %dma_wait3A_145] : memref<80x128xi32, #tpu.memory_space<vmem>> -> memref<1x128xi32, #tpu.memory_space<vmem>>
        %dma_wait3A_147 = tpu.memref_squeeze %dma_wait3A_146 : memref<1x128xi32, #tpu.memory_space<vmem>> -> memref<128xi32, #tpu.memory_space<vmem>>
        %dma_wait3A_148 = arith.constant 0 : i32
        %dma_wait3A_149 = arith.constant 0 : i32
        %dma_wait3A_150 = tpu.memref_slice %arg17[%dma_wait3A_148, %dma_wait3A_149] : memref<10112x128xf32, #tpu.memory_space<vmem_shared>> -> memref<10112x128xf32, #tpu.memory_space<vmem_shared>>
        tpu.wait_indirect_dma semaphore(%arg16 : memref<!tpu.dma_semaphore, #tpu.memory_space<semaphore_mem>>) src(%arg10 : memref<128x128xf32, #tpu.memory_space<vmem>>) dst(%dma_wait3A_150 : memref<10112x128xf32, #tpu.memory_space<vmem_shared>>)
      } else {
      }
      %dma_wait3A_69 = arith.constant 0 : i32
      %dma_wait3A_70 = arith.constant 0 : i32
      %dma_wait3A_71 = tpu.memref_slice %arg7[%dma_wait3A_69, %dma_wait3A_70] : memref<2x128xi32, #tpu.memory_space<vmem>> -> memref<1x128xi32, #tpu.memory_space<vmem>>
      %dma_wait3A_72 = tpu.memref_squeeze %dma_wait3A_71 : memref<1x128xi32, #tpu.memory_space<vmem>> -> memref<128xi32, #tpu.memory_space<vmem>>
      %dma_wait3A_73 = arith.constant 0 : i32
      %dma_wait3A_74 = arith.constant 0 : i32
      %dma_wait3A_75 = tpu.memref_slice %arg2[%dma_wait3A_73, %dma_wait3A_74] : memref<10000x128xf32, #tpu.memory_space<hbm>> -> memref<10000x128xf32, #tpu.memory_space<hbm>>
      tpu.wait_indirect_dma semaphore(%arg13 : memref<!tpu.dma_semaphore, #tpu.memory_space<semaphore_mem>>) src(%dma_wait3A_75 : memref<10000x128xf32, #tpu.memory_space<hbm>>) dst(%arg9 : memref<128x128xf32, #tpu.memory_space<vmem>>)
      %add3A_76 = arith.constant 1 : i32
      %add3A_77 = arith.addi %add3A_66, %add3A_76 : i32
      %dma_wait3A_78 = arith.constant 1 : i32
      %dma_wait3A_79 = arith.constant 0 : i32
      %dma_wait3A_80 = tpu.memref_slice %arg7[%dma_wait3A_78, %dma_wait3A_79] : memref<2x128xi32, #tpu.memory_space<vmem>> -> memref<1x128xi32, #tpu.memory_space<vmem>>
      %dma_wait3A_81 = tpu.memref_squeeze %dma_wait3A_80 : memref<1x128xi32, #tpu.memory_space<vmem>> -> memref<128xi32, #tpu.memory_space<vmem>>
      %dma_wait3A_82 = arith.constant 0 : i32
      %dma_wait3A_83 = tpu.memref_slice %arg3[%add3A, %add3A_77, %dma_wait3A_82] : memref<32x80x128xi32, #tpu.memory_space<hbm>> -> memref<1x1x128xi32, #tpu.memory_space<hbm>>
      %dma_wait3A_84 = tpu.memref_squeeze %dma_wait3A_83 : memref<1x1x128xi32, #tpu.memory_space<hbm>> -> memref<128xi32, #tpu.memory_space<hbm>>
      %dma_wait3A_85 = arith.constant 0 : i32
      %dma_wait3A_86 = tpu.memref_slice %arg7[%dma_wait3A_78, %dma_wait3A_85] : memref<2x128xi32, #tpu.memory_space<vmem>> -> memref<1x128xi32, #tpu.memory_space<vmem>>
      %dma_wait3A_87 = tpu.memref_squeeze %dma_wait3A_86 : memref<1x128xi32, #tpu.memory_space<vmem>> -> memref<128xi32, #tpu.memory_space<vmem>>
      %dma_wait3A_88 = arith.constant 0 : i32
      %dma_wait3A_89 = tpu.memref_slice %arg3[%add3A, %add3A_77, %dma_wait3A_88] : memref<32x80x128xi32, #tpu.memory_space<hbm>> -> memref<1x1x128xi32, #tpu.memory_space<hbm>>
      %dma_wait3A_90 = tpu.memref_squeeze %dma_wait3A_89 : memref<1x1x128xi32, #tpu.memory_space<hbm>> -> memref<128xi32, #tpu.memory_space<hbm>>
      tpu.wait_dma2 semaphore(%arg12 : memref<!tpu.dma_semaphore, #tpu.memory_space<semaphore_mem>>) src(%dma_wait3A_90 : memref<128xi32, #tpu.memory_space<hbm>>) dst(%dma_wait3A_87 : memref<128xi32, #tpu.memory_space<vmem>>)
      %dma_start3A_91 = arith.constant 1 : i32
      %dma_start3A_92 = arith.constant 0 : i32
      %dma_start3A_93 = tpu.memref_slice %arg7[%dma_start3A_91, %dma_start3A_92] : memref<2x128xi32, #tpu.memory_space<vmem>> -> memref<1x128xi32, #tpu.memory_space<vmem>>
      %dma_start3A_94 = tpu.memref_squeeze %dma_start3A_93 : memref<1x128xi32, #tpu.memory_space<vmem>> -> memref<128xi32, #tpu.memory_space<vmem>>
      %dma_start3A_95 = arith.constant 0 : i32
      %dma_start3A_96 = arith.constant 0 : i32
      %dma_start3A_97 = tpu.memref_slice %arg2[%dma_start3A_95, %dma_start3A_96] : memref<10000x128xf32, #tpu.memory_space<hbm>> -> memref<10000x128xf32, #tpu.memory_space<hbm>>
      tpu.enqueue_indirect_dma source(%dma_start3A_97 : memref<10000x128xf32, #tpu.memory_space<hbm>>) target(%arg10 : memref<128x128xf32, #tpu.memory_space<vmem>>) offsets(%dma_start3A_94 : memref<128xi32, #tpu.memory_space<vmem>>) semaphore(%arg14 : memref<!tpu.dma_semaphore, #tpu.memory_space<semaphore_mem>>)
      %dma_start3A_98 = arith.constant 0 : i32
      %dma_start3A_99 = tpu.memref_slice %arg8[%add3A_66, %dma_start3A_98] : memref<80x128xi32, #tpu.memory_space<vmem>> -> memref<1x128xi32, #tpu.memory_space<vmem>>
      %dma_start3A_100 = tpu.memref_squeeze %dma_start3A_99 : memref<1x128xi32, #tpu.memory_space<vmem>> -> memref<128xi32, #tpu.memory_space<vmem>>
      %dma_start3A_101 = arith.constant 0 : i32
      %dma_start3A_102 = arith.constant 0 : i32
      %dma_start3A_103 = tpu.memref_slice %arg17[%dma_start3A_101, %dma_start3A_102] : memref<10112x128xf32, #tpu.memory_space<vmem_shared>> -> memref<10112x128xf32, #tpu.memory_space<vmem_shared>>
      tpu.enqueue_indirect_dma source(%arg9 : memref<128x128xf32, #tpu.memory_space<vmem>>) target(%dma_start3A_103 : memref<10112x128xf32, #tpu.memory_space<vmem_shared>>) offsets(%dma_start3A_100 : memref<128xi32, #tpu.memory_space<vmem>>) semaphore(%arg15 : memref<!tpu.dma_semaphore, #tpu.memory_space<semaphore_mem>>) {add = true}
      %add3A_104 = arith.constant 2 : i32
      %add3A_105 = arith.addi %add3A_66, %add3A_104 : i32
      %lt3A = arith.constant 80 : i32
      %lt3A_106 = arith.cmpi slt, %add3A_105, %lt3A : i32
      %convert_element_type3A_107 = arith.extui %lt3A_106 : i1 to i32
      %cond3A_108 = arith.constant 0 : i32
      %cond3A_109 = arith.cmpi ne, %convert_element_type3A_107, %cond3A_108 : i32
      scf.if %cond3A_109 {
        %add3A_145 = arith.constant 2 : i32
        %add3A_146 = arith.addi %add3A_66, %add3A_145 : i32
        %dma_start3A_147 = arith.constant 0 : i32
        %dma_start3A_148 = arith.constant 0 : i32
        %dma_start3A_149 = tpu.memref_slice %arg7[%dma_start3A_147, %dma_start3A_148] : memref<2x128xi32, #tpu.memory_space<vmem>> -> memref<1x128xi32, #tpu.memory_space<vmem>>
        %dma_start3A_150 = tpu.memref_squeeze %dma_start3A_149 : memref<1x128xi32, #tpu.memory_space<vmem>> -> memref<128xi32, #tpu.memory_space<vmem>>
        %dma_start3A_151 = arith.constant 0 : i32
        %dma_start3A_152 = tpu.memref_slice %arg3[%add3A, %add3A_146, %dma_start3A_151] : memref<32x80x128xi32, #tpu.memory_space<hbm>> -> memref<1x1x128xi32, #tpu.memory_space<hbm>>
        %dma_start3A_153 = tpu.memref_squeeze %dma_start3A_152 : memref<1x1x128xi32, #tpu.memory_space<hbm>> -> memref<128xi32, #tpu.memory_space<hbm>>
        %dma_start3A_154 = arith.constant 0 : i32
        %dma_start3A_155 = tpu.memref_slice %arg7[%dma_start3A_147, %dma_start3A_154] : memref<2x128xi32, #tpu.memory_space<vmem>> -> memref<1x128xi32, #tpu.memory_space<vmem>>
        %dma_start3A_156 = tpu.memref_squeeze %dma_start3A_155 : memref<1x128xi32, #tpu.memory_space<vmem>> -> memref<128xi32, #tpu.memory_space<vmem>>
        %dma_start3A_157 = arith.constant 0 : i32
        %dma_start3A_158 = tpu.memref_slice %arg3[%add3A, %add3A_146, %dma_start3A_157] : memref<32x80x128xi32, #tpu.memory_space<hbm>> -> memref<1x1x128xi32, #tpu.memory_space<hbm>>
        %dma_start3A_159 = tpu.memref_squeeze %dma_start3A_158 : memref<1x1x128xi32, #tpu.memory_space<hbm>> -> memref<128xi32, #tpu.memory_space<hbm>>
        tpu.enqueue_dma source(%dma_start3A_159 : memref<128xi32, #tpu.memory_space<hbm>>) target(%dma_start3A_156 : memref<128xi32, #tpu.memory_space<vmem>>) target_semaphore(%arg11 : memref<!tpu.dma_semaphore, #tpu.memory_space<semaphore_mem>>)
      } else {
      }
      %dma_wait3A_110 = arith.constant 1 : i32
      %dma_wait3A_111 = arith.constant 0 : i32
      %dma_wait3A_112 = tpu.memref_slice %arg7[%dma_wait3A_110, %dma_wait3A_111] : memref<2x128xi32, #tpu.memory_space<vmem>> -> memref<1x128xi32, #tpu.memory_space<vmem>>
      %dma_wait3A_113 = tpu.memref_squeeze %dma_wait3A_112 : memref<1x128xi32, #tpu.memory_space<vmem>> -> memref<128xi32, #tpu.memory_space<vmem>>
      %dma_wait3A_114 = arith.constant 0 : i32
      %dma_wait3A_115 = arith.constant 0 : i32
      %dma_wait3A_116 = tpu.memref_slice %arg2[%dma_wait3A_114, %dma_wait3A_115] : memref<10000x128xf32, #tpu.memory_space<hbm>> -> memref<10000x128xf32, #tpu.memory_space<hbm>>
      tpu.wait_indirect_dma semaphore(%arg14 : memref<!tpu.dma_semaphore, #tpu.memory_space<semaphore_mem>>) src(%dma_wait3A_116 : memref<10000x128xf32, #tpu.memory_space<hbm>>) dst(%arg10 : memref<128x128xf32, #tpu.memory_space<vmem>>)
      %dma_wait3A_117 = arith.constant 0 : i32
      %dma_wait3A_118 = tpu.memref_slice %arg8[%add3A_66, %dma_wait3A_117] : memref<80x128xi32, #tpu.memory_space<vmem>> -> memref<1x128xi32, #tpu.memory_space<vmem>>
      %dma_wait3A_119 = tpu.memref_squeeze %dma_wait3A_118 : memref<1x128xi32, #tpu.memory_space<vmem>> -> memref<128xi32, #tpu.memory_space<vmem>>
      %dma_wait3A_120 = arith.constant 0 : i32
      %dma_wait3A_121 = arith.constant 0 : i32
      %dma_wait3A_122 = tpu.memref_slice %arg17[%dma_wait3A_120, %dma_wait3A_121] : memref<10112x128xf32, #tpu.memory_space<vmem_shared>> -> memref<10112x128xf32, #tpu.memory_space<vmem_shared>>
      tpu.wait_indirect_dma semaphore(%arg15 : memref<!tpu.dma_semaphore, #tpu.memory_space<semaphore_mem>>) src(%arg9 : memref<128x128xf32, #tpu.memory_space<vmem>>) dst(%dma_wait3A_122 : memref<10112x128xf32, #tpu.memory_space<vmem_shared>>)
      %add3A_123 = arith.constant 2 : i32
      %add3A_124 = arith.addi %add3A_66, %add3A_123 : i32
      %lt3A_125 = arith.constant 80 : i32
      %lt3A_126 = arith.cmpi slt, %add3A_124, %lt3A_125 : i32
      %convert_element_type3A_127 = arith.extui %lt3A_126 : i1 to i32
      %cond3A_128 = arith.constant 0 : i32
      %cond3A_129 = arith.cmpi ne, %convert_element_type3A_127, %cond3A_128 : i32
      scf.if %cond3A_129 {
        %add3A_145 = arith.constant 2 : i32
        %add3A_146 = arith.addi %add3A_66, %add3A_145 : i32
        %dma_wait3A_147 = arith.constant 0 : i32
        %dma_wait3A_148 = arith.constant 0 : i32
        %dma_wait3A_149 = tpu.memref_slice %arg7[%dma_wait3A_147, %dma_wait3A_148] : memref<2x128xi32, #tpu.memory_space<vmem>> -> memref<1x128xi32, #tpu.memory_space<vmem>>
        %dma_wait3A_150 = tpu.memref_squeeze %dma_wait3A_149 : memref<1x128xi32, #tpu.memory_space<vmem>> -> memref<128xi32, #tpu.memory_space<vmem>>
        %dma_wait3A_151 = arith.constant 0 : i32
        %dma_wait3A_152 = tpu.memref_slice %arg3[%add3A, %add3A_146, %dma_wait3A_151] : memref<32x80x128xi32, #tpu.memory_space<hbm>> -> memref<1x1x128xi32, #tpu.memory_space<hbm>>
        %dma_wait3A_153 = tpu.memref_squeeze %dma_wait3A_152 : memref<1x1x128xi32, #tpu.memory_space<hbm>> -> memref<128xi32, #tpu.memory_space<hbm>>
        %dma_wait3A_154 = arith.constant 0 : i32
        %dma_wait3A_155 = tpu.memref_slice %arg7[%dma_wait3A_147, %dma_wait3A_154] : memref<2x128xi32, #tpu.memory_space<vmem>> -> memref<1x128xi32, #tpu.memory_space<vmem>>
        %dma_wait3A_156 = tpu.memref_squeeze %dma_wait3A_155 : memref<1x128xi32, #tpu.memory_space<vmem>> -> memref<128xi32, #tpu.memory_space<vmem>>
        %dma_wait3A_157 = arith.constant 0 : i32
        %dma_wait3A_158 = tpu.memref_slice %arg3[%add3A, %add3A_146, %dma_wait3A_157] : memref<32x80x128xi32, #tpu.memory_space<hbm>> -> memref<1x1x128xi32, #tpu.memory_space<hbm>>
        %dma_wait3A_159 = tpu.memref_squeeze %dma_wait3A_158 : memref<1x1x128xi32, #tpu.memory_space<hbm>> -> memref<128xi32, #tpu.memory_space<hbm>>
        tpu.wait_dma2 semaphore(%arg11 : memref<!tpu.dma_semaphore, #tpu.memory_space<semaphore_mem>>) src(%dma_wait3A_159 : memref<128xi32, #tpu.memory_space<hbm>>) dst(%dma_wait3A_156 : memref<128xi32, #tpu.memory_space<vmem>>)
        %dma_start3A_160 = arith.constant 0 : i32
        %dma_start3A_161 = arith.constant 0 : i32
        %dma_start3A_162 = tpu.memref_slice %arg7[%dma_start3A_160, %dma_start3A_161] : memref<2x128xi32, #tpu.memory_space<vmem>> -> memref<1x128xi32, #tpu.memory_space<vmem>>
        %dma_start3A_163 = tpu.memref_squeeze %dma_start3A_162 : memref<1x128xi32, #tpu.memory_space<vmem>> -> memref<128xi32, #tpu.memory_space<vmem>>
        %dma_start3A_164 = arith.constant 0 : i32
        %dma_start3A_165 = arith.constant 0 : i32
        %dma_start3A_166 = tpu.memref_slice %arg2[%dma_start3A_164, %dma_start3A_165] : memref<10000x128xf32, #tpu.memory_space<hbm>> -> memref<10000x128xf32, #tpu.memory_space<hbm>>
        tpu.enqueue_indirect_dma source(%dma_start3A_166 : memref<10000x128xf32, #tpu.memory_space<hbm>>) target(%arg9 : memref<128x128xf32, #tpu.memory_space<vmem>>) offsets(%dma_start3A_163 : memref<128xi32, #tpu.memory_space<vmem>>) semaphore(%arg13 : memref<!tpu.dma_semaphore, #tpu.memory_space<semaphore_mem>>)
      } else {
      }
      %add3A_130 = arith.constant 1 : i32
      %add3A_131 = arith.addi %add3A_66, %add3A_130 : i32
      %dma_start3A_132 = arith.constant 0 : i32
      %dma_start3A_133 = tpu.memref_slice %arg8[%add3A_131, %dma_start3A_132] : memref<80x128xi32, #tpu.memory_space<vmem>> -> memref<1x128xi32, #tpu.memory_space<vmem>>
      %dma_start3A_134 = tpu.memref_squeeze %dma_start3A_133 : memref<1x128xi32, #tpu.memory_space<vmem>> -> memref<128xi32, #tpu.memory_space<vmem>>
      %dma_start3A_135 = arith.constant 0 : i32
      %dma_start3A_136 = arith.constant 0 : i32
      %dma_start3A_137 = tpu.memref_slice %arg17[%dma_start3A_135, %dma_start3A_136] : memref<10112x128xf32, #tpu.memory_space<vmem_shared>> -> memref<10112x128xf32, #tpu.memory_space<vmem_shared>>
      tpu.enqueue_indirect_dma source(%arg10 : memref<128x128xf32, #tpu.memory_space<vmem>>) target(%dma_start3A_137 : memref<10112x128xf32, #tpu.memory_space<vmem_shared>>) offsets(%dma_start3A_134 : memref<128xi32, #tpu.memory_space<vmem>>) semaphore(%arg16 : memref<!tpu.dma_semaphore, #tpu.memory_space<semaphore_mem>>) {add = true}
      %add3A_138 = arith.constant 3 : i32
      %add3A_139 = arith.addi %add3A_66, %add3A_138 : i32
      %lt3A_140 = arith.constant 80 : i32
      %lt3A_141 = arith.cmpi slt, %add3A_139, %lt3A_140 : i32
      %convert_element_type3A_142 = arith.extui %lt3A_141 : i1 to i32
      %cond3A_143 = arith.constant 0 : i32
      %cond3A_144 = arith.cmpi ne, %convert_element_type3A_142, %cond3A_143 : i32
      scf.if %cond3A_144 {
        %add3A_145 = arith.constant 3 : i32
        %add3A_146 = arith.addi %add3A_66, %add3A_145 : i32
        %dma_start3A_147 = arith.constant 1 : i32
        %dma_start3A_148 = arith.constant 0 : i32
        %dma_start3A_149 = tpu.memref_slice %arg7[%dma_start3A_147, %dma_start3A_148] : memref<2x128xi32, #tpu.memory_space<vmem>> -> memref<1x128xi32, #tpu.memory_space<vmem>>
        %dma_start3A_150 = tpu.memref_squeeze %dma_start3A_149 : memref<1x128xi32, #tpu.memory_space<vmem>> -> memref<128xi32, #tpu.memory_space<vmem>>
        %dma_start3A_151 = arith.constant 0 : i32
        %dma_start3A_152 = tpu.memref_slice %arg3[%add3A, %add3A_146, %dma_start3A_151] : memref<32x80x128xi32, #tpu.memory_space<hbm>> -> memref<1x1x128xi32, #tpu.memory_space<hbm>>
        %dma_start3A_153 = tpu.memref_squeeze %dma_start3A_152 : memref<1x1x128xi32, #tpu.memory_space<hbm>> -> memref<128xi32, #tpu.memory_space<hbm>>
        %dma_start3A_154 = arith.constant 0 : i32
        %dma_start3A_155 = tpu.memref_slice %arg7[%dma_start3A_147, %dma_start3A_154] : memref<2x128xi32, #tpu.memory_space<vmem>> -> memref<1x128xi32, #tpu.memory_space<vmem>>
        %dma_start3A_156 = tpu.memref_squeeze %dma_start3A_155 : memref<1x128xi32, #tpu.memory_space<vmem>> -> memref<128xi32, #tpu.memory_space<vmem>>
        %dma_start3A_157 = arith.constant 0 : i32
        %dma_start3A_158 = tpu.memref_slice %arg3[%add3A, %add3A_146, %dma_start3A_157] : memref<32x80x128xi32, #tpu.memory_space<hbm>> -> memref<1x1x128xi32, #tpu.memory_space<hbm>>
        %dma_start3A_159 = tpu.memref_squeeze %dma_start3A_158 : memref<1x1x128xi32, #tpu.memory_space<hbm>> -> memref<128xi32, #tpu.memory_space<hbm>>
        tpu.enqueue_dma source(%dma_start3A_159 : memref<128xi32, #tpu.memory_space<hbm>>) target(%dma_start3A_156 : memref<128xi32, #tpu.memory_space<vmem>>) target_semaphore(%arg12 : memref<!tpu.dma_semaphore, #tpu.memory_space<semaphore_mem>>)
      } else {
      }
    }
    %scan3A_53 = arith.constant 40 : i32
    %dma_wait3A_54 = arith.constant 79 : i32
    %dma_wait3A_55 = arith.constant 0 : i32
    %dma_wait3A_56 = tpu.memref_slice %arg8[%dma_wait3A_54, %dma_wait3A_55] : memref<80x128xi32, #tpu.memory_space<vmem>> -> memref<1x128xi32, #tpu.memory_space<vmem>>
    %dma_wait3A_57 = tpu.memref_squeeze %dma_wait3A_56 : memref<1x128xi32, #tpu.memory_space<vmem>> -> memref<128xi32, #tpu.memory_space<vmem>>
    %dma_wait3A_58 = arith.constant 0 : i32
    %dma_wait3A_59 = arith.constant 0 : i32
    %dma_wait3A_60 = tpu.memref_slice %arg17[%dma_wait3A_58, %dma_wait3A_59] : memref<10112x128xf32, #tpu.memory_space<vmem_shared>> -> memref<10112x128xf32, #tpu.memory_space<vmem_shared>>
    tpu.wait_indirect_dma semaphore(%arg16 : memref<!tpu.dma_semaphore, #tpu.memory_space<semaphore_mem>>) src(%arg10 : memref<128x128xf32, #tpu.memory_space<vmem>>) dst(%dma_wait3A_60 : memref<10112x128xf32, #tpu.memory_space<vmem_shared>>)
    %barrier3A_61 = arith.constant 0 : index
    tpu.barrier barrier_id(%barrier3A_61)
    "tpu.region"() ({
      %run_scoped3A = tpu.sem_alloc : memref<!tpu.dma_semaphore, #tpu.memory_space<semaphore_mem>>
      %dma_start3A_62 = arith.constant 0 : i32
      %dma_start3A_63 = tpu.memref_slice %arg6[%arg0, %mul3A_2, %dma_start3A_62] : memref<2x10112x128xf32, #tpu.memory_space<hbm>> -> memref<1x632x128xf32, #tpu.memory_space<hbm>>
      %dma_start3A_64 = tpu.memref_squeeze %dma_start3A_63 : memref<1x632x128xf32, #tpu.memory_space<hbm>> -> memref<632x128xf32, #tpu.memory_space<hbm>>
      %dma_start3A_65 = arith.constant 0 : i32
      %dma_start3A_66 = tpu.memref_slice %arg17[%mul3A_2, %dma_start3A_65] : memref<10112x128xf32, #tpu.memory_space<vmem_shared>> -> memref<632x128xf32, #tpu.memory_space<vmem_shared>>
      tpu.enqueue_dma source(%dma_start3A_66 : memref<632x128xf32, #tpu.memory_space<vmem_shared>>) target(%dma_start3A_64 : memref<632x128xf32, #tpu.memory_space<hbm>>) target_semaphore(%run_scoped3A : memref<!tpu.dma_semaphore, #tpu.memory_space<semaphore_mem>>)
      %dma_wait3A_67 = arith.constant 0 : i32
      %dma_wait3A_68 = tpu.memref_slice %arg6[%arg0, %mul3A_2, %dma_wait3A_67] : memref<2x10112x128xf32, #tpu.memory_space<hbm>> -> memref<1x632x128xf32, #tpu.memory_space<hbm>>
      %dma_wait3A_69 = tpu.memref_squeeze %dma_wait3A_68 : memref<1x632x128xf32, #tpu.memory_space<hbm>> -> memref<632x128xf32, #tpu.memory_space<hbm>>
      %dma_wait3A_70 = arith.constant 0 : i32
      %dma_wait3A_71 = tpu.memref_slice %arg17[%mul3A_2, %dma_wait3A_70] : memref<10112x128xf32, #tpu.memory_space<vmem_shared>> -> memref<632x128xf32, #tpu.memory_space<vmem_shared>>
      tpu.wait_dma2 semaphore(%run_scoped3A : memref<!tpu.dma_semaphore, #tpu.memory_space<semaphore_mem>>) src(%dma_wait3A_71 : memref<632x128xf32, #tpu.memory_space<vmem_shared>>) dst(%dma_wait3A_69 : memref<632x128xf32, #tpu.memory_space<hbm>>)
      tpu.yield
    }) : () -> ()
    return
  }
}

#map = affine_map<(d0, d1) -> (0, 0)>
#map1 = affine_map<(d0, d1) -> (0, 0, 0)>
module attributes {stable_mosaic.version = 14 : i64} {
  func.func @_agg_kernel(%arg0: i32, %arg1: i32, %arg2: memref<10000x128xf32, #tpu.memory_space<hbm>>, %arg3: memref<32x80x128xi32, #tpu.memory_space<hbm>>, %arg4: memref<32x80x128xi32, #tpu.memory_space<hbm>>, %arg5: memref<632x128xf32, #tpu.memory_space<hbm>>, %arg6: memref<2x10112x128xf32, #tpu.memory_space<hbm>>, %arg7: memref<2x128xi32, #tpu.memory_space<vmem>>, %arg8: memref<80x128xi32, #tpu.memory_space<vmem>>, %arg9: memref<128x128xf32, #tpu.memory_space<vmem>>, %arg10: memref<128x128xf32, #tpu.memory_space<vmem>>, %arg11: memref<!tpu.dma_semaphore, #tpu.memory_space<semaphore_mem>>, %arg12: memref<!tpu.dma_semaphore, #tpu.memory_space<semaphore_mem>>, %arg13: memref<!tpu.dma_semaphore, #tpu.memory_space<semaphore_mem>>, %arg14: memref<!tpu.dma_semaphore, #tpu.memory_space<semaphore_mem>>, %arg15: memref<!tpu.dma_semaphore, #tpu.memory_space<semaphore_mem>>, %arg16: memref<!tpu.dma_semaphore, #tpu.memory_space<semaphore_mem>>, %arg17: memref<10112x128xf32, #tpu.memory_space<vmem_shared>>) attributes {dimension_semantics = [#tpu.dimension_semantics<core_parallel>, #tpu.dimension_semantics<subcore_parallel>], iteration_bounds = array<i64: 2, 16>, scalar_prefetch = 0 : i64, scratch_operands = 11 : i64, tpu.core_type = #tpu.core_type<sc_vector_subcore>, window_params = [{transform_indices = #map}, {transform_indices = #map1}, {transform_indices = #map1}, {transform_indices = #map}, {transform_indices = #map1}]} {
    %mul3A = arith.constant 16 : i32
    %mul3A_0 = arith.muli %arg0, %mul3A : i32
    %add3A = arith.addi %mul3A_0, %arg1 : i32
    %mul3A_1 = arith.constant 632 : i32
    %mul3A_2 = arith.muli %arg1, %mul3A_1 : i32
    "tpu.region"() ({
      %run_scoped3A = tpu.sem_alloc : memref<!tpu.dma_semaphore, #tpu.memory_space<semaphore_mem>>
      %dma_start3A_62 = arith.constant 0 : i32
      %dma_start3A_63 = tpu.memref_slice %arg17[%mul3A_2, %dma_start3A_62] : memref<10112x128xf32, #tpu.memory_space<vmem_shared>> -> memref<632x128xf32, #tpu.memory_space<vmem_shared>>
      tpu.enqueue_dma source(%arg5 : memref<632x128xf32, #tpu.memory_space<hbm>>) target(%dma_start3A_63 : memref<632x128xf32, #tpu.memory_space<vmem_shared>>) target_semaphore(%run_scoped3A : memref<!tpu.dma_semaphore, #tpu.memory_space<semaphore_mem>>)
      %dma_wait3A_64 = arith.constant 0 : i32
      %dma_wait3A_65 = tpu.memref_slice %arg17[%mul3A_2, %dma_wait3A_64] : memref<10112x128xf32, #tpu.memory_space<vmem_shared>> -> memref<632x128xf32, #tpu.memory_space<vmem_shared>>
      tpu.wait_dma2 semaphore(%run_scoped3A : memref<!tpu.dma_semaphore, #tpu.memory_space<semaphore_mem>>) src(%arg5 : memref<632x128xf32, #tpu.memory_space<hbm>>) dst(%dma_wait3A_65 : memref<632x128xf32, #tpu.memory_space<vmem_shared>>)
      tpu.yield
    }) : () -> ()
    "tpu.region"() ({
      %run_scoped3A = tpu.sem_alloc : memref<!tpu.dma_semaphore, #tpu.memory_space<semaphore_mem>>
      %dma_start3A_62 = arith.constant 0 : i32
      %dma_start3A_63 = arith.constant 0 : i32
      %dma_start3A_64 = tpu.memref_slice %arg4[%add3A, %dma_start3A_62, %dma_start3A_63] : memref<32x80x128xi32, #tpu.memory_space<hbm>> -> memref<1x80x128xi32, #tpu.memory_space<hbm>>
      %dma_start3A_65 = tpu.memref_squeeze %dma_start3A_64 : memref<1x80x128xi32, #tpu.memory_space<hbm>> -> memref<80x128xi32, #tpu.memory_space<hbm>>
      %dma_start3A_66 = arith.constant 0 : i32
      %dma_start3A_67 = arith.constant 0 : i32
      %dma_start3A_68 = tpu.memref_slice %arg4[%add3A, %dma_start3A_66, %dma_start3A_67] : memref<32x80x128xi32, #tpu.memory_space<hbm>> -> memref<1x80x128xi32, #tpu.memory_space<hbm>>
      %dma_start3A_69 = tpu.memref_squeeze %dma_start3A_68 : memref<1x80x128xi32, #tpu.memory_space<hbm>> -> memref<80x128xi32, #tpu.memory_space<hbm>>
      tpu.enqueue_dma source(%dma_start3A_69 : memref<80x128xi32, #tpu.memory_space<hbm>>) target(%arg8 : memref<80x128xi32, #tpu.memory_space<vmem>>) target_semaphore(%run_scoped3A : memref<!tpu.dma_semaphore, #tpu.memory_space<semaphore_mem>>)
      %dma_wait3A_70 = arith.constant 0 : i32
      %dma_wait3A_71 = arith.constant 0 : i32
      %dma_wait3A_72 = tpu.memref_slice %arg4[%add3A, %dma_wait3A_70, %dma_wait3A_71] : memref<32x80x128xi32, #tpu.memory_space<hbm>> -> memref<1x80x128xi32, #tpu.memory_space<hbm>>
      %dma_wait3A_73 = tpu.memref_squeeze %dma_wait3A_72 : memref<1x80x128xi32, #tpu.memory_space<hbm>> -> memref<80x128xi32, #tpu.memory_space<hbm>>
      %dma_wait3A_74 = arith.constant 0 : i32
      %dma_wait3A_75 = arith.constant 0 : i32
      %dma_wait3A_76 = tpu.memref_slice %arg4[%add3A, %dma_wait3A_74, %dma_wait3A_75] : memref<32x80x128xi32, #tpu.memory_space<hbm>> -> memref<1x80x128xi32, #tpu.memory_space<hbm>>
      %dma_wait3A_77 = tpu.memref_squeeze %dma_wait3A_76 : memref<1x80x128xi32, #tpu.memory_space<hbm>> -> memref<80x128xi32, #tpu.memory_space<hbm>>
      tpu.wait_dma2 semaphore(%run_scoped3A : memref<!tpu.dma_semaphore, #tpu.memory_space<semaphore_mem>>) src(%dma_wait3A_77 : memref<80x128xi32, #tpu.memory_space<hbm>>) dst(%arg8 : memref<80x128xi32, #tpu.memory_space<vmem>>)
      tpu.yield
    }) : () -> ()
    %barrier3A = arith.constant 0 : index
    tpu.barrier barrier_id(%barrier3A)
    %dma_start3A = arith.constant 0 : i32
    %dma_start3A_3 = arith.constant 0 : i32
    %dma_start3A_4 = arith.constant 0 : i32
    %dma_start3A_5 = tpu.memref_slice %arg7[%dma_start3A_3, %dma_start3A_4] : memref<2x128xi32, #tpu.memory_space<vmem>> -> memref<1x128xi32, #tpu.memory_space<vmem>>
    %dma_start3A_6 = tpu.memref_squeeze %dma_start3A_5 : memref<1x128xi32, #tpu.memory_space<vmem>> -> memref<128xi32, #tpu.memory_space<vmem>>
    %dma_start3A_7 = arith.constant 0 : i32
    %dma_start3A_8 = tpu.memref_slice %arg3[%add3A, %dma_start3A, %dma_start3A_7] : memref<32x80x128xi32, #tpu.memory_space<hbm>> -> memref<1x1x128xi32, #tpu.memory_space<hbm>>
    %dma_start3A_9 = tpu.memref_squeeze %dma_start3A_8 : memref<1x1x128xi32, #tpu.memory_space<hbm>> -> memref<128xi32, #tpu.memory_space<hbm>>
    %dma_start3A_10 = arith.constant 0 : i32
    %dma_start3A_11 = tpu.memref_slice %arg7[%dma_start3A_3, %dma_start3A_10] : memref<2x128xi32, #tpu.memory_space<vmem>> -> memref<1x128xi32, #tpu.memory_space<vmem>>
    %dma_start3A_12 = tpu.memref_squeeze %dma_start3A_11 : memref<1x128xi32, #tpu.memory_space<vmem>> -> memref<128xi32, #tpu.memory_space<vmem>>
    %dma_start3A_13 = arith.constant 0 : i32
    %dma_start3A_14 = tpu.memref_slice %arg3[%add3A, %dma_start3A, %dma_start3A_13] : memref<32x80x128xi32, #tpu.memory_space<hbm>> -> memref<1x1x128xi32, #tpu.memory_space<hbm>>
    %dma_start3A_15 = tpu.memref_squeeze %dma_start3A_14 : memref<1x1x128xi32, #tpu.memory_space<hbm>> -> memref<128xi32, #tpu.memory_space<hbm>>
    tpu.enqueue_dma source(%dma_start3A_15 : memref<128xi32, #tpu.memory_space<hbm>>) target(%dma_start3A_12 : memref<128xi32, #tpu.memory_space<vmem>>) target_semaphore(%arg11 : memref<!tpu.dma_semaphore, #tpu.memory_space<semaphore_mem>>)
    %dma_wait3A = arith.constant 0 : i32
    %dma_wait3A_16 = arith.constant 0 : i32
    %dma_wait3A_17 = arith.constant 0 : i32
    %dma_wait3A_18 = tpu.memref_slice %arg7[%dma_wait3A_16, %dma_wait3A_17] : memref<2x128xi32, #tpu.memory_space<vmem>> -> memref<1x128xi32, #tpu.memory_space<vmem>>
    %dma_wait3A_19 = tpu.memref_squeeze %dma_wait3A_18 : memref<1x128xi32, #tpu.memory_space<vmem>> -> memref<128xi32, #tpu.memory_space<vmem>>
    %dma_wait3A_20 = arith.constant 0 : i32
    %dma_wait3A_21 = tpu.memref_slice %arg3[%add3A, %dma_wait3A, %dma_wait3A_20] : memref<32x80x128xi32, #tpu.memory_space<hbm>> -> memref<1x1x128xi32, #tpu.memory_space<hbm>>
    %dma_wait3A_22 = tpu.memref_squeeze %dma_wait3A_21 : memref<1x1x128xi32, #tpu.memory_space<hbm>> -> memref<128xi32, #tpu.memory_space<hbm>>
    %dma_wait3A_23 = arith.constant 0 : i32
    %dma_wait3A_24 = tpu.memref_slice %arg7[%dma_wait3A_16, %dma_wait3A_23] : memref<2x128xi32, #tpu.memory_space<vmem>> -> memref<1x128xi32, #tpu.memory_space<vmem>>
    %dma_wait3A_25 = tpu.memref_squeeze %dma_wait3A_24 : memref<1x128xi32, #tpu.memory_space<vmem>> -> memref<128xi32, #tpu.memory_space<vmem>>
    %dma_wait3A_26 = arith.constant 0 : i32
    %dma_wait3A_27 = tpu.memref_slice %arg3[%add3A, %dma_wait3A, %dma_wait3A_26] : memref<32x80x128xi32, #tpu.memory_space<hbm>> -> memref<1x1x128xi32, #tpu.memory_space<hbm>>
    %dma_wait3A_28 = tpu.memref_squeeze %dma_wait3A_27 : memref<1x1x128xi32, #tpu.memory_space<hbm>> -> memref<128xi32, #tpu.memory_space<hbm>>
    tpu.wait_dma2 semaphore(%arg11 : memref<!tpu.dma_semaphore, #tpu.memory_space<semaphore_mem>>) src(%dma_wait3A_28 : memref<128xi32, #tpu.memory_space<hbm>>) dst(%dma_wait3A_25 : memref<128xi32, #tpu.memory_space<vmem>>)
    %dma_start3A_29 = arith.constant 0 : i32
    %dma_start3A_30 = arith.constant 0 : i32
    %dma_start3A_31 = tpu.memref_slice %arg7[%dma_start3A_29, %dma_start3A_30] : memref<2x128xi32, #tpu.memory_space<vmem>> -> memref<1x128xi32, #tpu.memory_space<vmem>>
    %dma_start3A_32 = tpu.memref_squeeze %dma_start3A_31 : memref<1x128xi32, #tpu.memory_space<vmem>> -> memref<128xi32, #tpu.memory_space<vmem>>
    %dma_start3A_33 = arith.constant 0 : i32
    %dma_start3A_34 = arith.constant 0 : i32
    %dma_start3A_35 = tpu.memref_slice %arg2[%dma_start3A_33, %dma_start3A_34] : memref<10000x128xf32, #tpu.memory_space<hbm>> -> memref<10000x128xf32, #tpu.memory_space<hbm>>
    tpu.enqueue_indirect_dma source(%dma_start3A_35 : memref<10000x128xf32, #tpu.memory_space<hbm>>) target(%arg9 : memref<128x128xf32, #tpu.memory_space<vmem>>) offsets(%dma_start3A_32 : memref<128xi32, #tpu.memory_space<vmem>>) semaphore(%arg13 : memref<!tpu.dma_semaphore, #tpu.memory_space<semaphore_mem>>)
    %dma_start3A_36 = arith.constant 1 : i32
    %dma_start3A_37 = arith.constant 1 : i32
    %dma_start3A_38 = arith.constant 0 : i32
    %dma_start3A_39 = tpu.memref_slice %arg7[%dma_start3A_37, %dma_start3A_38] : memref<2x128xi32, #tpu.memory_space<vmem>> -> memref<1x128xi32, #tpu.memory_space<vmem>>
    %dma_start3A_40 = tpu.memref_squeeze %dma_start3A_39 : memref<1x128xi32, #tpu.memory_space<vmem>> -> memref<128xi32, #tpu.memory_space<vmem>>
    %dma_start3A_41 = arith.constant 0 : i32
    %dma_start3A_42 = tpu.memref_slice %arg3[%add3A, %dma_start3A_36, %dma_start3A_41] : memref<32x80x128xi32, #tpu.memory_space<hbm>> -> memref<1x1x128xi32, #tpu.memory_space<hbm>>
    %dma_start3A_43 = tpu.memref_squeeze %dma_start3A_42 : memref<1x1x128xi32, #tpu.memory_space<hbm>> -> memref<128xi32, #tpu.memory_space<hbm>>
    %dma_start3A_44 = arith.constant 0 : i32
    %dma_start3A_45 = tpu.memref_slice %arg7[%dma_start3A_37, %dma_start3A_44] : memref<2x128xi32, #tpu.memory_space<vmem>> -> memref<1x128xi32, #tpu.memory_space<vmem>>
    %dma_start3A_46 = tpu.memref_squeeze %dma_start3A_45 : memref<1x128xi32, #tpu.memory_space<vmem>> -> memref<128xi32, #tpu.memory_space<vmem>>
    %dma_start3A_47 = arith.constant 0 : i32
    %dma_start3A_48 = tpu.memref_slice %arg3[%add3A, %dma_start3A_36, %dma_start3A_47] : memref<32x80x128xi32, #tpu.memory_space<hbm>> -> memref<1x1x128xi32, #tpu.memory_space<hbm>>
    %dma_start3A_49 = tpu.memref_squeeze %dma_start3A_48 : memref<1x1x128xi32, #tpu.memory_space<hbm>> -> memref<128xi32, #tpu.memory_space<hbm>>
    tpu.enqueue_dma source(%dma_start3A_49 : memref<128xi32, #tpu.memory_space<hbm>>) target(%dma_start3A_46 : memref<128xi32, #tpu.memory_space<vmem>>) target_semaphore(%arg12 : memref<!tpu.dma_semaphore, #tpu.memory_space<semaphore_mem>>)
    %scan3A = arith.constant 0 : i32
    %scan3A_50 = arith.constant 40 : i32
    %scan3A_51 = arith.addi %scan3A, %scan3A_50 : i32
    %scan3A_52 = arith.constant 1 : i32
    scf.for %scan3A_62 = %scan3A to %scan3A_51 step %scan3A_52  : i32 {
      %mul3A_63 = arith.constant 2 : i32
      %mul3A_64 = arith.muli %scan3A_62, %mul3A_63 : i32
      %add3A_65 = arith.constant 0 : i32
      %add3A_66 = arith.addi %add3A_65, %mul3A_64 : i32
      %gt3A = arith.constant 0 : i32
      %gt3A_67 = arith.cmpi sgt, %add3A_66, %gt3A : i32
      %convert_element_type3A = arith.extui %gt3A_67 : i1 to i32
      %cond3A = arith.constant 0 : i32
      %cond3A_68 = arith.cmpi ne, %convert_element_type3A, %cond3A : i32
      scf.if %cond3A_68 {
        %dma_wait3A_145 = arith.constant 0 : i32
        %dma_wait3A_146 = tpu.memref_slice %arg8[%add3A_66, %dma_wait3A_145] : memref<80x128xi32, #tpu.memory_space<vmem>> -> memref<1x128xi32, #tpu.memory_space<vmem>>
        %dma_wait3A_147 = tpu.memref_squeeze %dma_wait3A_146 : memref<1x128xi32, #tpu.memory_space<vmem>> -> memref<128xi32, #tpu.memory_space<vmem>>
        %dma_wait3A_148 = arith.constant 0 : i32
        %dma_wait3A_149 = arith.constant 0 : i32
        %dma_wait3A_150 = tpu.memref_slice %arg17[%dma_wait3A_148, %dma_wait3A_149] : memref<10112x128xf32, #tpu.memory_space<vmem_shared>> -> memref<10112x128xf32, #tpu.memory_space<vmem_shared>>
        tpu.wait_indirect_dma semaphore(%arg16 : memref<!tpu.dma_semaphore, #tpu.memory_space<semaphore_mem>>) src(%arg10 : memref<128x128xf32, #tpu.memory_space<vmem>>) dst(%dma_wait3A_150 : memref<10112x128xf32, #tpu.memory_space<vmem_shared>>)
      } else {
      }
      %dma_wait3A_69 = arith.constant 0 : i32
      %dma_wait3A_70 = arith.constant 0 : i32
      %dma_wait3A_71 = tpu.memref_slice %arg7[%dma_wait3A_69, %dma_wait3A_70] : memref<2x128xi32, #tpu.memory_space<vmem>> -> memref<1x128xi32, #tpu.memory_space<vmem>>
      %dma_wait3A_72 = tpu.memref_squeeze %dma_wait3A_71 : memref<1x128xi32, #tpu.memory_space<vmem>> -> memref<128xi32, #tpu.memory_space<vmem>>
      %dma_wait3A_73 = arith.constant 0 : i32
      %dma_wait3A_74 = arith.constant 0 : i32
      %dma_wait3A_75 = tpu.memref_slice %arg2[%dma_wait3A_73, %dma_wait3A_74] : memref<10000x128xf32, #tpu.memory_space<hbm>> -> memref<10000x128xf32, #tpu.memory_space<hbm>>
      tpu.wait_indirect_dma semaphore(%arg13 : memref<!tpu.dma_semaphore, #tpu.memory_space<semaphore_mem>>) src(%dma_wait3A_75 : memref<10000x128xf32, #tpu.memory_space<hbm>>) dst(%arg9 : memref<128x128xf32, #tpu.memory_space<vmem>>)
      %add3A_76 = arith.constant 1 : i32
      %add3A_77 = arith.addi %add3A_66, %add3A_76 : i32
      %dma_wait3A_78 = arith.constant 1 : i32
      %dma_wait3A_79 = arith.constant 0 : i32
      %dma_wait3A_80 = tpu.memref_slice %arg7[%dma_wait3A_78, %dma_wait3A_79] : memref<2x128xi32, #tpu.memory_space<vmem>> -> memref<1x128xi32, #tpu.memory_space<vmem>>
      %dma_wait3A_81 = tpu.memref_squeeze %dma_wait3A_80 : memref<1x128xi32, #tpu.memory_space<vmem>> -> memref<128xi32, #tpu.memory_space<vmem>>
      %dma_wait3A_82 = arith.constant 0 : i32
      %dma_wait3A_83 = tpu.memref_slice %arg3[%add3A, %add3A_77, %dma_wait3A_82] : memref<32x80x128xi32, #tpu.memory_space<hbm>> -> memref<1x1x128xi32, #tpu.memory_space<hbm>>
      %dma_wait3A_84 = tpu.memref_squeeze %dma_wait3A_83 : memref<1x1x128xi32, #tpu.memory_space<hbm>> -> memref<128xi32, #tpu.memory_space<hbm>>
      %dma_wait3A_85 = arith.constant 0 : i32
      %dma_wait3A_86 = tpu.memref_slice %arg7[%dma_wait3A_78, %dma_wait3A_85] : memref<2x128xi32, #tpu.memory_space<vmem>> -> memref<1x128xi32, #tpu.memory_space<vmem>>
      %dma_wait3A_87 = tpu.memref_squeeze %dma_wait3A_86 : memref<1x128xi32, #tpu.memory_space<vmem>> -> memref<128xi32, #tpu.memory_space<vmem>>
      %dma_wait3A_88 = arith.constant 0 : i32
      %dma_wait3A_89 = tpu.memref_slice %arg3[%add3A, %add3A_77, %dma_wait3A_88] : memref<32x80x128xi32, #tpu.memory_space<hbm>> -> memref<1x1x128xi32, #tpu.memory_space<hbm>>
      %dma_wait3A_90 = tpu.memref_squeeze %dma_wait3A_89 : memref<1x1x128xi32, #tpu.memory_space<hbm>> -> memref<128xi32, #tpu.memory_space<hbm>>
      tpu.wait_dma2 semaphore(%arg12 : memref<!tpu.dma_semaphore, #tpu.memory_space<semaphore_mem>>) src(%dma_wait3A_90 : memref<128xi32, #tpu.memory_space<hbm>>) dst(%dma_wait3A_87 : memref<128xi32, #tpu.memory_space<vmem>>)
      %dma_start3A_91 = arith.constant 1 : i32
      %dma_start3A_92 = arith.constant 0 : i32
      %dma_start3A_93 = tpu.memref_slice %arg7[%dma_start3A_91, %dma_start3A_92] : memref<2x128xi32, #tpu.memory_space<vmem>> -> memref<1x128xi32, #tpu.memory_space<vmem>>
      %dma_start3A_94 = tpu.memref_squeeze %dma_start3A_93 : memref<1x128xi32, #tpu.memory_space<vmem>> -> memref<128xi32, #tpu.memory_space<vmem>>
      %dma_start3A_95 = arith.constant 0 : i32
      %dma_start3A_96 = arith.constant 0 : i32
      %dma_start3A_97 = tpu.memref_slice %arg2[%dma_start3A_95, %dma_start3A_96] : memref<10000x128xf32, #tpu.memory_space<hbm>> -> memref<10000x128xf32, #tpu.memory_space<hbm>>
      tpu.enqueue_indirect_dma source(%dma_start3A_97 : memref<10000x128xf32, #tpu.memory_space<hbm>>) target(%arg10 : memref<128x128xf32, #tpu.memory_space<vmem>>) offsets(%dma_start3A_94 : memref<128xi32, #tpu.memory_space<vmem>>) semaphore(%arg14 : memref<!tpu.dma_semaphore, #tpu.memory_space<semaphore_mem>>)
      %dma_start3A_98 = arith.constant 0 : i32
      %dma_start3A_99 = tpu.memref_slice %arg8[%add3A_66, %dma_start3A_98] : memref<80x128xi32, #tpu.memory_space<vmem>> -> memref<1x128xi32, #tpu.memory_space<vmem>>
      %dma_start3A_100 = tpu.memref_squeeze %dma_start3A_99 : memref<1x128xi32, #tpu.memory_space<vmem>> -> memref<128xi32, #tpu.memory_space<vmem>>
      %dma_start3A_101 = arith.constant 0 : i32
      %dma_start3A_102 = arith.constant 0 : i32
      %dma_start3A_103 = tpu.memref_slice %arg17[%dma_start3A_101, %dma_start3A_102] : memref<10112x128xf32, #tpu.memory_space<vmem_shared>> -> memref<10112x128xf32, #tpu.memory_space<vmem_shared>>
      tpu.enqueue_indirect_dma source(%arg9 : memref<128x128xf32, #tpu.memory_space<vmem>>) target(%dma_start3A_103 : memref<10112x128xf32, #tpu.memory_space<vmem_shared>>) offsets(%dma_start3A_100 : memref<128xi32, #tpu.memory_space<vmem>>) semaphore(%arg15 : memref<!tpu.dma_semaphore, #tpu.memory_space<semaphore_mem>>) {add = true}
      %add3A_104 = arith.constant 2 : i32
      %add3A_105 = arith.addi %add3A_66, %add3A_104 : i32
      %lt3A = arith.constant 80 : i32
      %lt3A_106 = arith.cmpi slt, %add3A_105, %lt3A : i32
      %convert_element_type3A_107 = arith.extui %lt3A_106 : i1 to i32
      %cond3A_108 = arith.constant 0 : i32
      %cond3A_109 = arith.cmpi ne, %convert_element_type3A_107, %cond3A_108 : i32
      scf.if %cond3A_109 {
        %add3A_145 = arith.constant 2 : i32
        %add3A_146 = arith.addi %add3A_66, %add3A_145 : i32
        %dma_start3A_147 = arith.constant 0 : i32
        %dma_start3A_148 = arith.constant 0 : i32
        %dma_start3A_149 = tpu.memref_slice %arg7[%dma_start3A_147, %dma_start3A_148] : memref<2x128xi32, #tpu.memory_space<vmem>> -> memref<1x128xi32, #tpu.memory_space<vmem>>
        %dma_start3A_150 = tpu.memref_squeeze %dma_start3A_149 : memref<1x128xi32, #tpu.memory_space<vmem>> -> memref<128xi32, #tpu.memory_space<vmem>>
        %dma_start3A_151 = arith.constant 0 : i32
        %dma_start3A_152 = tpu.memref_slice %arg3[%add3A, %add3A_146, %dma_start3A_151] : memref<32x80x128xi32, #tpu.memory_space<hbm>> -> memref<1x1x128xi32, #tpu.memory_space<hbm>>
        %dma_start3A_153 = tpu.memref_squeeze %dma_start3A_152 : memref<1x1x128xi32, #tpu.memory_space<hbm>> -> memref<128xi32, #tpu.memory_space<hbm>>
        %dma_start3A_154 = arith.constant 0 : i32
        %dma_start3A_155 = tpu.memref_slice %arg7[%dma_start3A_147, %dma_start3A_154] : memref<2x128xi32, #tpu.memory_space<vmem>> -> memref<1x128xi32, #tpu.memory_space<vmem>>
        %dma_start3A_156 = tpu.memref_squeeze %dma_start3A_155 : memref<1x128xi32, #tpu.memory_space<vmem>> -> memref<128xi32, #tpu.memory_space<vmem>>
        %dma_start3A_157 = arith.constant 0 : i32
        %dma_start3A_158 = tpu.memref_slice %arg3[%add3A, %add3A_146, %dma_start3A_157] : memref<32x80x128xi32, #tpu.memory_space<hbm>> -> memref<1x1x128xi32, #tpu.memory_space<hbm>>
        %dma_start3A_159 = tpu.memref_squeeze %dma_start3A_158 : memref<1x1x128xi32, #tpu.memory_space<hbm>> -> memref<128xi32, #tpu.memory_space<hbm>>
        tpu.enqueue_dma source(%dma_start3A_159 : memref<128xi32, #tpu.memory_space<hbm>>) target(%dma_start3A_156 : memref<128xi32, #tpu.memory_space<vmem>>) target_semaphore(%arg11 : memref<!tpu.dma_semaphore, #tpu.memory_space<semaphore_mem>>)
      } else {
      }
      %dma_wait3A_110 = arith.constant 1 : i32
      %dma_wait3A_111 = arith.constant 0 : i32
      %dma_wait3A_112 = tpu.memref_slice %arg7[%dma_wait3A_110, %dma_wait3A_111] : memref<2x128xi32, #tpu.memory_space<vmem>> -> memref<1x128xi32, #tpu.memory_space<vmem>>
      %dma_wait3A_113 = tpu.memref_squeeze %dma_wait3A_112 : memref<1x128xi32, #tpu.memory_space<vmem>> -> memref<128xi32, #tpu.memory_space<vmem>>
      %dma_wait3A_114 = arith.constant 0 : i32
      %dma_wait3A_115 = arith.constant 0 : i32
      %dma_wait3A_116 = tpu.memref_slice %arg2[%dma_wait3A_114, %dma_wait3A_115] : memref<10000x128xf32, #tpu.memory_space<hbm>> -> memref<10000x128xf32, #tpu.memory_space<hbm>>
      tpu.wait_indirect_dma semaphore(%arg14 : memref<!tpu.dma_semaphore, #tpu.memory_space<semaphore_mem>>) src(%dma_wait3A_116 : memref<10000x128xf32, #tpu.memory_space<hbm>>) dst(%arg10 : memref<128x128xf32, #tpu.memory_space<vmem>>)
      %dma_wait3A_117 = arith.constant 0 : i32
      %dma_wait3A_118 = tpu.memref_slice %arg8[%add3A_66, %dma_wait3A_117] : memref<80x128xi32, #tpu.memory_space<vmem>> -> memref<1x128xi32, #tpu.memory_space<vmem>>
      %dma_wait3A_119 = tpu.memref_squeeze %dma_wait3A_118 : memref<1x128xi32, #tpu.memory_space<vmem>> -> memref<128xi32, #tpu.memory_space<vmem>>
      %dma_wait3A_120 = arith.constant 0 : i32
      %dma_wait3A_121 = arith.constant 0 : i32
      %dma_wait3A_122 = tpu.memref_slice %arg17[%dma_wait3A_120, %dma_wait3A_121] : memref<10112x128xf32, #tpu.memory_space<vmem_shared>> -> memref<10112x128xf32, #tpu.memory_space<vmem_shared>>
      tpu.wait_indirect_dma semaphore(%arg15 : memref<!tpu.dma_semaphore, #tpu.memory_space<semaphore_mem>>) src(%arg9 : memref<128x128xf32, #tpu.memory_space<vmem>>) dst(%dma_wait3A_122 : memref<10112x128xf32, #tpu.memory_space<vmem_shared>>)
      %add3A_123 = arith.constant 2 : i32
      %add3A_124 = arith.addi %add3A_66, %add3A_123 : i32
      %lt3A_125 = arith.constant 80 : i32
      %lt3A_126 = arith.cmpi slt, %add3A_124, %lt3A_125 : i32
      %convert_element_type3A_127 = arith.extui %lt3A_126 : i1 to i32
      %cond3A_128 = arith.constant 0 : i32
      %cond3A_129 = arith.cmpi ne, %convert_element_type3A_127, %cond3A_128 : i32
      scf.if %cond3A_129 {
        %add3A_145 = arith.constant 2 : i32
        %add3A_146 = arith.addi %add3A_66, %add3A_145 : i32
        %dma_wait3A_147 = arith.constant 0 : i32
        %dma_wait3A_148 = arith.constant 0 : i32
        %dma_wait3A_149 = tpu.memref_slice %arg7[%dma_wait3A_147, %dma_wait3A_148] : memref<2x128xi32, #tpu.memory_space<vmem>> -> memref<1x128xi32, #tpu.memory_space<vmem>>
        %dma_wait3A_150 = tpu.memref_squeeze %dma_wait3A_149 : memref<1x128xi32, #tpu.memory_space<vmem>> -> memref<128xi32, #tpu.memory_space<vmem>>
        %dma_wait3A_151 = arith.constant 0 : i32
        %dma_wait3A_152 = tpu.memref_slice %arg3[%add3A, %add3A_146, %dma_wait3A_151] : memref<32x80x128xi32, #tpu.memory_space<hbm>> -> memref<1x1x128xi32, #tpu.memory_space<hbm>>
        %dma_wait3A_153 = tpu.memref_squeeze %dma_wait3A_152 : memref<1x1x128xi32, #tpu.memory_space<hbm>> -> memref<128xi32, #tpu.memory_space<hbm>>
        %dma_wait3A_154 = arith.constant 0 : i32
        %dma_wait3A_155 = tpu.memref_slice %arg7[%dma_wait3A_147, %dma_wait3A_154] : memref<2x128xi32, #tpu.memory_space<vmem>> -> memref<1x128xi32, #tpu.memory_space<vmem>>
        %dma_wait3A_156 = tpu.memref_squeeze %dma_wait3A_155 : memref<1x128xi32, #tpu.memory_space<vmem>> -> memref<128xi32, #tpu.memory_space<vmem>>
        %dma_wait3A_157 = arith.constant 0 : i32
        %dma_wait3A_158 = tpu.memref_slice %arg3[%add3A, %add3A_146, %dma_wait3A_157] : memref<32x80x128xi32, #tpu.memory_space<hbm>> -> memref<1x1x128xi32, #tpu.memory_space<hbm>>
        %dma_wait3A_159 = tpu.memref_squeeze %dma_wait3A_158 : memref<1x1x128xi32, #tpu.memory_space<hbm>> -> memref<128xi32, #tpu.memory_space<hbm>>
        tpu.wait_dma2 semaphore(%arg11 : memref<!tpu.dma_semaphore, #tpu.memory_space<semaphore_mem>>) src(%dma_wait3A_159 : memref<128xi32, #tpu.memory_space<hbm>>) dst(%dma_wait3A_156 : memref<128xi32, #tpu.memory_space<vmem>>)
        %dma_start3A_160 = arith.constant 0 : i32
        %dma_start3A_161 = arith.constant 0 : i32
        %dma_start3A_162 = tpu.memref_slice %arg7[%dma_start3A_160, %dma_start3A_161] : memref<2x128xi32, #tpu.memory_space<vmem>> -> memref<1x128xi32, #tpu.memory_space<vmem>>
        %dma_start3A_163 = tpu.memref_squeeze %dma_start3A_162 : memref<1x128xi32, #tpu.memory_space<vmem>> -> memref<128xi32, #tpu.memory_space<vmem>>
        %dma_start3A_164 = arith.constant 0 : i32
        %dma_start3A_165 = arith.constant 0 : i32
        %dma_start3A_166 = tpu.memref_slice %arg2[%dma_start3A_164, %dma_start3A_165] : memref<10000x128xf32, #tpu.memory_space<hbm>> -> memref<10000x128xf32, #tpu.memory_space<hbm>>
        tpu.enqueue_indirect_dma source(%dma_start3A_166 : memref<10000x128xf32, #tpu.memory_space<hbm>>) target(%arg9 : memref<128x128xf32, #tpu.memory_space<vmem>>) offsets(%dma_start3A_163 : memref<128xi32, #tpu.memory_space<vmem>>) semaphore(%arg13 : memref<!tpu.dma_semaphore, #tpu.memory_space<semaphore_mem>>)
      } else {
      }
      %add3A_130 = arith.constant 1 : i32
      %add3A_131 = arith.addi %add3A_66, %add3A_130 : i32
      %dma_start3A_132 = arith.constant 0 : i32
      %dma_start3A_133 = tpu.memref_slice %arg8[%add3A_131, %dma_start3A_132] : memref<80x128xi32, #tpu.memory_space<vmem>> -> memref<1x128xi32, #tpu.memory_space<vmem>>
      %dma_start3A_134 = tpu.memref_squeeze %dma_start3A_133 : memref<1x128xi32, #tpu.memory_space<vmem>> -> memref<128xi32, #tpu.memory_space<vmem>>
      %dma_start3A_135 = arith.constant 0 : i32
      %dma_start3A_136 = arith.constant 0 : i32
      %dma_start3A_137 = tpu.memref_slice %arg17[%dma_start3A_135, %dma_start3A_136] : memref<10112x128xf32, #tpu.memory_space<vmem_shared>> -> memref<10112x128xf32, #tpu.memory_space<vmem_shared>>
      tpu.enqueue_indirect_dma source(%arg10 : memref<128x128xf32, #tpu.memory_space<vmem>>) target(%dma_start3A_137 : memref<10112x128xf32, #tpu.memory_space<vmem_shared>>) offsets(%dma_start3A_134 : memref<128xi32, #tpu.memory_space<vmem>>) semaphore(%arg16 : memref<!tpu.dma_semaphore, #tpu.memory_space<semaphore_mem>>) {add = true}
      %add3A_138 = arith.constant 3 : i32
      %add3A_139 = arith.addi %add3A_66, %add3A_138 : i32
      %lt3A_140 = arith.constant 80 : i32
      %lt3A_141 = arith.cmpi slt, %add3A_139, %lt3A_140 : i32
      %convert_element_type3A_142 = arith.extui %lt3A_141 : i1 to i32
      %cond3A_143 = arith.constant 0 : i32
      %cond3A_144 = arith.cmpi ne, %convert_element_type3A_142, %cond3A_143 : i32
      scf.if %cond3A_144 {
        %add3A_145 = arith.constant 3 : i32
        %add3A_146 = arith.addi %add3A_66, %add3A_145 : i32
        %dma_start3A_147 = arith.constant 1 : i32
        %dma_start3A_148 = arith.constant 0 : i32
        %dma_start3A_149 = tpu.memref_slice %arg7[%dma_start3A_147, %dma_start3A_148] : memref<2x128xi32, #tpu.memory_space<vmem>> -> memref<1x128xi32, #tpu.memory_space<vmem>>
        %dma_start3A_150 = tpu.memref_squeeze %dma_start3A_149 : memref<1x128xi32, #tpu.memory_space<vmem>> -> memref<128xi32, #tpu.memory_space<vmem>>
        %dma_start3A_151 = arith.constant 0 : i32
        %dma_start3A_152 = tpu.memref_slice %arg3[%add3A, %add3A_146, %dma_start3A_151] : memref<32x80x128xi32, #tpu.memory_space<hbm>> -> memref<1x1x128xi32, #tpu.memory_space<hbm>>
        %dma_start3A_153 = tpu.memref_squeeze %dma_start3A_152 : memref<1x1x128xi32, #tpu.memory_space<hbm>> -> memref<128xi32, #tpu.memory_space<hbm>>
        %dma_start3A_154 = arith.constant 0 : i32
        %dma_start3A_155 = tpu.memref_slice %arg7[%dma_start3A_147, %dma_start3A_154] : memref<2x128xi32, #tpu.memory_space<vmem>> -> memref<1x128xi32, #tpu.memory_space<vmem>>
        %dma_start3A_156 = tpu.memref_squeeze %dma_start3A_155 : memref<1x128xi32, #tpu.memory_space<vmem>> -> memref<128xi32, #tpu.memory_space<vmem>>
        %dma_start3A_157 = arith.constant 0 : i32
        %dma_start3A_158 = tpu.memref_slice %arg3[%add3A, %add3A_146, %dma_start3A_157] : memref<32x80x128xi32, #tpu.memory_space<hbm>> -> memref<1x1x128xi32, #tpu.memory_space<hbm>>
        %dma_start3A_159 = tpu.memref_squeeze %dma_start3A_158 : memref<1x1x128xi32, #tpu.memory_space<hbm>> -> memref<128xi32, #tpu.memory_space<hbm>>
        tpu.enqueue_dma source(%dma_start3A_159 : memref<128xi32, #tpu.memory_space<hbm>>) target(%dma_start3A_156 : memref<128xi32, #tpu.memory_space<vmem>>) target_semaphore(%arg12 : memref<!tpu.dma_semaphore, #tpu.memory_space<semaphore_mem>>)
      } else {
      }
    }
    %scan3A_53 = arith.constant 40 : i32
    %dma_wait3A_54 = arith.constant 79 : i32
    %dma_wait3A_55 = arith.constant 0 : i32
    %dma_wait3A_56 = tpu.memref_slice %arg8[%dma_wait3A_54, %dma_wait3A_55] : memref<80x128xi32, #tpu.memory_space<vmem>> -> memref<1x128xi32, #tpu.memory_space<vmem>>
    %dma_wait3A_57 = tpu.memref_squeeze %dma_wait3A_56 : memref<1x128xi32, #tpu.memory_space<vmem>> -> memref<128xi32, #tpu.memory_space<vmem>>
    %dma_wait3A_58 = arith.constant 0 : i32
    %dma_wait3A_59 = arith.constant 0 : i32
    %dma_wait3A_60 = tpu.memref_slice %arg17[%dma_wait3A_58, %dma_wait3A_59] : memref<10112x128xf32, #tpu.memory_space<vmem_shared>> -> memref<10112x128xf32, #tpu.memory_space<vmem_shared>>
    tpu.wait_indirect_dma semaphore(%arg16 : memref<!tpu.dma_semaphore, #tpu.memory_space<semaphore_mem>>) src(%arg10 : memref<128x128xf32, #tpu.memory_space<vmem>>) dst(%dma_wait3A_60 : memref<10112x128xf32, #tpu.memory_space<vmem_shared>>)
    %barrier3A_61 = arith.constant 0 : index
    tpu.barrier barrier_id(%barrier3A_61)
    "tpu.region"() ({
      %run_scoped3A = tpu.sem_alloc : memref<!tpu.dma_semaphore, #tpu.memory_space<semaphore_mem>>
      %dma_start3A_62 = arith.constant 0 : i32
      %dma_start3A_63 = tpu.memref_slice %arg6[%arg0, %mul3A_2, %dma_start3A_62] : memref<2x10112x128xf32, #tpu.memory_space<hbm>> -> memref<1x632x128xf32, #tpu.memory_space<hbm>>
      %dma_start3A_64 = tpu.memref_squeeze %dma_start3A_63 : memref<1x632x128xf32, #tpu.memory_space<hbm>> -> memref<632x128xf32, #tpu.memory_space<hbm>>
      %dma_start3A_65 = arith.constant 0 : i32
      %dma_start3A_66 = tpu.memref_slice %arg17[%mul3A_2, %dma_start3A_65] : memref<10112x128xf32, #tpu.memory_space<vmem_shared>> -> memref<632x128xf32, #tpu.memory_space<vmem_shared>>
      tpu.enqueue_dma source(%dma_start3A_66 : memref<632x128xf32, #tpu.memory_space<vmem_shared>>) target(%dma_start3A_64 : memref<632x128xf32, #tpu.memory_space<hbm>>) target_semaphore(%run_scoped3A : memref<!tpu.dma_semaphore, #tpu.memory_space<semaphore_mem>>)
      %dma_wait3A_67 = arith.constant 0 : i32
      %dma_wait3A_68 = tpu.memref_slice %arg6[%arg0, %mul3A_2, %dma_wait3A_67] : memref<2x10112x128xf32, #tpu.memory_space<hbm>> -> memref<1x632x128xf32, #tpu.memory_space<hbm>>
      %dma_wait3A_69 = tpu.memref_squeeze %dma_wait3A_68 : memref<1x632x128xf32, #tpu.memory_space<hbm>> -> memref<632x128xf32, #tpu.memory_space<hbm>>
      %dma_wait3A_70 = arith.constant 0 : i32
      %dma_wait3A_71 = tpu.memref_slice %arg17[%mul3A_2, %dma_wait3A_70] : memref<10112x128xf32, #tpu.memory_space<vmem_shared>> -> memref<632x128xf32, #tpu.memory_space<vmem_shared>>
      tpu.wait_dma2 semaphore(%run_scoped3A : memref<!tpu.dma_semaphore, #tpu.memory_space<semaphore_mem>>) src(%dma_wait3A_71 : memref<632x128xf32, #tpu.memory_space<vmem_shared>>) dst(%dma_wait3A_69 : memref<632x128xf32, #tpu.memory_space<hbm>>)
      tpu.yield
    }) : () -> ()
    return
  }
}

#map = affine_map<(d0, d1) -> (0, 0)>
#map1 = affine_map<(d0, d1) -> (0, 0, 0)>
module attributes {stable_mosaic.version = 14 : i64} {
  func.func @_agg_kernel(%arg0: i32, %arg1: i32, %arg2: memref<10000x128xf32, #tpu.memory_space<hbm>>, %arg3: memref<32x80x128xi32, #tpu.memory_space<hbm>>, %arg4: memref<32x80x128xi32, #tpu.memory_space<hbm>>, %arg5: memref<632x128xf32, #tpu.memory_space<hbm>>, %arg6: memref<2x10112x128xf32, #tpu.memory_space<hbm>>, %arg7: memref<2x128xi32, #tpu.memory_space<vmem>>, %arg8: memref<80x128xi32, #tpu.memory_space<vmem>>, %arg9: memref<128x128xf32, #tpu.memory_space<vmem>>, %arg10: memref<128x128xf32, #tpu.memory_space<vmem>>, %arg11: memref<!tpu.dma_semaphore, #tpu.memory_space<semaphore_mem>>, %arg12: memref<!tpu.dma_semaphore, #tpu.memory_space<semaphore_mem>>, %arg13: memref<!tpu.dma_semaphore, #tpu.memory_space<semaphore_mem>>, %arg14: memref<!tpu.dma_semaphore, #tpu.memory_space<semaphore_mem>>, %arg15: memref<!tpu.dma_semaphore, #tpu.memory_space<semaphore_mem>>, %arg16: memref<!tpu.dma_semaphore, #tpu.memory_space<semaphore_mem>>, %arg17: memref<10112x128xf32, #tpu.memory_space<vmem_shared>>) attributes {dimension_semantics = [#tpu.dimension_semantics<core_parallel>, #tpu.dimension_semantics<subcore_parallel>], iteration_bounds = array<i64: 2, 16>, scalar_prefetch = 0 : i64, scratch_operands = 11 : i64, tpu.core_type = #tpu.core_type<sc_vector_subcore>, window_params = [{transform_indices = #map}, {transform_indices = #map1}, {transform_indices = #map1}, {transform_indices = #map}, {transform_indices = #map1}]} {
    %mul3A = arith.constant 16 : i32
    %mul3A_0 = arith.muli %arg0, %mul3A : i32
    %add3A = arith.addi %mul3A_0, %arg1 : i32
    %mul3A_1 = arith.constant 632 : i32
    %mul3A_2 = arith.muli %arg1, %mul3A_1 : i32
    "tpu.region"() ({
      %run_scoped3A = tpu.sem_alloc : memref<!tpu.dma_semaphore, #tpu.memory_space<semaphore_mem>>
      %dma_start3A_62 = arith.constant 0 : i32
      %dma_start3A_63 = tpu.memref_slice %arg17[%mul3A_2, %dma_start3A_62] : memref<10112x128xf32, #tpu.memory_space<vmem_shared>> -> memref<632x128xf32, #tpu.memory_space<vmem_shared>>
      tpu.enqueue_dma source(%arg5 : memref<632x128xf32, #tpu.memory_space<hbm>>) target(%dma_start3A_63 : memref<632x128xf32, #tpu.memory_space<vmem_shared>>) target_semaphore(%run_scoped3A : memref<!tpu.dma_semaphore, #tpu.memory_space<semaphore_mem>>)
      %dma_wait3A_64 = arith.constant 0 : i32
      %dma_wait3A_65 = tpu.memref_slice %arg17[%mul3A_2, %dma_wait3A_64] : memref<10112x128xf32, #tpu.memory_space<vmem_shared>> -> memref<632x128xf32, #tpu.memory_space<vmem_shared>>
      tpu.wait_dma2 semaphore(%run_scoped3A : memref<!tpu.dma_semaphore, #tpu.memory_space<semaphore_mem>>) src(%arg5 : memref<632x128xf32, #tpu.memory_space<hbm>>) dst(%dma_wait3A_65 : memref<632x128xf32, #tpu.memory_space<vmem_shared>>)
      tpu.yield
    }) : () -> ()
    "tpu.region"() ({
      %run_scoped3A = tpu.sem_alloc : memref<!tpu.dma_semaphore, #tpu.memory_space<semaphore_mem>>
      %dma_start3A_62 = arith.constant 0 : i32
      %dma_start3A_63 = arith.constant 0 : i32
      %dma_start3A_64 = tpu.memref_slice %arg4[%add3A, %dma_start3A_62, %dma_start3A_63] : memref<32x80x128xi32, #tpu.memory_space<hbm>> -> memref<1x80x128xi32, #tpu.memory_space<hbm>>
      %dma_start3A_65 = tpu.memref_squeeze %dma_start3A_64 : memref<1x80x128xi32, #tpu.memory_space<hbm>> -> memref<80x128xi32, #tpu.memory_space<hbm>>
      %dma_start3A_66 = arith.constant 0 : i32
      %dma_start3A_67 = arith.constant 0 : i32
      %dma_start3A_68 = tpu.memref_slice %arg4[%add3A, %dma_start3A_66, %dma_start3A_67] : memref<32x80x128xi32, #tpu.memory_space<hbm>> -> memref<1x80x128xi32, #tpu.memory_space<hbm>>
      %dma_start3A_69 = tpu.memref_squeeze %dma_start3A_68 : memref<1x80x128xi32, #tpu.memory_space<hbm>> -> memref<80x128xi32, #tpu.memory_space<hbm>>
      tpu.enqueue_dma source(%dma_start3A_69 : memref<80x128xi32, #tpu.memory_space<hbm>>) target(%arg8 : memref<80x128xi32, #tpu.memory_space<vmem>>) target_semaphore(%run_scoped3A : memref<!tpu.dma_semaphore, #tpu.memory_space<semaphore_mem>>)
      %dma_wait3A_70 = arith.constant 0 : i32
      %dma_wait3A_71 = arith.constant 0 : i32
      %dma_wait3A_72 = tpu.memref_slice %arg4[%add3A, %dma_wait3A_70, %dma_wait3A_71] : memref<32x80x128xi32, #tpu.memory_space<hbm>> -> memref<1x80x128xi32, #tpu.memory_space<hbm>>
      %dma_wait3A_73 = tpu.memref_squeeze %dma_wait3A_72 : memref<1x80x128xi32, #tpu.memory_space<hbm>> -> memref<80x128xi32, #tpu.memory_space<hbm>>
      %dma_wait3A_74 = arith.constant 0 : i32
      %dma_wait3A_75 = arith.constant 0 : i32
      %dma_wait3A_76 = tpu.memref_slice %arg4[%add3A, %dma_wait3A_74, %dma_wait3A_75] : memref<32x80x128xi32, #tpu.memory_space<hbm>> -> memref<1x80x128xi32, #tpu.memory_space<hbm>>
      %dma_wait3A_77 = tpu.memref_squeeze %dma_wait3A_76 : memref<1x80x128xi32, #tpu.memory_space<hbm>> -> memref<80x128xi32, #tpu.memory_space<hbm>>
      tpu.wait_dma2 semaphore(%run_scoped3A : memref<!tpu.dma_semaphore, #tpu.memory_space<semaphore_mem>>) src(%dma_wait3A_77 : memref<80x128xi32, #tpu.memory_space<hbm>>) dst(%arg8 : memref<80x128xi32, #tpu.memory_space<vmem>>)
      tpu.yield
    }) : () -> ()
    %barrier3A = arith.constant 0 : index
    tpu.barrier barrier_id(%barrier3A)
    %dma_start3A = arith.constant 0 : i32
    %dma_start3A_3 = arith.constant 0 : i32
    %dma_start3A_4 = arith.constant 0 : i32
    %dma_start3A_5 = tpu.memref_slice %arg7[%dma_start3A_3, %dma_start3A_4] : memref<2x128xi32, #tpu.memory_space<vmem>> -> memref<1x128xi32, #tpu.memory_space<vmem>>
    %dma_start3A_6 = tpu.memref_squeeze %dma_start3A_5 : memref<1x128xi32, #tpu.memory_space<vmem>> -> memref<128xi32, #tpu.memory_space<vmem>>
    %dma_start3A_7 = arith.constant 0 : i32
    %dma_start3A_8 = tpu.memref_slice %arg3[%add3A, %dma_start3A, %dma_start3A_7] : memref<32x80x128xi32, #tpu.memory_space<hbm>> -> memref<1x1x128xi32, #tpu.memory_space<hbm>>
    %dma_start3A_9 = tpu.memref_squeeze %dma_start3A_8 : memref<1x1x128xi32, #tpu.memory_space<hbm>> -> memref<128xi32, #tpu.memory_space<hbm>>
    %dma_start3A_10 = arith.constant 0 : i32
    %dma_start3A_11 = tpu.memref_slice %arg7[%dma_start3A_3, %dma_start3A_10] : memref<2x128xi32, #tpu.memory_space<vmem>> -> memref<1x128xi32, #tpu.memory_space<vmem>>
    %dma_start3A_12 = tpu.memref_squeeze %dma_start3A_11 : memref<1x128xi32, #tpu.memory_space<vmem>> -> memref<128xi32, #tpu.memory_space<vmem>>
    %dma_start3A_13 = arith.constant 0 : i32
    %dma_start3A_14 = tpu.memref_slice %arg3[%add3A, %dma_start3A, %dma_start3A_13] : memref<32x80x128xi32, #tpu.memory_space<hbm>> -> memref<1x1x128xi32, #tpu.memory_space<hbm>>
    %dma_start3A_15 = tpu.memref_squeeze %dma_start3A_14 : memref<1x1x128xi32, #tpu.memory_space<hbm>> -> memref<128xi32, #tpu.memory_space<hbm>>
    tpu.enqueue_dma source(%dma_start3A_15 : memref<128xi32, #tpu.memory_space<hbm>>) target(%dma_start3A_12 : memref<128xi32, #tpu.memory_space<vmem>>) target_semaphore(%arg11 : memref<!tpu.dma_semaphore, #tpu.memory_space<semaphore_mem>>)
    %dma_wait3A = arith.constant 0 : i32
    %dma_wait3A_16 = arith.constant 0 : i32
    %dma_wait3A_17 = arith.constant 0 : i32
    %dma_wait3A_18 = tpu.memref_slice %arg7[%dma_wait3A_16, %dma_wait3A_17] : memref<2x128xi32, #tpu.memory_space<vmem>> -> memref<1x128xi32, #tpu.memory_space<vmem>>
    %dma_wait3A_19 = tpu.memref_squeeze %dma_wait3A_18 : memref<1x128xi32, #tpu.memory_space<vmem>> -> memref<128xi32, #tpu.memory_space<vmem>>
    %dma_wait3A_20 = arith.constant 0 : i32
    %dma_wait3A_21 = tpu.memref_slice %arg3[%add3A, %dma_wait3A, %dma_wait3A_20] : memref<32x80x128xi32, #tpu.memory_space<hbm>> -> memref<1x1x128xi32, #tpu.memory_space<hbm>>
    %dma_wait3A_22 = tpu.memref_squeeze %dma_wait3A_21 : memref<1x1x128xi32, #tpu.memory_space<hbm>> -> memref<128xi32, #tpu.memory_space<hbm>>
    %dma_wait3A_23 = arith.constant 0 : i32
    %dma_wait3A_24 = tpu.memref_slice %arg7[%dma_wait3A_16, %dma_wait3A_23] : memref<2x128xi32, #tpu.memory_space<vmem>> -> memref<1x128xi32, #tpu.memory_space<vmem>>
    %dma_wait3A_25 = tpu.memref_squeeze %dma_wait3A_24 : memref<1x128xi32, #tpu.memory_space<vmem>> -> memref<128xi32, #tpu.memory_space<vmem>>
    %dma_wait3A_26 = arith.constant 0 : i32
    %dma_wait3A_27 = tpu.memref_slice %arg3[%add3A, %dma_wait3A, %dma_wait3A_26] : memref<32x80x128xi32, #tpu.memory_space<hbm>> -> memref<1x1x128xi32, #tpu.memory_space<hbm>>
    %dma_wait3A_28 = tpu.memref_squeeze %dma_wait3A_27 : memref<1x1x128xi32, #tpu.memory_space<hbm>> -> memref<128xi32, #tpu.memory_space<hbm>>
    tpu.wait_dma2 semaphore(%arg11 : memref<!tpu.dma_semaphore, #tpu.memory_space<semaphore_mem>>) src(%dma_wait3A_28 : memref<128xi32, #tpu.memory_space<hbm>>) dst(%dma_wait3A_25 : memref<128xi32, #tpu.memory_space<vmem>>)
    %dma_start3A_29 = arith.constant 0 : i32
    %dma_start3A_30 = arith.constant 0 : i32
    %dma_start3A_31 = tpu.memref_slice %arg7[%dma_start3A_29, %dma_start3A_30] : memref<2x128xi32, #tpu.memory_space<vmem>> -> memref<1x128xi32, #tpu.memory_space<vmem>>
    %dma_start3A_32 = tpu.memref_squeeze %dma_start3A_31 : memref<1x128xi32, #tpu.memory_space<vmem>> -> memref<128xi32, #tpu.memory_space<vmem>>
    %dma_start3A_33 = arith.constant 0 : i32
    %dma_start3A_34 = arith.constant 0 : i32
    %dma_start3A_35 = tpu.memref_slice %arg2[%dma_start3A_33, %dma_start3A_34] : memref<10000x128xf32, #tpu.memory_space<hbm>> -> memref<10000x128xf32, #tpu.memory_space<hbm>>
    tpu.enqueue_indirect_dma source(%dma_start3A_35 : memref<10000x128xf32, #tpu.memory_space<hbm>>) target(%arg9 : memref<128x128xf32, #tpu.memory_space<vmem>>) offsets(%dma_start3A_32 : memref<128xi32, #tpu.memory_space<vmem>>) semaphore(%arg13 : memref<!tpu.dma_semaphore, #tpu.memory_space<semaphore_mem>>)
    %dma_start3A_36 = arith.constant 1 : i32
    %dma_start3A_37 = arith.constant 1 : i32
    %dma_start3A_38 = arith.constant 0 : i32
    %dma_start3A_39 = tpu.memref_slice %arg7[%dma_start3A_37, %dma_start3A_38] : memref<2x128xi32, #tpu.memory_space<vmem>> -> memref<1x128xi32, #tpu.memory_space<vmem>>
    %dma_start3A_40 = tpu.memref_squeeze %dma_start3A_39 : memref<1x128xi32, #tpu.memory_space<vmem>> -> memref<128xi32, #tpu.memory_space<vmem>>
    %dma_start3A_41 = arith.constant 0 : i32
    %dma_start3A_42 = tpu.memref_slice %arg3[%add3A, %dma_start3A_36, %dma_start3A_41] : memref<32x80x128xi32, #tpu.memory_space<hbm>> -> memref<1x1x128xi32, #tpu.memory_space<hbm>>
    %dma_start3A_43 = tpu.memref_squeeze %dma_start3A_42 : memref<1x1x128xi32, #tpu.memory_space<hbm>> -> memref<128xi32, #tpu.memory_space<hbm>>
    %dma_start3A_44 = arith.constant 0 : i32
    %dma_start3A_45 = tpu.memref_slice %arg7[%dma_start3A_37, %dma_start3A_44] : memref<2x128xi32, #tpu.memory_space<vmem>> -> memref<1x128xi32, #tpu.memory_space<vmem>>
    %dma_start3A_46 = tpu.memref_squeeze %dma_start3A_45 : memref<1x128xi32, #tpu.memory_space<vmem>> -> memref<128xi32, #tpu.memory_space<vmem>>
    %dma_start3A_47 = arith.constant 0 : i32
    %dma_start3A_48 = tpu.memref_slice %arg3[%add3A, %dma_start3A_36, %dma_start3A_47] : memref<32x80x128xi32, #tpu.memory_space<hbm>> -> memref<1x1x128xi32, #tpu.memory_space<hbm>>
    %dma_start3A_49 = tpu.memref_squeeze %dma_start3A_48 : memref<1x1x128xi32, #tpu.memory_space<hbm>> -> memref<128xi32, #tpu.memory_space<hbm>>
    tpu.enqueue_dma source(%dma_start3A_49 : memref<128xi32, #tpu.memory_space<hbm>>) target(%dma_start3A_46 : memref<128xi32, #tpu.memory_space<vmem>>) target_semaphore(%arg12 : memref<!tpu.dma_semaphore, #tpu.memory_space<semaphore_mem>>)
    %scan3A = arith.constant 0 : i32
    %scan3A_50 = arith.constant 40 : i32
    %scan3A_51 = arith.addi %scan3A, %scan3A_50 : i32
    %scan3A_52 = arith.constant 1 : i32
    scf.for %scan3A_62 = %scan3A to %scan3A_51 step %scan3A_52  : i32 {
      %mul3A_63 = arith.constant 2 : i32
      %mul3A_64 = arith.muli %scan3A_62, %mul3A_63 : i32
      %add3A_65 = arith.constant 0 : i32
      %add3A_66 = arith.addi %add3A_65, %mul3A_64 : i32
      %gt3A = arith.constant 0 : i32
      %gt3A_67 = arith.cmpi sgt, %add3A_66, %gt3A : i32
      %convert_element_type3A = arith.extui %gt3A_67 : i1 to i32
      %cond3A = arith.constant 0 : i32
      %cond3A_68 = arith.cmpi ne, %convert_element_type3A, %cond3A : i32
      scf.if %cond3A_68 {
        %dma_wait3A_145 = arith.constant 0 : i32
        %dma_wait3A_146 = tpu.memref_slice %arg8[%add3A_66, %dma_wait3A_145] : memref<80x128xi32, #tpu.memory_space<vmem>> -> memref<1x128xi32, #tpu.memory_space<vmem>>
        %dma_wait3A_147 = tpu.memref_squeeze %dma_wait3A_146 : memref<1x128xi32, #tpu.memory_space<vmem>> -> memref<128xi32, #tpu.memory_space<vmem>>
        %dma_wait3A_148 = arith.constant 0 : i32
        %dma_wait3A_149 = arith.constant 0 : i32
        %dma_wait3A_150 = tpu.memref_slice %arg17[%dma_wait3A_148, %dma_wait3A_149] : memref<10112x128xf32, #tpu.memory_space<vmem_shared>> -> memref<10112x128xf32, #tpu.memory_space<vmem_shared>>
        tpu.wait_indirect_dma semaphore(%arg16 : memref<!tpu.dma_semaphore, #tpu.memory_space<semaphore_mem>>) src(%arg10 : memref<128x128xf32, #tpu.memory_space<vmem>>) dst(%dma_wait3A_150 : memref<10112x128xf32, #tpu.memory_space<vmem_shared>>)
      } else {
      }
      %dma_wait3A_69 = arith.constant 0 : i32
      %dma_wait3A_70 = arith.constant 0 : i32
      %dma_wait3A_71 = tpu.memref_slice %arg7[%dma_wait3A_69, %dma_wait3A_70] : memref<2x128xi32, #tpu.memory_space<vmem>> -> memref<1x128xi32, #tpu.memory_space<vmem>>
      %dma_wait3A_72 = tpu.memref_squeeze %dma_wait3A_71 : memref<1x128xi32, #tpu.memory_space<vmem>> -> memref<128xi32, #tpu.memory_space<vmem>>
      %dma_wait3A_73 = arith.constant 0 : i32
      %dma_wait3A_74 = arith.constant 0 : i32
      %dma_wait3A_75 = tpu.memref_slice %arg2[%dma_wait3A_73, %dma_wait3A_74] : memref<10000x128xf32, #tpu.memory_space<hbm>> -> memref<10000x128xf32, #tpu.memory_space<hbm>>
      tpu.wait_indirect_dma semaphore(%arg13 : memref<!tpu.dma_semaphore, #tpu.memory_space<semaphore_mem>>) src(%dma_wait3A_75 : memref<10000x128xf32, #tpu.memory_space<hbm>>) dst(%arg9 : memref<128x128xf32, #tpu.memory_space<vmem>>)
      %add3A_76 = arith.constant 1 : i32
      %add3A_77 = arith.addi %add3A_66, %add3A_76 : i32
      %dma_wait3A_78 = arith.constant 1 : i32
      %dma_wait3A_79 = arith.constant 0 : i32
      %dma_wait3A_80 = tpu.memref_slice %arg7[%dma_wait3A_78, %dma_wait3A_79] : memref<2x128xi32, #tpu.memory_space<vmem>> -> memref<1x128xi32, #tpu.memory_space<vmem>>
      %dma_wait3A_81 = tpu.memref_squeeze %dma_wait3A_80 : memref<1x128xi32, #tpu.memory_space<vmem>> -> memref<128xi32, #tpu.memory_space<vmem>>
      %dma_wait3A_82 = arith.constant 0 : i32
      %dma_wait3A_83 = tpu.memref_slice %arg3[%add3A, %add3A_77, %dma_wait3A_82] : memref<32x80x128xi32, #tpu.memory_space<hbm>> -> memref<1x1x128xi32, #tpu.memory_space<hbm>>
      %dma_wait3A_84 = tpu.memref_squeeze %dma_wait3A_83 : memref<1x1x128xi32, #tpu.memory_space<hbm>> -> memref<128xi32, #tpu.memory_space<hbm>>
      %dma_wait3A_85 = arith.constant 0 : i32
      %dma_wait3A_86 = tpu.memref_slice %arg7[%dma_wait3A_78, %dma_wait3A_85] : memref<2x128xi32, #tpu.memory_space<vmem>> -> memref<1x128xi32, #tpu.memory_space<vmem>>
      %dma_wait3A_87 = tpu.memref_squeeze %dma_wait3A_86 : memref<1x128xi32, #tpu.memory_space<vmem>> -> memref<128xi32, #tpu.memory_space<vmem>>
      %dma_wait3A_88 = arith.constant 0 : i32
      %dma_wait3A_89 = tpu.memref_slice %arg3[%add3A, %add3A_77, %dma_wait3A_88] : memref<32x80x128xi32, #tpu.memory_space<hbm>> -> memref<1x1x128xi32, #tpu.memory_space<hbm>>
      %dma_wait3A_90 = tpu.memref_squeeze %dma_wait3A_89 : memref<1x1x128xi32, #tpu.memory_space<hbm>> -> memref<128xi32, #tpu.memory_space<hbm>>
      tpu.wait_dma2 semaphore(%arg12 : memref<!tpu.dma_semaphore, #tpu.memory_space<semaphore_mem>>) src(%dma_wait3A_90 : memref<128xi32, #tpu.memory_space<hbm>>) dst(%dma_wait3A_87 : memref<128xi32, #tpu.memory_space<vmem>>)
      %dma_start3A_91 = arith.constant 1 : i32
      %dma_start3A_92 = arith.constant 0 : i32
      %dma_start3A_93 = tpu.memref_slice %arg7[%dma_start3A_91, %dma_start3A_92] : memref<2x128xi32, #tpu.memory_space<vmem>> -> memref<1x128xi32, #tpu.memory_space<vmem>>
      %dma_start3A_94 = tpu.memref_squeeze %dma_start3A_93 : memref<1x128xi32, #tpu.memory_space<vmem>> -> memref<128xi32, #tpu.memory_space<vmem>>
      %dma_start3A_95 = arith.constant 0 : i32
      %dma_start3A_96 = arith.constant 0 : i32
      %dma_start3A_97 = tpu.memref_slice %arg2[%dma_start3A_95, %dma_start3A_96] : memref<10000x128xf32, #tpu.memory_space<hbm>> -> memref<10000x128xf32, #tpu.memory_space<hbm>>
      tpu.enqueue_indirect_dma source(%dma_start3A_97 : memref<10000x128xf32, #tpu.memory_space<hbm>>) target(%arg10 : memref<128x128xf32, #tpu.memory_space<vmem>>) offsets(%dma_start3A_94 : memref<128xi32, #tpu.memory_space<vmem>>) semaphore(%arg14 : memref<!tpu.dma_semaphore, #tpu.memory_space<semaphore_mem>>)
      %dma_start3A_98 = arith.constant 0 : i32
      %dma_start3A_99 = tpu.memref_slice %arg8[%add3A_66, %dma_start3A_98] : memref<80x128xi32, #tpu.memory_space<vmem>> -> memref<1x128xi32, #tpu.memory_space<vmem>>
      %dma_start3A_100 = tpu.memref_squeeze %dma_start3A_99 : memref<1x128xi32, #tpu.memory_space<vmem>> -> memref<128xi32, #tpu.memory_space<vmem>>
      %dma_start3A_101 = arith.constant 0 : i32
      %dma_start3A_102 = arith.constant 0 : i32
      %dma_start3A_103 = tpu.memref_slice %arg17[%dma_start3A_101, %dma_start3A_102] : memref<10112x128xf32, #tpu.memory_space<vmem_shared>> -> memref<10112x128xf32, #tpu.memory_space<vmem_shared>>
      tpu.enqueue_indirect_dma source(%arg9 : memref<128x128xf32, #tpu.memory_space<vmem>>) target(%dma_start3A_103 : memref<10112x128xf32, #tpu.memory_space<vmem_shared>>) offsets(%dma_start3A_100 : memref<128xi32, #tpu.memory_space<vmem>>) semaphore(%arg15 : memref<!tpu.dma_semaphore, #tpu.memory_space<semaphore_mem>>) {add = true}
      %add3A_104 = arith.constant 2 : i32
      %add3A_105 = arith.addi %add3A_66, %add3A_104 : i32
      %lt3A = arith.constant 80 : i32
      %lt3A_106 = arith.cmpi slt, %add3A_105, %lt3A : i32
      %convert_element_type3A_107 = arith.extui %lt3A_106 : i1 to i32
      %cond3A_108 = arith.constant 0 : i32
      %cond3A_109 = arith.cmpi ne, %convert_element_type3A_107, %cond3A_108 : i32
      scf.if %cond3A_109 {
        %add3A_145 = arith.constant 2 : i32
        %add3A_146 = arith.addi %add3A_66, %add3A_145 : i32
        %dma_start3A_147 = arith.constant 0 : i32
        %dma_start3A_148 = arith.constant 0 : i32
        %dma_start3A_149 = tpu.memref_slice %arg7[%dma_start3A_147, %dma_start3A_148] : memref<2x128xi32, #tpu.memory_space<vmem>> -> memref<1x128xi32, #tpu.memory_space<vmem>>
        %dma_start3A_150 = tpu.memref_squeeze %dma_start3A_149 : memref<1x128xi32, #tpu.memory_space<vmem>> -> memref<128xi32, #tpu.memory_space<vmem>>
        %dma_start3A_151 = arith.constant 0 : i32
        %dma_start3A_152 = tpu.memref_slice %arg3[%add3A, %add3A_146, %dma_start3A_151] : memref<32x80x128xi32, #tpu.memory_space<hbm>> -> memref<1x1x128xi32, #tpu.memory_space<hbm>>
        %dma_start3A_153 = tpu.memref_squeeze %dma_start3A_152 : memref<1x1x128xi32, #tpu.memory_space<hbm>> -> memref<128xi32, #tpu.memory_space<hbm>>
        %dma_start3A_154 = arith.constant 0 : i32
        %dma_start3A_155 = tpu.memref_slice %arg7[%dma_start3A_147, %dma_start3A_154] : memref<2x128xi32, #tpu.memory_space<vmem>> -> memref<1x128xi32, #tpu.memory_space<vmem>>
        %dma_start3A_156 = tpu.memref_squeeze %dma_start3A_155 : memref<1x128xi32, #tpu.memory_space<vmem>> -> memref<128xi32, #tpu.memory_space<vmem>>
        %dma_start3A_157 = arith.constant 0 : i32
        %dma_start3A_158 = tpu.memref_slice %arg3[%add3A, %add3A_146, %dma_start3A_157] : memref<32x80x128xi32, #tpu.memory_space<hbm>> -> memref<1x1x128xi32, #tpu.memory_space<hbm>>
        %dma_start3A_159 = tpu.memref_squeeze %dma_start3A_158 : memref<1x1x128xi32, #tpu.memory_space<hbm>> -> memref<128xi32, #tpu.memory_space<hbm>>
        tpu.enqueue_dma source(%dma_start3A_159 : memref<128xi32, #tpu.memory_space<hbm>>) target(%dma_start3A_156 : memref<128xi32, #tpu.memory_space<vmem>>) target_semaphore(%arg11 : memref<!tpu.dma_semaphore, #tpu.memory_space<semaphore_mem>>)
      } else {
      }
      %dma_wait3A_110 = arith.constant 1 : i32
      %dma_wait3A_111 = arith.constant 0 : i32
      %dma_wait3A_112 = tpu.memref_slice %arg7[%dma_wait3A_110, %dma_wait3A_111] : memref<2x128xi32, #tpu.memory_space<vmem>> -> memref<1x128xi32, #tpu.memory_space<vmem>>
      %dma_wait3A_113 = tpu.memref_squeeze %dma_wait3A_112 : memref<1x128xi32, #tpu.memory_space<vmem>> -> memref<128xi32, #tpu.memory_space<vmem>>
      %dma_wait3A_114 = arith.constant 0 : i32
      %dma_wait3A_115 = arith.constant 0 : i32
      %dma_wait3A_116 = tpu.memref_slice %arg2[%dma_wait3A_114, %dma_wait3A_115] : memref<10000x128xf32, #tpu.memory_space<hbm>> -> memref<10000x128xf32, #tpu.memory_space<hbm>>
      tpu.wait_indirect_dma semaphore(%arg14 : memref<!tpu.dma_semaphore, #tpu.memory_space<semaphore_mem>>) src(%dma_wait3A_116 : memref<10000x128xf32, #tpu.memory_space<hbm>>) dst(%arg10 : memref<128x128xf32, #tpu.memory_space<vmem>>)
      %dma_wait3A_117 = arith.constant 0 : i32
      %dma_wait3A_118 = tpu.memref_slice %arg8[%add3A_66, %dma_wait3A_117] : memref<80x128xi32, #tpu.memory_space<vmem>> -> memref<1x128xi32, #tpu.memory_space<vmem>>
      %dma_wait3A_119 = tpu.memref_squeeze %dma_wait3A_118 : memref<1x128xi32, #tpu.memory_space<vmem>> -> memref<128xi32, #tpu.memory_space<vmem>>
      %dma_wait3A_120 = arith.constant 0 : i32
      %dma_wait3A_121 = arith.constant 0 : i32
      %dma_wait3A_122 = tpu.memref_slice %arg17[%dma_wait3A_120, %dma_wait3A_121] : memref<10112x128xf32, #tpu.memory_space<vmem_shared>> -> memref<10112x128xf32, #tpu.memory_space<vmem_shared>>
      tpu.wait_indirect_dma semaphore(%arg15 : memref<!tpu.dma_semaphore, #tpu.memory_space<semaphore_mem>>) src(%arg9 : memref<128x128xf32, #tpu.memory_space<vmem>>) dst(%dma_wait3A_122 : memref<10112x128xf32, #tpu.memory_space<vmem_shared>>)
      %add3A_123 = arith.constant 2 : i32
      %add3A_124 = arith.addi %add3A_66, %add3A_123 : i32
      %lt3A_125 = arith.constant 80 : i32
      %lt3A_126 = arith.cmpi slt, %add3A_124, %lt3A_125 : i32
      %convert_element_type3A_127 = arith.extui %lt3A_126 : i1 to i32
      %cond3A_128 = arith.constant 0 : i32
      %cond3A_129 = arith.cmpi ne, %convert_element_type3A_127, %cond3A_128 : i32
      scf.if %cond3A_129 {
        %add3A_145 = arith.constant 2 : i32
        %add3A_146 = arith.addi %add3A_66, %add3A_145 : i32
        %dma_wait3A_147 = arith.constant 0 : i32
        %dma_wait3A_148 = arith.constant 0 : i32
        %dma_wait3A_149 = tpu.memref_slice %arg7[%dma_wait3A_147, %dma_wait3A_148] : memref<2x128xi32, #tpu.memory_space<vmem>> -> memref<1x128xi32, #tpu.memory_space<vmem>>
        %dma_wait3A_150 = tpu.memref_squeeze %dma_wait3A_149 : memref<1x128xi32, #tpu.memory_space<vmem>> -> memref<128xi32, #tpu.memory_space<vmem>>
        %dma_wait3A_151 = arith.constant 0 : i32
        %dma_wait3A_152 = tpu.memref_slice %arg3[%add3A, %add3A_146, %dma_wait3A_151] : memref<32x80x128xi32, #tpu.memory_space<hbm>> -> memref<1x1x128xi32, #tpu.memory_space<hbm>>
        %dma_wait3A_153 = tpu.memref_squeeze %dma_wait3A_152 : memref<1x1x128xi32, #tpu.memory_space<hbm>> -> memref<128xi32, #tpu.memory_space<hbm>>
        %dma_wait3A_154 = arith.constant 0 : i32
        %dma_wait3A_155 = tpu.memref_slice %arg7[%dma_wait3A_147, %dma_wait3A_154] : memref<2x128xi32, #tpu.memory_space<vmem>> -> memref<1x128xi32, #tpu.memory_space<vmem>>
        %dma_wait3A_156 = tpu.memref_squeeze %dma_wait3A_155 : memref<1x128xi32, #tpu.memory_space<vmem>> -> memref<128xi32, #tpu.memory_space<vmem>>
        %dma_wait3A_157 = arith.constant 0 : i32
        %dma_wait3A_158 = tpu.memref_slice %arg3[%add3A, %add3A_146, %dma_wait3A_157] : memref<32x80x128xi32, #tpu.memory_space<hbm>> -> memref<1x1x128xi32, #tpu.memory_space<hbm>>
        %dma_wait3A_159 = tpu.memref_squeeze %dma_wait3A_158 : memref<1x1x128xi32, #tpu.memory_space<hbm>> -> memref<128xi32, #tpu.memory_space<hbm>>
        tpu.wait_dma2 semaphore(%arg11 : memref<!tpu.dma_semaphore, #tpu.memory_space<semaphore_mem>>) src(%dma_wait3A_159 : memref<128xi32, #tpu.memory_space<hbm>>) dst(%dma_wait3A_156 : memref<128xi32, #tpu.memory_space<vmem>>)
        %dma_start3A_160 = arith.constant 0 : i32
        %dma_start3A_161 = arith.constant 0 : i32
        %dma_start3A_162 = tpu.memref_slice %arg7[%dma_start3A_160, %dma_start3A_161] : memref<2x128xi32, #tpu.memory_space<vmem>> -> memref<1x128xi32, #tpu.memory_space<vmem>>
        %dma_start3A_163 = tpu.memref_squeeze %dma_start3A_162 : memref<1x128xi32, #tpu.memory_space<vmem>> -> memref<128xi32, #tpu.memory_space<vmem>>
        %dma_start3A_164 = arith.constant 0 : i32
        %dma_start3A_165 = arith.constant 0 : i32
        %dma_start3A_166 = tpu.memref_slice %arg2[%dma_start3A_164, %dma_start3A_165] : memref<10000x128xf32, #tpu.memory_space<hbm>> -> memref<10000x128xf32, #tpu.memory_space<hbm>>
        tpu.enqueue_indirect_dma source(%dma_start3A_166 : memref<10000x128xf32, #tpu.memory_space<hbm>>) target(%arg9 : memref<128x128xf32, #tpu.memory_space<vmem>>) offsets(%dma_start3A_163 : memref<128xi32, #tpu.memory_space<vmem>>) semaphore(%arg13 : memref<!tpu.dma_semaphore, #tpu.memory_space<semaphore_mem>>)
      } else {
      }
      %add3A_130 = arith.constant 1 : i32
      %add3A_131 = arith.addi %add3A_66, %add3A_130 : i32
      %dma_start3A_132 = arith.constant 0 : i32
      %dma_start3A_133 = tpu.memref_slice %arg8[%add3A_131, %dma_start3A_132] : memref<80x128xi32, #tpu.memory_space<vmem>> -> memref<1x128xi32, #tpu.memory_space<vmem>>
      %dma_start3A_134 = tpu.memref_squeeze %dma_start3A_133 : memref<1x128xi32, #tpu.memory_space<vmem>> -> memref<128xi32, #tpu.memory_space<vmem>>
      %dma_start3A_135 = arith.constant 0 : i32
      %dma_start3A_136 = arith.constant 0 : i32
      %dma_start3A_137 = tpu.memref_slice %arg17[%dma_start3A_135, %dma_start3A_136] : memref<10112x128xf32, #tpu.memory_space<vmem_shared>> -> memref<10112x128xf32, #tpu.memory_space<vmem_shared>>
      tpu.enqueue_indirect_dma source(%arg10 : memref<128x128xf32, #tpu.memory_space<vmem>>) target(%dma_start3A_137 : memref<10112x128xf32, #tpu.memory_space<vmem_shared>>) offsets(%dma_start3A_134 : memref<128xi32, #tpu.memory_space<vmem>>) semaphore(%arg16 : memref<!tpu.dma_semaphore, #tpu.memory_space<semaphore_mem>>) {add = true}
      %add3A_138 = arith.constant 3 : i32
      %add3A_139 = arith.addi %add3A_66, %add3A_138 : i32
      %lt3A_140 = arith.constant 80 : i32
      %lt3A_141 = arith.cmpi slt, %add3A_139, %lt3A_140 : i32
      %convert_element_type3A_142 = arith.extui %lt3A_141 : i1 to i32
      %cond3A_143 = arith.constant 0 : i32
      %cond3A_144 = arith.cmpi ne, %convert_element_type3A_142, %cond3A_143 : i32
      scf.if %cond3A_144 {
        %add3A_145 = arith.constant 3 : i32
        %add3A_146 = arith.addi %add3A_66, %add3A_145 : i32
        %dma_start3A_147 = arith.constant 1 : i32
        %dma_start3A_148 = arith.constant 0 : i32
        %dma_start3A_149 = tpu.memref_slice %arg7[%dma_start3A_147, %dma_start3A_148] : memref<2x128xi32, #tpu.memory_space<vmem>> -> memref<1x128xi32, #tpu.memory_space<vmem>>
        %dma_start3A_150 = tpu.memref_squeeze %dma_start3A_149 : memref<1x128xi32, #tpu.memory_space<vmem>> -> memref<128xi32, #tpu.memory_space<vmem>>
        %dma_start3A_151 = arith.constant 0 : i32
        %dma_start3A_152 = tpu.memref_slice %arg3[%add3A, %add3A_146, %dma_start3A_151] : memref<32x80x128xi32, #tpu.memory_space<hbm>> -> memref<1x1x128xi32, #tpu.memory_space<hbm>>
        %dma_start3A_153 = tpu.memref_squeeze %dma_start3A_152 : memref<1x1x128xi32, #tpu.memory_space<hbm>> -> memref<128xi32, #tpu.memory_space<hbm>>
        %dma_start3A_154 = arith.constant 0 : i32
        %dma_start3A_155 = tpu.memref_slice %arg7[%dma_start3A_147, %dma_start3A_154] : memref<2x128xi32, #tpu.memory_space<vmem>> -> memref<1x128xi32, #tpu.memory_space<vmem>>
        %dma_start3A_156 = tpu.memref_squeeze %dma_start3A_155 : memref<1x128xi32, #tpu.memory_space<vmem>> -> memref<128xi32, #tpu.memory_space<vmem>>
        %dma_start3A_157 = arith.constant 0 : i32
        %dma_start3A_158 = tpu.memref_slice %arg3[%add3A, %add3A_146, %dma_start3A_157] : memref<32x80x128xi32, #tpu.memory_space<hbm>> -> memref<1x1x128xi32, #tpu.memory_space<hbm>>
        %dma_start3A_159 = tpu.memref_squeeze %dma_start3A_158 : memref<1x1x128xi32, #tpu.memory_space<hbm>> -> memref<128xi32, #tpu.memory_space<hbm>>
        tpu.enqueue_dma source(%dma_start3A_159 : memref<128xi32, #tpu.memory_space<hbm>>) target(%dma_start3A_156 : memref<128xi32, #tpu.memory_space<vmem>>) target_semaphore(%arg12 : memref<!tpu.dma_semaphore, #tpu.memory_space<semaphore_mem>>)
      } else {
      }
    }
    %scan3A_53 = arith.constant 40 : i32
    %dma_wait3A_54 = arith.constant 79 : i32
    %dma_wait3A_55 = arith.constant 0 : i32
    %dma_wait3A_56 = tpu.memref_slice %arg8[%dma_wait3A_54, %dma_wait3A_55] : memref<80x128xi32, #tpu.memory_space<vmem>> -> memref<1x128xi32, #tpu.memory_space<vmem>>
    %dma_wait3A_57 = tpu.memref_squeeze %dma_wait3A_56 : memref<1x128xi32, #tpu.memory_space<vmem>> -> memref<128xi32, #tpu.memory_space<vmem>>
    %dma_wait3A_58 = arith.constant 0 : i32
    %dma_wait3A_59 = arith.constant 0 : i32
    %dma_wait3A_60 = tpu.memref_slice %arg17[%dma_wait3A_58, %dma_wait3A_59] : memref<10112x128xf32, #tpu.memory_space<vmem_shared>> -> memref<10112x128xf32, #tpu.memory_space<vmem_shared>>
    tpu.wait_indirect_dma semaphore(%arg16 : memref<!tpu.dma_semaphore, #tpu.memory_space<semaphore_mem>>) src(%arg10 : memref<128x128xf32, #tpu.memory_space<vmem>>) dst(%dma_wait3A_60 : memref<10112x128xf32, #tpu.memory_space<vmem_shared>>)
    %barrier3A_61 = arith.constant 0 : index
    tpu.barrier barrier_id(%barrier3A_61)
    "tpu.region"() ({
      %run_scoped3A = tpu.sem_alloc : memref<!tpu.dma_semaphore, #tpu.memory_space<semaphore_mem>>
      %dma_start3A_62 = arith.constant 0 : i32
      %dma_start3A_63 = tpu.memref_slice %arg6[%arg0, %mul3A_2, %dma_start3A_62] : memref<2x10112x128xf32, #tpu.memory_space<hbm>> -> memref<1x632x128xf32, #tpu.memory_space<hbm>>
      %dma_start3A_64 = tpu.memref_squeeze %dma_start3A_63 : memref<1x632x128xf32, #tpu.memory_space<hbm>> -> memref<632x128xf32, #tpu.memory_space<hbm>>
      %dma_start3A_65 = arith.constant 0 : i32
      %dma_start3A_66 = tpu.memref_slice %arg17[%mul3A_2, %dma_start3A_65] : memref<10112x128xf32, #tpu.memory_space<vmem_shared>> -> memref<632x128xf32, #tpu.memory_space<vmem_shared>>
      tpu.enqueue_dma source(%dma_start3A_66 : memref<632x128xf32, #tpu.memory_space<vmem_shared>>) target(%dma_start3A_64 : memref<632x128xf32, #tpu.memory_space<hbm>>) target_semaphore(%run_scoped3A : memref<!tpu.dma_semaphore, #tpu.memory_space<semaphore_mem>>)
      %dma_wait3A_67 = arith.constant 0 : i32
      %dma_wait3A_68 = tpu.memref_slice %arg6[%arg0, %mul3A_2, %dma_wait3A_67] : memref<2x10112x128xf32, #tpu.memory_space<hbm>> -> memref<1x632x128xf32, #tpu.memory_space<hbm>>
      %dma_wait3A_69 = tpu.memref_squeeze %dma_wait3A_68 : memref<1x632x128xf32, #tpu.memory_space<hbm>> -> memref<632x128xf32, #tpu.memory_space<hbm>>
      %dma_wait3A_70 = arith.constant 0 : i32
      %dma_wait3A_71 = tpu.memref_slice %arg17[%mul3A_2, %dma_wait3A_70] : memref<10112x128xf32, #tpu.memory_space<vmem_shared>> -> memref<632x128xf32, #tpu.memory_space<vmem_shared>>
      tpu.wait_dma2 semaphore(%run_scoped3A : memref<!tpu.dma_semaphore, #tpu.memory_space<semaphore_mem>>) src(%dma_wait3A_71 : memref<632x128xf32, #tpu.memory_space<vmem_shared>>) dst(%dma_wait3A_69 : memref<632x128xf32, #tpu.memory_space<hbm>>)
      tpu.yield
    }) : () -> ()
    return
  }
}

module attributes {stable_mosaic.version = 14 : i64} {
  func.func @_prep_body(%arg0: memref<2x20224x16xf32, #tpu.memory_space<vmem>>, %arg1: memref<10000x128xf32, #tpu.memory_space<vmem>>, %arg2: memref<10000x1xf32, #tpu.memory_space<vmem>>, %arg3: memref<10000x1xf32, #tpu.memory_space<vmem>>, %arg4: memref<10000x128xf32, #tpu.memory_space<vmem>>) attributes {dimension_semantics = [], scalar_prefetch = 0 : i64, scratch_operands = 0 : i64, tpu.core_type = #tpu.core_type<tc>} {
    %get3A = arith.constant 0 : index
    %get3A_0 = arith.constant 0 : index
    %get3A_1 = arith.constant 0 : index
    %get3A_2 = vector.load %arg0[%get3A, %get3A_0, %get3A_1] : memref<2x20224x16xf32, #tpu.memory_space<vmem>>, vector<1x10000x1xf32>
    %get3A_3 = vector.shape_cast %get3A_2 : vector<1x10000x1xf32> to vector<10000x1xf32>
    %get3A_4 = arith.constant 1 : index
    %get3A_5 = arith.constant 0 : index
    %get3A_6 = arith.constant 0 : index
    %get3A_7 = vector.load %arg0[%get3A_4, %get3A_5, %get3A_6] : memref<2x20224x16xf32, #tpu.memory_space<vmem>>, vector<1x10000x1xf32>
    %get3A_8 = vector.shape_cast %get3A_7 : vector<1x10000x1xf32> to vector<10000x1xf32>
    %add3A = arith.addf %get3A_3, %get3A_8 : vector<10000x1xf32>
    %get3A_9 = arith.constant 0 : index
    %get3A_10 = arith.constant 10112 : index
    %get3A_11 = arith.constant 0 : index
    %get3A_12 = vector.load %arg0[%get3A_9, %get3A_10, %get3A_11] : memref<2x20224x16xf32, #tpu.memory_space<vmem>>, vector<1x10000x1xf32>
    %get3A_13 = vector.shape_cast %get3A_12 : vector<1x10000x1xf32> to vector<10000x1xf32>
    %get3A_14 = arith.constant 1 : index
    %get3A_15 = arith.constant 10112 : index
    %get3A_16 = arith.constant 0 : index
    %get3A_17 = vector.load %arg0[%get3A_14, %get3A_15, %get3A_16] : memref<2x20224x16xf32, #tpu.memory_space<vmem>>, vector<1x10000x1xf32>
    %get3A_18 = vector.shape_cast %get3A_17 : vector<1x10000x1xf32> to vector<10000x1xf32>
    %add3A_19 = arith.addf %get3A_13, %get3A_18 : vector<10000x1xf32>
    %gt3A = arith.constant 0.000000e+00 : f32
    %gt3A_20 = vector.broadcast %gt3A : f32 to vector<10000x1xf32>
    %gt3A_21 = arith.cmpf ogt, %add3A, %gt3A_20 : vector<10000x1xf32>
    %sqrt3A = math.sqrt %add3A : vector<10000x1xf32>
    %div3A = arith.constant 1.000000e+00 : f32
    %div3A_22 = vector.broadcast %div3A : f32 to vector<10000x1xf32>
    %div3A_23 = arith.divf %div3A_22, %sqrt3A : vector<10000x1xf32>
    %jit3A = arith.constant 0.000000e+00 : f32
    %broadcast_in_dim3A = vector.broadcast %jit3A : f32 to vector<10000x1xf32>
    %select_n3A = arith.select %gt3A_21, %div3A_23, %broadcast_in_dim3A : vector<10000x1xi1>, vector<10000x1xf32>
    %gt3A_24 = arith.constant 0.000000e+00 : f32
    %gt3A_25 = vector.broadcast %gt3A_24 : f32 to vector<10000x1xf32>
    %gt3A_26 = arith.cmpf ogt, %add3A_19, %gt3A_25 : vector<10000x1xf32>
    %sqrt3A_27 = math.sqrt %add3A_19 : vector<10000x1xf32>
    %div3A_28 = arith.constant 1.000000e+00 : f32
    %div3A_29 = vector.broadcast %div3A_28 : f32 to vector<10000x1xf32>
    %div3A_30 = arith.divf %div3A_29, %sqrt3A_27 : vector<10000x1xf32>
    %jit3A_31 = arith.constant 0.000000e+00 : f32
    %broadcast_in_dim3A_32 = vector.broadcast %jit3A_31 : f32 to vector<10000x1xf32>
    %select_n3A_33 = arith.select %gt3A_26, %div3A_30, %broadcast_in_dim3A_32 : vector<10000x1xi1>, vector<10000x1xf32>
    %swap3A = arith.constant 0 : index
    %swap3A_34 = arith.constant 0 : index
    %swap3A_35 = vector.load %arg2[%swap3A, %swap3A_34] : memref<10000x1xf32, #tpu.memory_space<vmem>>, vector<10000x1xf32>
    tpu.vector_store %arg2[%swap3A, %swap3A_34], %select_n3A {strides = array<i32>} : memref<10000x1xf32, #tpu.memory_space<vmem>>, vector<10000x1xf32>,
    %swap3A_36 = arith.constant 0 : index
    %swap3A_37 = arith.constant 0 : index
    %swap3A_38 = vector.load %arg3[%swap3A_36, %swap3A_37] : memref<10000x1xf32, #tpu.memory_space<vmem>>, vector<10000x1xf32>
    tpu.vector_store %arg3[%swap3A_36, %swap3A_37], %select_n3A_33 {strides = array<i32>} : memref<10000x1xf32, #tpu.memory_space<vmem>>, vector<10000x1xf32>,
    %get3A_39 = arith.constant 0 : index
    %get3A_40 = arith.constant 0 : index
    %get3A_41 = vector.load %arg1[%get3A_39, %get3A_40] : memref<10000x128xf32, #tpu.memory_space<vmem>>, vector<10000x128xf32>
    %mul3A = vector.broadcast %select_n3A : vector<10000x1xf32> to vector<10000x128xf32>
    %mul3A_42 = arith.mulf %get3A_41, %mul3A : vector<10000x128xf32>
    %swap3A_43 = arith.constant 0 : index
    %swap3A_44 = arith.constant 0 : index
    %swap3A_45 = vector.load %arg4[%swap3A_43, %swap3A_44] : memref<10000x128xf32, #tpu.memory_space<vmem>>, vector<10000x128xf32>
    tpu.vector_store %arg4[%swap3A_43, %swap3A_44], %mul3A_42 {strides = array<i32>} : memref<10000x128xf32, #tpu.memory_space<vmem>>, vector<10000x128xf32>,
    return
  }
}

module attributes {stable_mosaic.version = 14 : i64} {
  func.func @_mid_body(%arg0: memref<2x10112x128xf32, #tpu.memory_space<vmem>>, %arg1: memref<10000x1xf32, #tpu.memory_space<vmem>>, %arg2: memref<128x128xf32, #tpu.memory_space<vmem>>, %arg3: memref<1x128xf32, #tpu.memory_space<vmem>>, %arg4: memref<1x128xf32, #tpu.memory_space<vmem>>, %arg5: memref<1x128xf32, #tpu.memory_space<vmem>>, %arg6: memref<10000x1xf32, #tpu.memory_space<vmem>>, %arg7: memref<10000x128xf32, #tpu.memory_space<vmem>>) attributes {dimension_semantics = [], scalar_prefetch = 0 : i64, scratch_operands = 0 : i64, tpu.core_type = #tpu.core_type<tc>} {
    %get3A = arith.constant 0 : index
    %get3A_0 = arith.constant 0 : index
    %get3A_1 = arith.constant 0 : index
    %get3A_2 = vector.load %arg0[%get3A, %get3A_0, %get3A_1] : memref<2x10112x128xf32, #tpu.memory_space<vmem>>, vector<1x10000x128xf32>
    %get3A_3 = vector.shape_cast %get3A_2 : vector<1x10000x128xf32> to vector<10000x128xf32>
    %get3A_4 = arith.constant 1 : index
    %get3A_5 = arith.constant 0 : index
    %get3A_6 = arith.constant 0 : index
    %get3A_7 = vector.load %arg0[%get3A_4, %get3A_5, %get3A_6] : memref<2x10112x128xf32, #tpu.memory_space<vmem>>, vector<1x10000x128xf32>
    %get3A_8 = vector.shape_cast %get3A_7 : vector<1x10000x128xf32> to vector<10000x128xf32>
    %add3A = arith.addf %get3A_3, %get3A_8 : vector<10000x128xf32>
    %get3A_9 = arith.constant 0 : index
    %get3A_10 = arith.constant 0 : index
    %get3A_11 = vector.load %arg1[%get3A_9, %get3A_10] : memref<10000x1xf32, #tpu.memory_space<vmem>>, vector<10000x1xf32>
    %mul3A = vector.broadcast %get3A_11 : vector<10000x1xf32> to vector<10000x128xf32>
    %mul3A_12 = arith.mulf %add3A, %mul3A : vector<10000x128xf32>
    %get3A_13 = arith.constant 0 : index
    %get3A_14 = arith.constant 0 : index
    %get3A_15 = vector.load %arg2[%get3A_13, %get3A_14] : memref<128x128xf32, #tpu.memory_space<vmem>>, vector<128x128xf32>
    %dot_general3A = arith.constant dense<0.000000e+00> : vector<10000x128xf32>
    %dot_general3A_16 = tpu.matmul %mul3A_12, %get3A_15, %dot_general3A {dimension_numbers = #tpu.dot_dimension_numbers<[1], [0], [0], [1], [0, 0, 1, 1], [], []>, transpose_lhs_hint = false} : vector<10000x128xf32>, vector<128x128xf32>, vector<10000x128xf32> -> vector<10000x128xf32>
    %get3A_17 = arith.constant 0 : index
    %get3A_18 = arith.constant 0 : index
    %get3A_19 = vector.load %arg3[%get3A_17, %get3A_18] : memref<1x128xf32, #tpu.memory_space<vmem>>, vector<1x128xf32>
    %add3A_20 = vector.broadcast %get3A_19 : vector<1x128xf32> to vector<10000x128xf32>
    %add3A_21 = arith.addf %dot_general3A_16, %add3A_20 : vector<10000x128xf32>
    %reduce_sum3A = arith.constant dense<0.000000e+00> : vector<10000xf32>
    %reduce_sum3A_22 = vector.multi_reduction <add>, %add3A_21, %reduce_sum3A [1] : vector<10000x128xf32> to vector<10000xf32>
    %broadcast_in_dim3A = vector.shape_cast %reduce_sum3A_22 : vector<10000xf32> to vector<10000x1xf32>
    %div3A = arith.constant 1.280000e+02 : f32
    %div3A_23 = vector.broadcast %div3A : f32 to vector<10000x1xf32>
    %div3A_24 = arith.divf %broadcast_in_dim3A, %div3A_23 : vector<10000x1xf32>
    %sub3A = vector.broadcast %div3A_24 : vector<10000x1xf32> to vector<10000x128xf32>
    %sub3A_25 = arith.subf %add3A_21, %sub3A : vector<10000x128xf32>
    %integer_pow3A = arith.mulf %sub3A_25, %sub3A_25 : vector<10000x128xf32>
    %reduce_sum3A_26 = arith.constant dense<0.000000e+00> : vector<10000xf32>
    %reduce_sum3A_27 = vector.multi_reduction <add>, %integer_pow3A, %reduce_sum3A_26 [1] : vector<10000x128xf32> to vector<10000xf32>
    %broadcast_in_dim3A_28 = vector.shape_cast %reduce_sum3A_27 : vector<10000xf32> to vector<10000x1xf32>
    %div3A_29 = arith.constant 1.280000e+02 : f32
    %div3A_30 = vector.broadcast %div3A_29 : f32 to vector<10000x1xf32>
    %div3A_31 = arith.divf %broadcast_in_dim3A_28, %div3A_30 : vector<10000x1xf32>
    %sub3A_32 = vector.broadcast %div3A_24 : vector<10000x1xf32> to vector<10000x128xf32>
    %sub3A_33 = arith.subf %add3A_21, %sub3A_32 : vector<10000x128xf32>
    %add3A_34 = arith.constant 9.99999974E-6 : f32
    %add3A_35 = vector.broadcast %add3A_34 : f32 to vector<10000x1xf32>
    %add3A_36 = arith.addf %div3A_31, %add3A_35 : vector<10000x1xf32>
    %sqrt3A = math.sqrt %add3A_36 : vector<10000x1xf32>
    %div3A_37 = vector.broadcast %sqrt3A : vector<10000x1xf32> to vector<10000x128xf32>
    %div3A_38 = arith.divf %sub3A_33, %div3A_37 : vector<10000x128xf32>
    %get3A_39 = arith.constant 0 : index
    %get3A_40 = arith.constant 0 : index
    %get3A_41 = vector.load %arg4[%get3A_39, %get3A_40] : memref<1x128xf32, #tpu.memory_space<vmem>>, vector<1x128xf32>
    %mul3A_42 = vector.broadcast %get3A_41 : vector<1x128xf32> to vector<10000x128xf32>
    %mul3A_43 = arith.mulf %div3A_38, %mul3A_42 : vector<10000x128xf32>
    %get3A_44 = arith.constant 0 : index
    %get3A_45 = arith.constant 0 : index
    %get3A_46 = vector.load %arg5[%get3A_44, %get3A_45] : memref<1x128xf32, #tpu.memory_space<vmem>>, vector<1x128xf32>
    %add3A_47 = vector.broadcast %get3A_46 : vector<1x128xf32> to vector<10000x128xf32>
    %add3A_48 = arith.addf %mul3A_43, %add3A_47 : vector<10000x128xf32>
    %gt3A = arith.constant 0.000000e+00 : f32
    %gt3A_49 = vector.broadcast %gt3A : f32 to vector<10000x128xf32>
    %gt3A_50 = arith.cmpf ogt, %add3A_48, %gt3A_49 : vector<10000x128xf32>
    %mul3A_51 = arith.constant 0.00999999977 : f32
    %mul3A_52 = vector.broadcast %mul3A_51 : f32 to vector<10000x128xf32>
    %mul3A_53 = arith.mulf %mul3A_52, %add3A_48 : vector<10000x128xf32>
    %select_n3A = arith.select %gt3A_50, %add3A_48, %mul3A_53 : vector<10000x128xi1>, vector<10000x128xf32>
    %get3A_54 = arith.constant 0 : index
    %get3A_55 = arith.constant 0 : index
    %get3A_56 = vector.load %arg6[%get3A_54, %get3A_55] : memref<10000x1xf32, #tpu.memory_space<vmem>>, vector<10000x1xf32>
    %mul3A_57 = vector.broadcast %get3A_56 : vector<10000x1xf32> to vector<10000x128xf32>
    %mul3A_58 = arith.mulf %select_n3A, %mul3A_57 : vector<10000x128xf32>
    %swap3A = arith.constant 0 : index
    %swap3A_59 = arith.constant 0 : index
    %swap3A_60 = vector.load %arg7[%swap3A, %swap3A_59] : memref<10000x128xf32, #tpu.memory_space<vmem>>, vector<10000x128xf32>
    tpu.vector_store %arg7[%swap3A, %swap3A_59], %mul3A_58 {strides = array<i32>} : memref<10000x128xf32, #tpu.memory_space<vmem>>, vector<10000x128xf32>,
    return
  }
}

module attributes {stable_mosaic.version = 14 : i64} {
  func.func @_fin_body(%arg0: memref<2x10112x128xf32, #tpu.memory_space<vmem>>, %arg1: memref<10000x1xf32, #tpu.memory_space<vmem>>, %arg2: memref<128x16xf32, #tpu.memory_space<vmem>>, %arg3: memref<1x16xf32, #tpu.memory_space<vmem>>, %arg4: memref<10000x16xf32, #tpu.memory_space<vmem>>) attributes {dimension_semantics = [], scalar_prefetch = 0 : i64, scratch_operands = 0 : i64, tpu.core_type = #tpu.core_type<tc>} {
    %get3A = arith.constant 0 : index
    %get3A_0 = arith.constant 0 : index
    %get3A_1 = arith.constant 0 : index
    %get3A_2 = vector.load %arg0[%get3A, %get3A_0, %get3A_1] : memref<2x10112x128xf32, #tpu.memory_space<vmem>>, vector<1x10000x128xf32>
    %get3A_3 = vector.shape_cast %get3A_2 : vector<1x10000x128xf32> to vector<10000x128xf32>
    %get3A_4 = arith.constant 1 : index
    %get3A_5 = arith.constant 0 : index
    %get3A_6 = arith.constant 0 : index
    %get3A_7 = vector.load %arg0[%get3A_4, %get3A_5, %get3A_6] : memref<2x10112x128xf32, #tpu.memory_space<vmem>>, vector<1x10000x128xf32>
    %get3A_8 = vector.shape_cast %get3A_7 : vector<1x10000x128xf32> to vector<10000x128xf32>
    %add3A = arith.addf %get3A_3, %get3A_8 : vector<10000x128xf32>
    %get3A_9 = arith.constant 0 : index
    %get3A_10 = arith.constant 0 : index
    %get3A_11 = vector.load %arg1[%get3A_9, %get3A_10] : memref<10000x1xf32, #tpu.memory_space<vmem>>, vector<10000x1xf32>
    %mul3A = vector.broadcast %get3A_11 : vector<10000x1xf32> to vector<10000x128xf32>
    %mul3A_12 = arith.mulf %add3A, %mul3A : vector<10000x128xf32>
    %get3A_13 = arith.constant 0 : index
    %get3A_14 = arith.constant 0 : index
    %get3A_15 = vector.load %arg2[%get3A_13, %get3A_14] : memref<128x16xf32, #tpu.memory_space<vmem>>, vector<128x16xf32>
    %dot_general3A = arith.constant dense<0.000000e+00> : vector<10000x16xf32>
    %dot_general3A_16 = tpu.matmul %mul3A_12, %get3A_15, %dot_general3A {dimension_numbers = #tpu.dot_dimension_numbers<[1], [0], [0], [1], [0, 0, 1, 1], [], []>, transpose_lhs_hint = false} : vector<10000x128xf32>, vector<128x16xf32>, vector<10000x16xf32> -> vector<10000x16xf32>
    %get3A_17 = arith.constant 0 : index
    %get3A_18 = arith.constant 0 : index
    %get3A_19 = vector.load %arg3[%get3A_17, %get3A_18] : memref<1x16xf32, #tpu.memory_space<vmem>>, vector<1x16xf32>
    %add3A_20 = vector.broadcast %get3A_19 : vector<1x16xf32> to vector<10000x16xf32>
    %add3A_21 = arith.addf %dot_general3A_16, %add3A_20 : vector<10000x16xf32>
    %swap3A = arith.constant 0 : index
    %swap3A_22 = arith.constant 0 : index
    %swap3A_23 = vector.load %arg4[%swap3A, %swap3A_22] : memref<10000x16xf32, #tpu.memory_space<vmem>>, vector<10000x16xf32>
    tpu.vector_store %arg4[%swap3A, %swap3A_22], %add3A_21 {strides = array<i32>} : memref<10000x16xf32, #tpu.memory_space<vmem>>, vector<10000x16xf32>,
    return
  }
}

</mosaic_0001>

<sc_bundles>
// kernel: kernel.10.cloned.1.call-start
scs
__scs_entry_jumppad:
0x0: {  	(pc) =	sbr.rel $0x88, $3  }
0x1: {  	(tag) =	ssettag $0x0;
	lr =	simm.s32 $0x1  }
0x2: {  	[smem:$0x3F95] =	sst lr;
	_ =	strace $0xD0000000  }
0x3: {  	_ = 	snop  }
0x4: {  	_ = 	snop  }
0x5: {  	_ = 	snop  }
0x6: {  	_ = 	snop  }
0x7: {  	_ = 	snop  }
__scs_overlays_trampoline_lowered:
0x8: {  	[smem:$0x3FA4] =	sst s0  }
0x9: {  	[smem:$0x3FA5] =	sst s1  }
0xa: {  	[smem:$0x3FA6] =	sst s2  }
0xb: {  	[smem:$0x3FA7] =	sst s3  }
0xc: {  	[smem:$0x3FA8] =	sst s4  }
0xd: {  	[smem:$0x3FA9] =	sst s5  }
0xe: {  	[smem:$0x3FAA] =	sst s6  }
0xf: {  	[smem:$0x3FAB] =	sst s7  }
0x10: {  	[smem:$0x3FAC] =	sst s8  }
0x11: {  	[smem:$0x3FAD] =	sst s9;
	s0 =	simm.s32 @!p0 $0x0  }
0x12: {  	s1 =	sld [smem:$0x3F93];
	s0 =	simm.s32 @p0 $0x1  }
0x13: {  	[smem:$0x3FAE] =	sst s0;
	s0 =	simm.s32 @!p1 $0x0  }
0x14: {  	s2 =	sld [smem:$0x3F92];
	s0 =	simm.s32 @p1 $0x1  }
0x15: {  	[smem:$0x3FAF] =	sst s0;
	s0 =	simm.s32 @!p2 $0x0  }
0x16: {  	s3 =	sld [smem:$0x3FDB];
	s0 =	simm.s32 @p2 $0x1  }
0x17: {  	s4 =	simm.s32 $0x1BF5;
	[smem:$0x3FB1] =	sst s0  }
0x18: {  	s0 =	sld [smem:$0x3F94];
	_ =	swait.ge [sflag:s4], $0x0  }
0x19: {  	s7 =	sld [smem:$0x3F95]  }
0x1a: {  	s8 =	sadd.s32 $0xFFFFE003, lr  }
0x1b: {  	s9 =	sadd.s32 $0xFFFFFEF7, lr;
	s5 =	simm.s32 $0xFFFFFFFF;
	p2 =	slt.u32 s8, $0xFFFFF086  }
0x1c: {  	p1 =	slt.u32 s9, $0xF7A;
	s5 =	simm.s32 @!p2 $0x0  }
0x1d: {  	s5 =	simm.s32 @p1 $0x1;
	p0 =	seq.s32 s7, s2  }
0x1e: {  	s7 =	smul.u32 @!p0 $0xF7A, s2;
	p2 =	seq.s32 @!p0 s5, $0x0  }
0x1f: {  	s9 =	smul.u32 $0xF7A, s1;
	s8 =	simm.s32 @!p0 $0x1BF5;
	p2 =	por !p2, p0  }
0x20: {  	[sflag:s8] =	ssyncset.s32 @!p0 $0xFFFFF086;
	s6 =	sadd.s32 @!p0 s3, s7;
	s7 =	simm.s32 @!p0 $0x108  }
0x21: {  	s3 =	sadd.s32 s3, s9;
	s6 =	sadd.s32 @!p0 $0x88, s6;
	s7 =	simm.s32 @p2 $0x1082  }
0x22: {  	[simem:s7], [sflag:s8] =	dma.local @!p0 [hbm:s6], $0xF7A  }
0x23: {  	s9 =	sor.u32 $0xD0000000, s2;
	s6 =	simm.s32 $0x108;
	_ =	swait.ge @!p0 [sflag:s8], $0x0  }
0x24: {  	s3 =	sadd.s32 $0x88, s3;
	s6 =	simm.s32 @!p1 $0x1082;
	[sflag:s4] =	ssyncset.s32 $0xFFFFF086  }
0x25: {  	[simem:s6], [sflag:s4] =	dma.local [hbm:s3], $0xF7A  }
0x26: {  	[smem:$0x3F95] =	sst s1;
	(tag) =	ssettag s2;
	_ =	strace s9  }
0x27: {  	s1 =	sld [smem:$0x3FA5]  }
0x28: {  	s2 =	sld [smem:$0x3FA6]  }
0x29: {  	s4 =	sld [smem:$0x3FA8]  }
0x2a: {  	p0 =	seq.s32 s5, $0x0;
	s5 =	sld [smem:$0x3FA9]  }
0x2b: {  	s6 =	sld [smem:$0x3FAA]  }
0x2c: {  	s7 =	sld [smem:$0x3FAB]  }
0x2d: {  	s3 =	simm.s32 $0x108;
	s8 =	sld [smem:$0x3FAC]  }
0x2e: {  	s3 =	simm.s32 @!p0 $0x1082;
	s9 =	sld [smem:$0x3FAD]  }
0x2f: {  	lr =	sadd.s32 s0, s3;
	s0 =	sld [smem:$0x3FA4]  }
0x30: {  	s3 =	sld [smem:$0x3FA7]  }
0x31: {  	[smem:$0x3FB0] =	sst s10  }
0x32: {  	s10 =	sld [smem:$0x3FAE];
	_ =	sdelay $0x3  }
0x33: {  	p0 =	seq.s32 s10, $0x1;
	s10 =	sld [smem:$0x3FB0];
	_ =	sdelay $0x3  }
0x34: {  	[smem:$0x3FB0] =	sst s10  }
0x35: {  	s10 =	sld [smem:$0x3FAF];
	_ =	sdelay $0x3  }
0x36: {  	p1 =	seq.s32 s10, $0x1;
	s10 =	sld [smem:$0x3FB0];
	_ =	sdelay $0x3  }
0x37: {  	[smem:$0x3FB0] =	sst s10  }
0x38: {  	s10 =	sld [smem:$0x3FB1]  }
0x39: {  	_ = 	snop;
	(pc) =	sbr.ind lr, $3  }
0x3a: {  	_ = 	snop  }
0x3b: {  	_ = 	snop  }
0x3c: {  	p2 =	seq.s32 s10, $0x1;
	s10 =	sld [smem:$0x3FB0]  }
0x3d: {  	_ =	shalt  }
0x3e: {  	_ =	shalt  }
0x3f: {  	_ =	shalt  }
0x40: {  	_ =	shalt  }
0x41: {  	_ =	shalt  }
0x42: {  	_ =	shalt  }
0x43: {  	_ =	shalt  }
0x44: {  	_ =	shalt  }
0x45: {  	_ =	shalt  }
0x46: {  	_ =	shalt  }
0x47: {  	_ =	shalt  }
0x48: {  	_ =	shalt  }
0x49: {  	_ =	shalt  }
0x4a: {  	_ =	shalt  }
0x4b: {  	_ =	shalt  }
0x4c: {  	_ =	shalt  }
0x4d: {  	_ =	shalt  }
0x4e: {  	_ =	shalt  }
0x4f: {  	_ =	shalt  }
0x50: {  	_ =	shalt  }
0x51: {  	_ =	shalt  }
0x52: {  	_ =	shalt  }
0x53: {  	_ =	shalt  }
0x54: {  	_ =	shalt  }
0x55: {  	_ =	shalt  }
0x56: {  	_ =	shalt  }
0x57: {  	_ =	shalt  }
0x58: {  	_ =	shalt  }
0x59: {  	_ =	shalt  }
0x5a: {  	_ =	shalt  }
0x5b: {  	_ =	shalt  }
0x5c: {  	_ =	shalt  }
0x5d: {  	_ =	shalt  }
0x5e: {  	_ =	shalt  }
0x5f: {  	_ =	shalt  }
0x60: {  	_ =	shalt  }
0x61: {  	_ =	shalt  }
0x62: {  	_ =	shalt  }
0x63: {  	_ =	shalt  }
0x64: {  	_ =	shalt  }
0x65: {  	_ =	shalt  }
0x66: {  	_ =	shalt  }
0x67: {  	_ =	shalt  }
0x68: {  	_ =	shalt  }
0x69: {  	_ =	shalt  }
0x6a: {  	_ =	shalt  }
0x6b: {  	_ =	shalt  }
0x6c: {  	_ =	shalt  }
0x6d: {  	_ =	shalt  }
0x6e: {  	_ =	shalt  }
0x6f: {  	_ =	shalt  }
0x70: {  	_ =	shalt  }
0x71: {  	_ =	shalt  }
0x72: {  	_ =	shalt  }
0x73: {  	_ =	shalt  }
0x74: {  	_ =	shalt  }
0x75: {  	_ =	shalt  }
0x76: {  	_ =	shalt  }
0x77: {  	_ =	shalt  }
0x78: {  	_ =	shalt  }
0x79: {  	_ =	shalt  }
0x7a: {  	_ =	shalt  }
0x7b: {  	_ =	shalt  }
0x7c: {  	_ =	shalt  }
0x7d: {  	_ =	shalt  }
0x7e: {  	_ =	shalt  }
0x7f: {  	_ =	shalt  }
0x80: {  	_ =	shalt  }
0x81: {  	_ =	shalt  }
0x82: {  	_ =	shalt  }
0x83: {  	_ =	shalt  }
0x84: {  	_ =	shalt  }
0x85: {  	_ =	shalt  }
0x86: {  	_ =	shalt  }
0x87: {  	_ =	shalt  }
.Lfunc_end0:
.L_simem_size_0:
called_computation_lowered:
.L_overlay_start_0:
0x88: {  	s2 =	sld [smem:$0x3FD9]  }
0x89: {  	s3 =	sld [smem:$0x3FFE];
	_ =	sdelay $0x1  }
0x8a: {  	s1 =	srdreg.scid  }
0x8b: {  	s0 =	sand.u32 $0x1, s1  }
0x8c: {  	s17 =	sshll.u32 s0, $0xA;
	s2 =	sadd.s32 s3, s2  }
0x8d: {  	s2 =	sadd.s32 s2, s17  }
0x8e: {  	[smem:$0x3FBC] =	sst s2  }
0x8f: {  	_ = 	snop  }
0x90: {  	s2 =	sld [smem:$0x3FD0];
	(tm) =	ssettm $0x1  }
0x91: {  	s18 =	sld [smem:$0x3FFB];
	_ =	sdelay $0x3  }
0x92: {  	_ =	strace s18  }
0x93: {  	s3 =	sld [smem:$0x3FFC];
	_ =	sdelay $0x3  }
0x94: {  	_ =	strace s3  }
0x95: {  	s3 =	sld [smem:$0x3FFD];
	_ =	sdelay $0x3  }
0x96: {  	_ =	strace s3  }
0x97: {  	_ =	strace $0x8FFFFFFF  }
0x98: {  	s19 =	sld [smem:$0x3FDB];
	_ =	sdelay $0x1  }
0x99: {  	s4 =	simm.s32 $_scs_section_size  }
0x9a: {  	s5 =	simm.s32 $_size__tile_overlayer_lowered;
	s6 =	simm.s32 $_tile_overlayer_lowered  }
0x9b: {  	s22 =	simm.s32 $0x1BFF;
	s21 =	sshll.u32 s6, $0x1;
	s3 =	sadd.s32 s4, s19  }
0x9c: {  	s7 =	simm.s32 $0x0;
	s20 =	sshll.u32 s5, $0x1;
	s5 =	sadd.s32 s21, s3  }
0x9d: {  	[timem:s7], [sflag:s22] =	dma.local [hbm:s5], s20  }
0x9e: {  	_ =	swait.ge [sflag:s22], s20  }
0x9f: {  	s4 =	ssub.s32 $0x0, s20;
	[sflag:s22] =	ssyncset.done $0x0  }
0xa0: {  	[sflag:s22] =	ssyncadd.s32 s4;
	_ =	sdelay $0x1  }
0xa1: {  	s23 =	simm.s32 $0x1B8B  }
0xa2: {  	_ =	swait.ge [sflag:s23], $0x1  }
0xa3: {  	[sflag:s23] =	ssyncset.done $0x0  }
0xa4: {  	s25 =	simm.s32 $0x1B8E;
	s24 =	sld [smem:$0x3FFE];
	[sflag:s23] =	ssyncadd.s32 $0xFFFFFFFF  }
0xa5: {  	s26 =	simm.s32 $execute0_lowered;
	[smem:$0x3FD2] =	sst s25  }
0xa6: {  	s5 =	sshll.u32 s26, $0x1;
	_ =	strace $0x80000046;
	[dreg:$0x1] =	wrdreg $0xFFFFFFFF  }
0xa7: {  	s28 =	simm.s32 $_size_execute0_lowered;
	s3 =	sadd.s32 s3, s5;
	[dreg:$0x0] =	wrdreg $0x0  }
0xa8: {  	s5 =	sshll.u32 s28, $0x1;
	[dreg:$0x2] =	wrdreg s3  }
0xa9: {  	[dreg:$0x3] =	wrdreg s5  }
0xaa: {  	[dreg:$0x4] =	wrdreg $0xC0  }
0xab: {  	_ =	task [dreg:s7], $0x5FFFF  }
0xac: {  	[dreg:$0x1] =	wrdreg $0xFFFFFFFF  }
0xad: {  	[dreg:$0x0] =	wrdreg $0x60  }
0xae: {  	[dreg:$0x2] =	wrdreg s24  }
0xaf: {  	[dreg:$0x3] =	wrdreg s2  }
0xb0: {  	[dreg:$0x4] =	wrdreg $0x58000  }
0xb1: {  	[dreg:$0x5] =	wrdreg $0x9  }
0xb2: {  	_ =	task.clear_ibuf [dreg:s7], $0x6FFFF;
	_ =	strace $0x90000046  }
0xb3: {  	s29 =	simm.s32 $0x9;
	_ =	strace $0x80000048  }
0xb4: {  	_ =	swait.ge [sflag:s29], $0x1  }
0xb5: {  	[sflag:s29] =	ssyncadd.s32 $0xFFFFFFFF  }
0xb6: {  	_ =	strace $0x90000048  }
0xb7: {  	_ =	sfence  }
0xb8: {  	s30 =	sld [smem:$0x0];
	_ =	sdelay $0x2  }
0xb9: {  	s31 =	sshll.u32 s1, $0xD;
	s1 =	sshrl.u32 s1, $0x2  }
0xba: {  	s3 =	sand.u32 $0x4000, s31;
	s1 =	sadd.s32 s1, s30  }
0xbb: {  	s0 =	sor.u32 s3, s0;
	s1 =	sshll.u32 s1, $0x11  }
0xbc: {  	s0 =	sor.u32 s1, s0  }
0xbd: {  	s0 =	sadd.s32 $0x8F2B, s0  }
0xbe: {  	[sflag:s0] =	ssyncadd.remote.s32 $0x1  }
0xbf: {  	_ =	sfence.sel $0xFFFF  }
0xc0: {  	[dreg:$0x0] =	wrdreg $0xFFFFFFFF;
	(pc) =	sbr.abs _section_cstart, $3  }
0xc1: {  	[dreg:$0x1] =	wrdreg $0xFFFFFFFF  }
0xc2: {  	_ =	task.clear_ibuf [dreg:s7], $0x2FFFF;
	_ =	strace $0x9FFFFFFF  }
0xc3: {  	(tm) =	ssettm $0x7FFFFFFF  }
tec
execute0_lowered:
.L_overlay_start_1:
0x0: {  	(tag) =	ssettag $0x1  }
0x1: {  	s6 =	rddreg [dreg:$0x0]  }
0x2: {  	s2 =	rddreg [dreg:$0x1]  }
0x3: {  	s0 =	srdreg.scid;
	s3 =	rddreg [dreg:$0x2]  }
0x4: {  	s1 =	stileid.u32;
	s4 =	simm.s32 $0x0;
	s14 =	simm.s32 $0x2800  }
0x5: {  	s15 =	simm.s32 $0x80;
	s16 =	simm.s32 $0x1;
	s17 =	simm.s32 $0x0  }
0x6: {  	s5 =	sand.u32 $0x1, s0;
	s0 =	rddreg [dreg:$0x3];
	s8 =	smul.u32 $0x4F00, s1  }
0x7: {  	[smem:$0x7FF] =	sst s4;
	s31 =	sshll.u32 s1, $0x6;
	s7 =	sshll.u32 s5, $0x4  }
0x8: {  	s9 =	smul.u32 $0x4F000, s5;
	_ =	strace $0x80000047;
	s7 =	sor.u32 s1, s7  }
0x9: {  	s29 =	ssub.s32 $0x2, s5;
	s5 =	sadd.s32 $0x2B200, s6;
	s7 =	smul.u32 $0x500, s7  }
0xa: {  	s30 =	sshrl.u32 s29, $0x1;
	s13 =	sadd.s32 s8, s3;
	s9 =	sadd.s32 s8, s9  }
0xb: {  	s12 =	ssub.s32 s29, s30;
	s28 =	sshrl.u32 s9, $0x3;
	s10 =	sadd.s32 s7, s6  }
0xc: {  	s11 =	sadd.s32 s28, s6;
	s6 =	sor.u32 $0x1C02, s31;
	s7 =	sadd.s32 $0xD200, s10  }
0xd: {  	s8 =	sadd.s32 $0x3200, s10;
	s9 =	sadd.s32 $0x2BC00, s11;
	s10 =	smax.u32 s12, $0x1  }
0xe: {  	s11 =	sshrl.u32 s13, $0x3;
	s12 =	simm.s32 $0x2;
	s13 =	simm.s32 $0x5000  }
.LBB2_1:
0xf: {  	[spmem:s11], [sflag:s6] =	dma.local [hbm:s5], $0x9E0  }
0x10: {  	_ =	swait.ge [sflag:s12], $0x9E0  }
0x11: {  	[sflag:s12] =	ssyncset.done $0x0  }
0x12: {  	[sflag:s12] =	ssyncadd.s32 $0xFFFFF620  }
0x13: {  	[tilespmem:s13], [sflag:$0x2] =	stream.linear.gather [hbm4b:s2+s4], $0x800, $0x38;
	[tilespmem:$0xA700] =	vst v63  }
0x14: {  	_ =	swait.ge [sflag:s12], $0x800  }
0x15: {  	[sflag:s12] =	ssyncset.done $0x0  }
0x16: {  	[sflag:s12] =	ssyncadd.s32 $0xFFFFF800  }
0x17: {  	[tilespmem:s4], [sflag:$0x2] =	stream.linear.gather [hbm4b:s7+s4], $0x2800, $0x38;
	[tilespmem:$0xA700] =	vst v63  }
0x18: {  	_ =	swait.ge [sflag:s12], $0x2800  }
0x19: {  	[sflag:s12] =	ssyncset.done $0x0  }
0x1a: {  	[sflag:s12] =	ssyncadd.s32 $0xFFFFD800  }
0x1b: {  	[tilespmem:s14], [sflag:$0x2] =	stream.linear.gather [hbm4b:s8+s4], $0x2800, $0x38;
	[tilespmem:$0xA700] =	vst v63  }
0x1c: {  	_ =	swait.ge [sflag:s12], $0x2800  }
0x1d: {  	[sflag:s12] =	ssyncset.done $0x0  }
0x1e: {  	[sflag:s12] =	ssyncadd.s32 $0xFFFFD800  }
0x1f: {  	[bflag:$0x0] =	sbarrier.arrive $0xFFFF  }
0x20: {  	[spmem:s3] =	stream.indirect.scatter.add.f32 [tilespmem:s13], [sflag:$0x1], $0x10, s4, s15, $0xb8;
	[tilespmem:$0xA700] =	vst v63  }
0x21: {  	_ = 	snop  }
0x22: {  	[spmem:s3] =	stream.indirect.scatter.add.f32 [tilespmem:s13], [sflag:$0x1], $0x10, s14, s15, $0xb8;
	[tilespmem:$0xA700] =	vst v63  }
0x23: {  	s18 =	simm.s32 $0x80  }
0x24: {  	[spmem:s3] =	stream.indirect.scatter.add.f32 [tilespmem:s13], [sflag:$0x1], $0x10, s18, s15, $0xb8;
	[tilespmem:$0xA700] =	vst v63  }
0x25: {  	s31 =	simm.s32 $0x2880  }
0x26: {  	[spmem:s3] =	stream.indirect.scatter.add.f32 [tilespmem:s13], [sflag:$0x1], $0x10, s31, s15, $0xb8;
	[tilespmem:$0xA700] =	vst v63  }
0x27: {  	_ =	swait.ge [sflag:s16], $0x800  }
0x28: {  	[sflag:s16] =	ssyncset.done $0x0  }
0x29: {  	[sflag:s16] =	ssyncadd.s32 $0xFFFFF800  }
0x2a: {  	_ =	swait.ge [sflag:s16], $0x800  }
0x2b: {  	s19 =	simm.s32 $0x600;
	s18 =	simm.s32 $0x400;
	[sflag:s16] =	ssyncset.done $0x0  }
.LBB2_2:
0x2c: {  	s20 =	sshra.s32 s18, $0x2  }
0x2d: {  	[sflag:s16] =	ssyncadd.s32 $0xFFFFF800;
	s18 =	smov.u32 s19;
	s21 =	sadd.s32 $0x200, s19  }
0x2e: {  	[spmem:s3] =	stream.indirect.scatter.add.f32 [tilespmem:s13], [sflag:$0x1], $0x10, s20, s15, $0xb8;
	[tilespmem:$0xA700] =	vst v63  }
0x2f: {  	p0 =	sne.s32 s19, $0x9E00;
	s19 =	sadd.s32 $0x2800, s20  }
0x30: {  	[spmem:s3] =	stream.indirect.scatter.add.f32 [tilespmem:s13], [sflag:$0x1], $0x10, s19, s15, $0xb8;
	[tilespmem:$0xA700] =	vst v63  }
.Ltmp0:
0x31: {  	_ =	swait.ge [sflag:s16], $0x800;
	(pc) =	sbr.rel @p0 .LBB2_2-.Ltmp0, $4  }
0x32: {  	[sflag:s16] =	ssyncset.done $0x0  }
0x33: {  	[sflag:s16] =	ssyncadd.s32 $0xFFFFF800  }
0x34: {  	_ =	swait.ge [sflag:s16], $0x800  }
0x35: {  	s19 =	smov.u32 s21;
	[sflag:s16] =	ssyncset.done $0x0  }
0x36: {  	s18 =	sshra.s32 s18, $0x2;
	[sflag:s16] =	ssyncadd.s32 $0xFFFFF800  }
0x37: {  	[spmem:s3] =	stream.indirect.scatter.add.f32 [tilespmem:s13], [sflag:$0x1], $0x10, s18, s15, $0xb8;
	[tilespmem:$0xA700] =	vst v63  }
0x38: {  	s18 =	sadd.s32 $0x2800, s18  }
0x39: {  	[spmem:s3] =	stream.indirect.scatter.add.f32 [tilespmem:s13], [sflag:$0x1], $0x10, s18, s15, $0xb8;
	[tilespmem:$0xA700] =	vst v63  }
0x3a: {  	_ =	swait.ge [sflag:s16], $0x800  }
0x3b: {  	[sflag:s16] =	ssyncset.done $0x0  }
0x3c: {  	[sflag:s16] =	ssyncadd.s32 $0xFFFFF800  }
0x3d: {  	_ =	swait.ge [sflag:s16], $0x800  }
0x3e: {  	[sflag:s16] =	ssyncset.done $0x0  }
0x3f: {  	[sflag:s16] =	ssyncadd.s32 $0xFFFFF800  }
0x40: {  	_ =	swait.ge [sflag:s16], $0x800  }
0x41: {  	[sflag:s16] =	ssyncset.done $0x0  }
0x42: {  	[sflag:s16] =	ssyncadd.s32 $0xFFFFF800  }
0x43: {  	_ =	swait.ge [sflag:s16], $0x800  }
0x44: {  	s17 =	sadd.s32 $0x1, s17;
	[sflag:s16] =	ssyncset.done $0x0  }
0x45: {  	p0 =	sne.s32 s17, s10;
	[sflag:s16] =	ssyncadd.s32 $0xFFFFF800  }
.Ltmp1:
0x46: {  	[bflag:$0x0] =	sbarrier.arrive $0xFFFF;
	(pc) =	sbr.rel @p0 .LBB2_1-.Ltmp1, $4  }
0x47: {  	[hbm:s9], [sflag:s6] =	dma.local [spmem:s11], $0x9E0  }
0x48: {  	_ =	swait.ge [sflag:s12], $0x9E0  }
0x49: {  	[sflag:s12] =	ssyncset.done $0x0  }
0x4a: {  	[sflag:s12] =	ssyncadd.s32 $0xFFFFF620  }
0x4b: {  	_ =	sfence.sel $0x180000  }
0x4c: {  	[bflag:$0x0] =	sbarrier.arrive $0xFFFF  }
0x4d: {  	p0 =	sne.s32 s1, $0x0;
	_ =	strace $0x90000047  }
0x4e: {  	s0 =	sadd.s32 @!p0 $0x100000, s0;
	[bflag:$0x2] =	sbarrier.arrive $0xFFFF  }
0x4f: {  	[sflag:s0] =	ssyncadd.tile.s32 @!p0 $0x1;
	_ =	shalt  }
.Lfunc_end2:
_tile_overlayer_lowered:
.L_overlay_start_2:
0x50: {  	(tag) =	ssettag $0x2  }
0x51: {  	s0 =	rddreg [dreg:$0x0];
	s2 =	stileid.u32  }
0x52: {  	s1 =	rddreg [dreg:$0x1];
	p0 =	sne.s32 s2, $0x0  }
0x53: {  	s3 =	rddreg [dreg:$0x2];
	[bflag:$0x3] =	sbarrier.arrive $0xFFFF;
	s2 =	simm.s32 @!p0 $0x1C02  }
0x54: {  	[timem:s3], [sflag:s2] =	dma.local @!p0 [hbm:s0], s1  }
0x55: {  	s0 =	simm.s32 @!p0 $0x2  }
0x56: {  	_ =	swait.ge @!p0 [sflag:s0], s1  }
0x57: {  	s1 =	ssub.s32 @!p0 $0x0, s1;
	[sflag:s0] =	ssyncset.done @!p0 $0x0  }
0x58: {  	[sflag:s0] =	ssyncadd.s32 @!p0 s1  }
0x59: {  	[bflag:$0x3] =	sbarrier.arrive $0xFFFF  }
0x5a: {  	_ =	shalt  }

// kernel: kernel.13.cloned.1.call-start
scs
__scs_entry_jumppad:
0x0: {  	(pc) =	sbr.rel $0x88, $3  }
0x1: {  	(tag) =	ssettag $0x0;
	lr =	simm.s32 $0x1  }
0x2: {  	[smem:$0x3F95] =	sst lr;
	_ =	strace $0xD0000000  }
0x3: {  	_ = 	snop  }
0x4: {  	_ = 	snop  }
0x5: {  	_ = 	snop  }
0x6: {  	_ = 	snop  }
0x7: {  	_ = 	snop  }
__scs_overlays_trampoline_lowered:
0x8: {  	[smem:$0x3FA4] =	sst s0  }
0x9: {  	[smem:$0x3FA5] =	sst s1  }
0xa: {  	[smem:$0x3FA6] =	sst s2  }
0xb: {  	[smem:$0x3FA7] =	sst s3  }
0xc: {  	[smem:$0x3FA8] =	sst s4  }
0xd: {  	[smem:$0x3FA9] =	sst s5  }
0xe: {  	[smem:$0x3FAA] =	sst s6  }
0xf: {  	[smem:$0x3FAB] =	sst s7  }
0x10: {  	[smem:$0x3FAC] =	sst s8  }
0x11: {  	[smem:$0x3FAD] =	sst s9;
	s0 =	simm.s32 @!p0 $0x0  }
0x12: {  	s1 =	sld [smem:$0x3F93];
	s0 =	simm.s32 @p0 $0x1  }
0x13: {  	[smem:$0x3FAE] =	sst s0;
	s0 =	simm.s32 @!p1 $0x0  }
0x14: {  	s2 =	sld [smem:$0x3F92];
	s0 =	simm.s32 @p1 $0x1  }
0x15: {  	[smem:$0x3FAF] =	sst s0;
	s0 =	simm.s32 @!p2 $0x0  }
0x16: {  	s3 =	sld [smem:$0x3FDB];
	s0 =	simm.s32 @p2 $0x1  }
0x17: {  	s4 =	simm.s32 $0x1BF5;
	[smem:$0x3FB1] =	sst s0  }
0x18: {  	s0 =	sld [smem:$0x3F94];
	_ =	swait.ge [sflag:s4], $0x0  }
0x19: {  	s7 =	sld [smem:$0x3F95]  }
0x1a: {  	s8 =	sadd.s32 $0xFFFFE003, lr  }
0x1b: {  	s9 =	sadd.s32 $0xFFFFFEF7, lr;
	s5 =	simm.s32 $0xFFFFFFFF;
	p2 =	slt.u32 s8, $0xFFFFF086  }
0x1c: {  	p1 =	slt.u32 s9, $0xF7A;
	s5 =	simm.s32 @!p2 $0x0  }
0x1d: {  	s5 =	simm.s32 @p1 $0x1;
	p0 =	seq.s32 s7, s2  }
0x1e: {  	s7 =	smul.u32 @!p0 $0xF7A, s2;
	p2 =	seq.s32 @!p0 s5, $0x0  }
0x1f: {  	s9 =	smul.u32 $0xF7A, s1;
	s8 =	simm.s32 @!p0 $0x1BF5;
	p2 =	por !p2, p0  }
0x20: {  	[sflag:s8] =	ssyncset.s32 @!p0 $0xFFFFF086;
	s6 =	sadd.s32 @!p0 s3, s7;
	s7 =	simm.s32 @!p0 $0x108  }
0x21: {  	s3 =	sadd.s32 s3, s9;
	s6 =	sadd.s32 @!p0 $0x88, s6;
	s7 =	simm.s32 @p2 $0x1082  }
0x22: {  	[simem:s7], [sflag:s8] =	dma.local @!p0 [hbm:s6], $0xF7A  }
0x23: {  	s9 =	sor.u32 $0xD0000000, s2;
	s6 =	simm.s32 $0x108;
	_ =	swait.ge @!p0 [sflag:s8], $0x0  }
0x24: {  	s3 =	sadd.s32 $0x88, s3;
	s6 =	simm.s32 @!p1 $0x1082;
	[sflag:s4] =	ssyncset.s32 $0xFFFFF086  }
0x25: {  	[simem:s6], [sflag:s4] =	dma.local [hbm:s3], $0xF7A  }
0x26: {  	[smem:$0x3F95] =	sst s1;
	(tag) =	ssettag s2;
	_ =	strace s9  }
0x27: {  	s1 =	sld [smem:$0x3FA5]  }
0x28: {  	s2 =	sld [smem:$0x3FA6]  }
0x29: {  	s4 =	sld [smem:$0x3FA8]  }
0x2a: {  	p0 =	seq.s32 s5, $0x0;
	s5 =	sld [smem:$0x3FA9]  }
0x2b: {  	s6 =	sld [smem:$0x3FAA]  }
0x2c: {  	s7 =	sld [smem:$0x3FAB]  }
0x2d: {  	s3 =	simm.s32 $0x108;
	s8 =	sld [smem:$0x3FAC]  }
0x2e: {  	s3 =	simm.s32 @!p0 $0x1082;
	s9 =	sld [smem:$0x3FAD]  }
0x2f: {  	lr =	sadd.s32 s0, s3;
	s0 =	sld [smem:$0x3FA4]  }
0x30: {  	s3 =	sld [smem:$0x3FA7]  }
0x31: {  	[smem:$0x3FB0] =	sst s10  }
0x32: {  	s10 =	sld [smem:$0x3FAE];
	_ =	sdelay $0x3  }
0x33: {  	p0 =	seq.s32 s10, $0x1;
	s10 =	sld [smem:$0x3FB0];
	_ =	sdelay $0x3  }
0x34: {  	[smem:$0x3FB0] =	sst s10  }
0x35: {  	s10 =	sld [smem:$0x3FAF];
	_ =	sdelay $0x3  }
0x36: {  	p1 =	seq.s32 s10, $0x1;
	s10 =	sld [smem:$0x3FB0];
	_ =	sdelay $0x3  }
0x37: {  	[smem:$0x3FB0] =	sst s10  }
0x38: {  	s10 =	sld [smem:$0x3FB1]  }
0x39: {  	_ = 	snop;
	(pc) =	sbr.ind lr, $3  }
0x3a: {  	_ = 	snop  }
0x3b: {  	_ = 	snop  }
0x3c: {  	p2 =	seq.s32 s10, $0x1;
	s10 =	sld [smem:$0x3FB0]  }
0x3d: {  	_ =	shalt  }
0x3e: {  	_ =	shalt  }
0x3f: {  	_ =	shalt  }
0x40: {  	_ =	shalt  }
0x41: {  	_ =	shalt  }
0x42: {  	_ =	shalt  }
0x43: {  	_ =	shalt  }
0x44: {  	_ =	shalt  }
0x45: {  	_ =	shalt  }
0x46: {  	_ =	shalt  }
0x47: {  	_ =	shalt  }
0x48: {  	_ =	shalt  }
0x49: {  	_ =	shalt  }
0x4a: {  	_ =	shalt  }
0x4b: {  	_ =	shalt  }
0x4c: {  	_ =	shalt  }
0x4d: {  	_ =	shalt  }
0x4e: {  	_ =	shalt  }
0x4f: {  	_ =	shalt  }
0x50: {  	_ =	shalt  }
0x51: {  	_ =	shalt  }
0x52: {  	_ =	shalt  }
0x53: {  	_ =	shalt  }
0x54: {  	_ =	shalt  }
0x55: {  	_ =	shalt  }
0x56: {  	_ =	shalt  }
0x57: {  	_ =	shalt  }
0x58: {  	_ =	shalt  }
0x59: {  	_ =	shalt  }
0x5a: {  	_ =	shalt  }
0x5b: {  	_ =	shalt  }
0x5c: {  	_ =	shalt  }
0x5d: {  	_ =	shalt  }
0x5e: {  	_ =	shalt  }
0x5f: {  	_ =	shalt  }
0x60: {  	_ =	shalt  }
0x61: {  	_ =	shalt  }
0x62: {  	_ =	shalt  }
0x63: {  	_ =	shalt  }
0x64: {  	_ =	shalt  }
0x65: {  	_ =	shalt  }
0x66: {  	_ =	shalt  }
0x67: {  	_ =	shalt  }
0x68: {  	_ =	shalt  }
0x69: {  	_ =	shalt  }
0x6a: {  	_ =	shalt  }
0x6b: {  	_ =	shalt  }
0x6c: {  	_ =	shalt  }
0x6d: {  	_ =	shalt  }
0x6e: {  	_ =	shalt  }
0x6f: {  	_ =	shalt  }
0x70: {  	_ =	shalt  }
0x71: {  	_ =	shalt  }
0x72: {  	_ =	shalt  }
0x73: {  	_ =	shalt  }
0x74: {  	_ =	shalt  }
0x75: {  	_ =	shalt  }
0x76: {  	_ =	shalt  }
0x77: {  	_ =	shalt  }
0x78: {  	_ =	shalt  }
0x79: {  	_ =	shalt  }
0x7a: {  	_ =	shalt  }
0x7b: {  	_ =	shalt  }
0x7c: {  	_ =	shalt  }
0x7d: {  	_ =	shalt  }
0x7e: {  	_ =	shalt  }
0x7f: {  	_ =	shalt  }
0x80: {  	_ =	shalt  }
0x81: {  	_ =	shalt  }
0x82: {  	_ =	shalt  }
0x83: {  	_ =	shalt  }
0x84: {  	_ =	shalt  }
0x85: {  	_ =	shalt  }
0x86: {  	_ =	shalt  }
0x87: {  	_ =	shalt  }
.Lfunc_end0:
.L_simem_size_0:
called_computation.1_lowered:
.L_overlay_start_0:
0x88: {  	s2 =	sld [smem:$0x3FD9]  }
0x89: {  	s3 =	sld [smem:$0x3FFE];
	_ =	sdelay $0x1  }
0x8a: {  	s1 =	srdreg.scid  }
0x8b: {  	s0 =	sand.u32 $0x1, s1  }
0x8c: {  	s16 =	sshll.u32 s0, $0xA;
	s2 =	sadd.s32 s3, s2  }
0x8d: {  	s2 =	sadd.s32 s2, s16  }
0x8e: {  	[smem:$0x3FBC] =	sst s2  }
0x8f: {  	_ = 	snop  }
0x90: {  	(tm) =	ssettm $0x1  }
0x91: {  	s17 =	sld [smem:$0x3FFB];
	_ =	sdelay $0x3  }
0x92: {  	_ =	strace s17  }
0x93: {  	s2 =	sld [smem:$0x3FFC];
	_ =	sdelay $0x3  }
0x94: {  	_ =	strace s2  }
0x95: {  	s2 =	sld [smem:$0x3FFD];
	_ =	sdelay $0x3  }
0x96: {  	_ =	strace s2  }
0x97: {  	_ =	strace $0x8FFFFFFF  }
0x98: {  	s18 =	sld [smem:$0x3FDB];
	_ =	sdelay $0x1  }
0x99: {  	s19 =	simm.s32 $_scs_section_size  }
0x9a: {  	s4 =	simm.s32 $_size__tile_overlayer_lowered;
	s5 =	simm.s32 $_tile_overlayer_lowered  }
0x9b: {  	s22 =	simm.s32 $0x1BFF;
	s21 =	sshll.u32 s5, $0x1;
	s2 =	sadd.s32 s19, s18  }
0x9c: {  	s6 =	simm.s32 $0x0;
	s20 =	sshll.u32 s4, $0x1;
	s4 =	sadd.s32 s21, s2  }
0x9d: {  	[timem:s6], [sflag:s22] =	dma.local [hbm:s4], s20  }
0x9e: {  	_ =	swait.ge [sflag:s22], s20  }
0x9f: {  	s3 =	ssub.s32 $0x0, s20;
	[sflag:s22] =	ssyncset.done $0x0  }
0xa0: {  	[sflag:s22] =	ssyncadd.s32 s3;
	_ =	sdelay $0x1  }
0xa1: {  	s23 =	simm.s32 $0x1B8B  }
0xa2: {  	_ =	swait.ge [sflag:s23], $0x1  }
0xa3: {  	[sflag:s23] =	ssyncset.done $0x0  }
0xa4: {  	s25 =	simm.s32 $0x1B8E;
	s24 =	sld [smem:$0x3FFE];
	[sflag:s23] =	ssyncadd.s32 $0xFFFFFFFF  }
0xa5: {  	s26 =	simm.s32 $execute0_lowered;
	[smem:$0x3FD2] =	sst s25  }
0xa6: {  	s4 =	sshll.u32 s26, $0x1;
	_ =	strace $0x80000049;
	[dreg:$0x1] =	wrdreg $0xFFFFFFFF  }
0xa7: {  	s28 =	simm.s32 $_size_execute0_lowered;
	s2 =	sadd.s32 s2, s4;
	[dreg:$0x0] =	wrdreg $0x0  }
0xa8: {  	s4 =	sshll.u32 s28, $0x1;
	[dreg:$0x2] =	wrdreg s2  }
0xa9: {  	[dreg:$0x3] =	wrdreg s4  }
0xaa: {  	[dreg:$0x4] =	wrdreg $0xC0  }
0xab: {  	_ =	task [dreg:s6], $0x5FFFF  }
0xac: {  	[dreg:$0x1] =	wrdreg $0xFFFFFFFF  }
0xad: {  	[dreg:$0x0] =	wrdreg $0x60  }
0xae: {  	[dreg:$0x2] =	wrdreg s24  }
0xaf: {  	[dreg:$0x3] =	wrdreg $0xA9000  }
0xb0: {  	[dreg:$0x4] =	wrdreg $0x9  }
0xb1: {  	_ =	task.clear_ibuf [dreg:s6], $0x5FFFF;
	_ =	strace $0x90000049  }
0xb2: {  	s29 =	simm.s32 $0x9;
	_ =	strace $0x8000004B  }
0xb3: {  	_ =	swait.ge [sflag:s29], $0x1  }
0xb4: {  	[sflag:s29] =	ssyncadd.s32 $0xFFFFFFFF  }
0xb5: {  	_ =	strace $0x9000004B  }
0xb6: {  	_ =	sfence  }
0xb7: {  	s30 =	sld [smem:$0x0];
	_ =	sdelay $0x2  }
0xb8: {  	s31 =	sshll.u32 s1, $0xD;
	s1 =	sshrl.u32 s1, $0x2  }
0xb9: {  	s3 =	sand.u32 $0x4000, s31;
	s1 =	sadd.s32 s1, s30  }
0xba: {  	s0 =	sor.u32 s3, s0;
	s1 =	sshll.u32 s1, $0x11  }
0xbb: {  	s0 =	sor.u32 s1, s0  }
0xbc: {  	s0 =	sadd.s32 $0x8F2B, s0  }
0xbd: {  	[sflag:s0] =	ssyncadd.remote.s32 $0x1  }
0xbe: {  	_ =	sfence.sel $0xFFFF  }
0xbf: {  	[dreg:$0x0] =	wrdreg $0xFFFFFFFF;
	(pc) =	sbr.abs _section_cstart, $3  }
0xc0: {  	[dreg:$0x1] =	wrdreg $0xFFFFFFFF  }
0xc1: {  	_ =	task.clear_ibuf [dreg:s6], $0x2FFFF;
	_ =	strace $0x9FFFFFFF  }
0xc2: {  	(tm) =	ssettm $0x7FFFFFFF  }
0xc3: {  	_ =	shalt  }
tec
execute0_lowered:
.L_overlay_start_1:
0x0: {  	(tag) =	ssettag $0x1  }
0x1: {  	s0 =	srdreg.scid  }
0x2: {  	s12 =	stileid.u32;
	s6 =	rddreg [dreg:$0x0]  }
0x3: {  	s2 =	rddreg [dreg:$0x1];
	s3 =	simm.s32 $0x0;
	s17 =	simm.s32 $0x7  }
0x4: {  	s18 =	simm.s32 $0x100;
	s19 =	simm.s32 $0x1;
	s20 =	simm.s32 $0x80  }
0x5: {  	s21 =	simm.s32 $0x2900;
	s22 =	simm.s32 $0x3;
	s23 =	simm.s32 $0x2  }
0x6: {  	s24 =	simm.s32 $0x6900;
	s25 =	simm.s32 $0x4;
	s29 =	simm.s32 $0x6  }
0x7: {  	s31 =	simm.s32 $0x0;
	s0 =	sand.u32 $0x1, s0;
	s7 =	smul.u32 $0x13C00, s12  }
0x8: {  	[smem:$0x7FF] =	sst s3;
	s4 =	sadd.s32 $0x2B200, s6;
	s15 =	sadd.s32 $0x17200, s6  }
0x9: {  	s28 =	sshll.u32 s12, $0x6;
	s1 =	sshll.u32 s0, $0x4;
	s5 =	smul.u32 $0x13C000, s0  }
0xa: {  	_ =	strace $0x8000004A;
	s11 =	ssub.s32 $0x2, s0;
	s0 =	smul.u32 $0x28000, s0  }
0xb: {  	s1 =	sor.u32 s12, s1;
	s26 =	sshrl.u32 s11, $0x1;
	s12 =	smul.u32 $0x2800, s12  }
0xc: {  	s16 =	sadd.s32 s7, s2;
	s1 =	smul.u32 $0x2800, s1;
	s5 =	sadd.s32 s7, s5  }
0xd: {  	s11 =	ssub.s32 s11, s26;
	s16 =	sshrl.u32 s16, $0x3;
	s26 =	simm.s32 $0x5  }
0xe: {  	s10 =	sshrl.u32 s5, $0x3;
	s5 =	sadd.s32 $0x3200, s6;
	s11 =	smax.u32 s11, $0x1  }
0xf: {  	s0 =	sadd.s32 s12, s0;
	s8 =	sshrl.u32 s1, $0x3;
	s10 =	sadd.s32 s10, s6  }
0x10: {  	s13 =	sor.u32 $0x100, s1;
	s1 =	sor.u32 $0x180, s1;
	s30 =	sor.u32 $0x280, s0  }
0x11: {  	s0 =	sor.u32 $0x200, s0;
	s9 =	sadd.s32 s8, s6;
	s6 =	sor.u32 $0x1C07, s28  }
0x12: {  	s7 =	sadd.s32 s15, s8;
	s10 =	sadd.s32 $0x52400, s10;
	s13 =	sshrl.u32 s13, $0x3  }
0x13: {  	s1 =	sshrl.u32 s1, $0x3;
	s14 =	sshrl.u32 s30, $0x3;
	s0 =	sshrl.u32 s0, $0x3  }
0x14: {  	s8 =	sadd.s32 $0x21200, s9;
	s9 =	sadd.s32 $0x10, s7;
	s12 =	sadd.s32 s15, s13  }
0x15: {  	s13 =	sadd.s32 s15, s1;
	s14 =	sadd.s32 s14, s15;
	s15 =	sadd.s32 s0, s15  }
.LBB2_1:
0x16: {  	[spmem:s16], [sflag:s6] =	dma.local [hbm:s5], $0x2780  }
0x17: {  	_ =	swait.ge [sflag:s17], $0x2780  }
0x18: {  	[sflag:s17] =	ssyncset.done $0x0  }
0x19: {  	[sflag:s17] =	ssyncadd.s32 $0xFFFFD880  }
0x1a: {  	[tilespmem:s18], [sflag:$0x7] =	stream.linear.gather [hbm4b:s8+s3], $0x2800, $0x38;
	[tilespmem:$0x1E500] =	vst v63  }
0x1b: {  	_ =	swait.ge [sflag:s17], $0x2800  }
0x1c: {  	[sflag:s17] =	ssyncset.done $0x0  }
0x1d: {  	[sflag:s17] =	ssyncadd.s32 $0xFFFFD800  }
0x1e: {  	[bflag:$0x0] =	sbarrier.arrive $0xFFFF  }
0x1f: {  	[tilespmem:s3], [sflag:$0x1] =	stream.linear.gather [hbm4b:s7+s3], $0x80, $0x38;
	[tilespmem:$0x1E500] =	vst v63  }
0x20: {  	_ =	swait.ge [sflag:s19], $0x80  }
0x21: {  	[sflag:s19] =	ssyncset.done $0x0  }
0x22: {  	[sflag:s19] =	ssyncadd.s32 $0xFFFFFF80  }
0x23: {  	[tilespmem:s21], [sflag:$0x3] =	stream.indirect.gather [hbm4b:s4+s20], $0x80, s3, s20, $0xb8;
	[tilespmem:$0x1E500] =	vst v63  }
0x24: {  	_ = 	snop  }
0x25: {  	[tilespmem:s20], [sflag:$0x2] =	stream.linear.gather [hbm4b:s9+s3], $0x80, $0x38;
	[tilespmem:$0x1E500] =	vst v63  }
0x26: {  	_ =	swait.ge [sflag:s22], $0x4000  }
0x27: {  	[sflag:s22] =	ssyncset.done $0x0  }
0x28: {  	[sflag:s22] =	ssyncadd.s32 $0xFFFFC000  }
0x29: {  	_ =	swait.ge [sflag:s23], $0x80  }
0x2a: {  	[sflag:s23] =	ssyncset.done $0x0  }
0x2b: {  	[sflag:s23] =	ssyncadd.s32 $0xFFFFFF80  }
0x2c: {  	[tilespmem:s24], [sflag:$0x4] =	stream.indirect.gather [hbm4b:s4+s20], $0x80, s20, s20, $0xb8;
	[tilespmem:$0x1E500] =	vst v63  }
0x2d: {  	_ = 	snop  }
0x2e: {  	[spmem:s2] =	stream.indirect.scatter.add.f32 [tilespmem:s21], [sflag:$0x5], $0x80, s18, s20, $0xb8;
	[tilespmem:$0x1E500] =	vst v63  }
0x2f: {  	_ = 	snop  }
0x30: {  	[tilespmem:s3], [sflag:$0x1] =	stream.linear.gather [hbm4b:s12+s3], $0x80, $0x38;
	[tilespmem:$0x1E500] =	vst v63  }
0x31: {  	_ =	swait.ge [sflag:s25], $0x4000  }
0x32: {  	[sflag:s25] =	ssyncset.done $0x0  }
0x33: {  	[sflag:s25] =	ssyncadd.s32 $0xFFFFC000  }
0x34: {  	_ =	swait.ge [sflag:s26], $0x4000  }
0x35: {  	[sflag:s26] =	ssyncset.done $0x0  }
0x36: {  	[sflag:s26] =	ssyncadd.s32 $0xFFFFC000  }
0x37: {  	_ =	swait.ge [sflag:s19], $0x80  }
0x38: {  	[sflag:s19] =	ssyncset.done $0x0  }
0x39: {  	[sflag:s19] =	ssyncadd.s32 $0xFFFFFF80  }
0x3a: {  	[tilespmem:s21], [sflag:$0x3] =	stream.indirect.gather [hbm4b:s4+s20], $0x80, s3, s20, $0xb8;
	[tilespmem:$0x1E500] =	vst v63  }
0x3b: {  	s0 =	simm.s32 $0x180  }
0x3c: {  	[spmem:s2] =	stream.indirect.scatter.add.f32 [tilespmem:s24], [sflag:$0x6], $0x80, s0, s20, $0xb8;
	[tilespmem:$0x1E500] =	vst v63  }
0x3d: {  	_ = 	snop  }
0x3e: {  	[tilespmem:s20], [sflag:$0x2] =	stream.linear.gather [hbm4b:s13+s3], $0x80, $0x38;
	[tilespmem:$0x1E500] =	vst v63  }
0x3f: {  	_ =	swait.ge [sflag:s29], $0x4000  }
0x40: {  	[sflag:s29] =	ssyncset.done $0x0  }
0x41: {  	[sflag:s29] =	ssyncadd.s32 $0xFFFFC000  }
0x42: {  	_ =	swait.ge [sflag:s22], $0x4000  }
0x43: {  	[sflag:s22] =	ssyncset.done $0x0  }
0x44: {  	[sflag:s22] =	ssyncadd.s32 $0xFFFFC000  }
0x45: {  	_ =	swait.ge [sflag:s23], $0x80  }
0x46: {  	[sflag:s23] =	ssyncset.done $0x0  }
0x47: {  	[sflag:s23] =	ssyncadd.s32 $0xFFFFFF80  }
0x48: {  	[tilespmem:s24], [sflag:$0x4] =	stream.indirect.gather [hbm4b:s4+s20], $0x80, s20, s20, $0xb8;
	[tilespmem:$0x1E500] =	vst v63  }
0x49: {  	s1 =	simm.s32 $0x200  }
0x4a: {  	[spmem:s2] =	stream.indirect.scatter.add.f32 [tilespmem:s21], [sflag:$0x5], $0x80, s1, s20, $0xb8;
	[tilespmem:$0x1E500] =	vst v63  }
0x4b: {  	s30 =	sadd.s32 $0x0, s15  }
0x4c: {  	[tilespmem:s3], [sflag:$0x1] =	stream.linear.gather [hbm4b:s30+s3], $0x80, $0x38;
	[tilespmem:$0x1E500] =	vst v63  }
0x4d: {  	_ =	swait.ge [sflag:s25], $0x4000  }
0x4e: {  	[sflag:s25] =	ssyncset.done $0x0  }
0x4f: {  	[sflag:s25] =	ssyncadd.s32 $0xFFFFC000  }
0x50: {  	_ =	swait.ge [sflag:s26], $0x4000  }
0x51: {  	[sflag:s26] =	ssyncset.done $0x0  }
0x52: {  	[sflag:s26] =	ssyncadd.s32 $0xFFFFC000  }
0x53: {  	_ =	swait.ge [sflag:s19], $0x80  }
0x54: {  	[sflag:s19] =	ssyncset.done $0x0  }
0x55: {  	[sflag:s19] =	ssyncadd.s32 $0xFFFFFF80  }
0x56: {  	[tilespmem:s21], [sflag:$0x3] =	stream.indirect.gather [hbm4b:s4+s20], $0x80, s3, s20, $0xb8;
	[tilespmem:$0x1E500] =	vst v63  }
0x57: {  	s1 =	simm.s32 $0x280  }
0x58: {  	[spmem:s2] =	stream.indirect.scatter.add.f32 [tilespmem:s24], [sflag:$0x6], $0x80, s1, s20, $0xb8;
	[tilespmem:$0x1E500] =	vst v63  }
0x59: {  	s30 =	sadd.s32 $0x0, s14  }
0x5a: {  	[tilespmem:s20], [sflag:$0x2] =	stream.linear.gather [hbm4b:s30+s3], $0x80, $0x38;
	[tilespmem:$0x1E500] =	vst v63  }
0x5b: {  	_ =	swait.ge [sflag:s29], $0x4000  }
0x5c: {  	[sflag:s29] =	ssyncset.done $0x0  }
0x5d: {  	[sflag:s29] =	ssyncadd.s32 $0xFFFFC000  }
0x5e: {  	_ =	swait.ge [sflag:s22], $0x4000  }
0x5f: {  	[sflag:s22] =	ssyncset.done $0x0  }
0x60: {  	[sflag:s22] =	ssyncadd.s32 $0xFFFFC000  }
0x61: {  	_ =	swait.ge [sflag:s23], $0x80  }
0x62: {  	s28 =	simm.s32 $0x300;
	[sflag:s23] =	ssyncset.done $0x0  }
0x63: {  	s0 =	simm.s32 $0x20;
	s1 =	simm.s32 $0x380;
	[sflag:s23] =	ssyncadd.s32 $0xFFFFFF80  }
0x64: {  	[tilespmem:s24], [sflag:$0x4] =	stream.indirect.gather [hbm4b:s4+s20], $0x80, s20, s20, $0xb8;
	[tilespmem:$0x1E500] =	vst v63  }
.LBB2_2:
0x65: {  	[spmem:s2] =	stream.indirect.scatter.add.f32 [tilespmem:s21], [sflag:$0x5], $0x80, s28, s20, $0xb8;
	[tilespmem:$0x1E500] =	vst v63  }
0x66: {  	s28 =	smov.u32 s0  }
0x67: {  	p0 =	sne.s32 s0, $0x4A0;
	s0 =	sadd.s32 $0x20, s0;
	s30 =	sadd.s32 s28, s15  }
0x68: {  	[tilespmem:s3], [sflag:$0x1] =	stream.linear.gather [hbm4b:s30+s3], $0x80, $0x38;
	[tilespmem:$0x1E500] =	vst v63  }
0x69: {  	_ =	swait.ge [sflag:s25], $0x4000  }
0x6a: {  	[sflag:s25] =	ssyncset.done $0x0  }
0x6b: {  	[sflag:s25] =	ssyncadd.s32 $0xFFFFC000  }
0x6c: {  	_ =	swait.ge [sflag:s26], $0x4000  }
0x6d: {  	[sflag:s26] =	ssyncset.done $0x0  }
0x6e: {  	[sflag:s26] =	ssyncadd.s32 $0xFFFFC000  }
0x6f: {  	_ =	swait.ge [sflag:s19], $0x80  }
0x70: {  	[sflag:s19] =	ssyncset.done $0x0  }
0x71: {  	[sflag:s19] =	ssyncadd.s32 $0xFFFFFF80  }
0x72: {  	[tilespmem:s21], [sflag:$0x3] =	stream.indirect.gather [hbm4b:s4+s20], $0x80, s3, s20, $0xb8;
	[tilespmem:$0x1E500] =	vst v63  }
0x73: {  	_ = 	snop  }
0x74: {  	[spmem:s2] =	stream.indirect.scatter.add.f32 [tilespmem:s24], [sflag:$0x6], $0x80, s1, s20, $0xb8;
	[tilespmem:$0x1E500] =	vst v63  }
0x75: {  	s28 =	sadd.s32 s28, s14  }
0x76: {  	[tilespmem:s20], [sflag:$0x2] =	stream.linear.gather [hbm4b:s28+s3], $0x80, $0x38;
	[tilespmem:$0x1E500] =	vst v63  }
0x77: {  	_ =	swait.ge [sflag:s29], $0x4000  }
0x78: {  	[sflag:s29] =	ssyncset.done $0x0  }
0x79: {  	[sflag:s29] =	ssyncadd.s32 $0xFFFFC000  }
0x7a: {  	_ =	swait.ge [sflag:s22], $0x4000  }
0x7b: {  	[sflag:s22] =	ssyncset.done $0x0  }
0x7c: {  	[sflag:s22] =	ssyncadd.s32 $0xFFFFC000  }
.Ltmp0:
0x7d: {  	_ =	swait.ge [sflag:s23], $0x80;
	(pc) =	sbr.rel @p0 .LBB2_2-.Ltmp0, $4  }
0x7e: {  	[sflag:s23] =	ssyncset.done $0x0  }
0x7f: {  	[sflag:s23] =	ssyncadd.s32 $0xFFFFFF80  }
0x80: {  	[tilespmem:s24], [sflag:$0x4] =	stream.indirect.gather [hbm4b:s4+s20], $0x80, s20, s20, $0xb8;
	[tilespmem:$0x1E500] =	vst v63  }
0x81: {  	s28 =	sadd.s32 $0x80, s1;
	s1 =	sadd.s32 $0x100, s1  }
0x82: {  	[spmem:s2] =	stream.indirect.scatter.add.f32 [tilespmem:s21], [sflag:$0x5], $0x80, s28, s20, $0xb8;
	[tilespmem:$0x1E500] =	vst v63  }
0x83: {  	_ =	swait.ge [sflag:s25], $0x4000  }
0x84: {  	[sflag:s25] =	ssyncset.done $0x0  }
0x85: {  	[sflag:s25] =	ssyncadd.s32 $0xFFFFC000  }
0x86: {  	_ =	swait.ge [sflag:s26], $0x4000  }
0x87: {  	[sflag:s26] =	ssyncset.done $0x0  }
0x88: {  	[sflag:s26] =	ssyncadd.s32 $0xFFFFC000  }
0x89: {  	[spmem:s2] =	stream.indirect.scatter.add.f32 [tilespmem:s24], [sflag:$0x6], $0x80, s1, s20, $0xb8;
	[tilespmem:$0x1E500] =	vst v63  }
0x8a: {  	_ =	swait.ge [sflag:s29], $0x4000  }
0x8b: {  	s31 =	sadd.s32 $0x1, s31;
	[sflag:s29] =	ssyncset.done $0x0  }
0x8c: {  	p0 =	sne.s32 s31, s11;
	[sflag:s29] =	ssyncadd.s32 $0xFFFFC000  }
.Ltmp1:
0x8d: {  	[bflag:$0x0] =	sbarrier.arrive $0xFFFF;
	(pc) =	sbr.rel @p0 .LBB2_1-.Ltmp1, $4  }
0x8e: {  	[hbm:s10], [sflag:s6] =	dma.local [spmem:s16], $0x2780  }
0x8f: {  	_ =	swait.ge [sflag:s17], $0x2780  }
0x90: {  	[sflag:s17] =	ssyncset.done $0x0  }
0x91: {  	[sflag:s17] =	ssyncadd.s32 $0xFFFFD880  }
0x92: {  	_ =	sfence.sel $0x180000  }
0x93: {  	[bflag:$0x0] =	sbarrier.arrive $0xFFFF  }
0x94: {  	_ =	strace $0x9000004A  }
0x95: {  	s0 =	stileid.u32;
	[bflag:$0x2] =	sbarrier.arrive $0xFFFF  }
0x96: {  	p0 =	sne.s32 s0, $0x0;
	s0 =	rddreg [dreg:$0x2]  }
0x97: {  	s0 =	sadd.s32 @!p0 $0x100000, s0  }
0x98: {  	[sflag:s0] =	ssyncadd.tile.s32 @!p0 $0x1;
	_ =	shalt  }
.Lfunc_end2:
_tile_overlayer_lowered:
.L_overlay_start_2:
0x99: {  	(tag) =	ssettag $0x2  }
0x9a: {  	s0 =	rddreg [dreg:$0x0];
	s2 =	stileid.u32  }
0x9b: {  	s1 =	rddreg [dreg:$0x1];
	p0 =	sne.s32 s2, $0x0  }
0x9c: {  	s3 =	rddreg [dreg:$0x2];
	[bflag:$0x3] =	sbarrier.arrive $0xFFFF;
	s2 =	simm.s32 @!p0 $0x1C07  }
0x9d: {  	[timem:s3], [sflag:s2] =	dma.local @!p0 [hbm:s0], s1  }
0x9e: {  	s0 =	simm.s32 @!p0 $0x7  }
0x9f: {  	_ =	swait.ge @!p0 [sflag:s0], s1  }
0xa0: {  	s1 =	ssub.s32 @!p0 $0x0, s1;
	[sflag:s0] =	ssyncset.done @!p0 $0x0  }
0xa1: {  	[sflag:s0] =	ssyncadd.s32 @!p0 s1  }
0xa2: {  	[bflag:$0x3] =	sbarrier.arrive $0xFFFF  }
0xa3: {  	_ =	shalt  }

// kernel: kernel.16.cloned.1.call-start
scs
__scs_entry_jumppad:
0x0: {  	(pc) =	sbr.rel $0x88, $3  }
0x1: {  	(tag) =	ssettag $0x0;
	lr =	simm.s32 $0x1  }
0x2: {  	[smem:$0x3F95] =	sst lr;
	_ =	strace $0xD0000000  }
0x3: {  	_ = 	snop  }
0x4: {  	_ = 	snop  }
0x5: {  	_ = 	snop  }
0x6: {  	_ = 	snop  }
0x7: {  	_ = 	snop  }
__scs_overlays_trampoline_lowered:
0x8: {  	[smem:$0x3FA4] =	sst s0  }
0x9: {  	[smem:$0x3FA5] =	sst s1  }
0xa: {  	[smem:$0x3FA6] =	sst s2  }
0xb: {  	[smem:$0x3FA7] =	sst s3  }
0xc: {  	[smem:$0x3FA8] =	sst s4  }
0xd: {  	[smem:$0x3FA9] =	sst s5  }
0xe: {  	[smem:$0x3FAA] =	sst s6  }
0xf: {  	[smem:$0x3FAB] =	sst s7  }
0x10: {  	[smem:$0x3FAC] =	sst s8  }
0x11: {  	[smem:$0x3FAD] =	sst s9;
	s0 =	simm.s32 @!p0 $0x0  }
0x12: {  	s1 =	sld [smem:$0x3F93];
	s0 =	simm.s32 @p0 $0x1  }
0x13: {  	[smem:$0x3FAE] =	sst s0;
	s0 =	simm.s32 @!p1 $0x0  }
0x14: {  	s2 =	sld [smem:$0x3F92];
	s0 =	simm.s32 @p1 $0x1  }
0x15: {  	[smem:$0x3FAF] =	sst s0;
	s0 =	simm.s32 @!p2 $0x0  }
0x16: {  	s3 =	sld [smem:$0x3FDB];
	s0 =	simm.s32 @p2 $0x1  }
0x17: {  	s4 =	simm.s32 $0x1BF5;
	[smem:$0x3FB1] =	sst s0  }
0x18: {  	s0 =	sld [smem:$0x3F94];
	_ =	swait.ge [sflag:s4], $0x0  }
0x19: {  	s7 =	sld [smem:$0x3F95]  }
0x1a: {  	s8 =	sadd.s32 $0xFFFFE003, lr  }
0x1b: {  	s9 =	sadd.s32 $0xFFFFFEF7, lr;
	s5 =	simm.s32 $0xFFFFFFFF;
	p2 =	slt.u32 s8, $0xFFFFF086  }
0x1c: {  	p1 =	slt.u32 s9, $0xF7A;
	s5 =	simm.s32 @!p2 $0x0  }
0x1d: {  	s5 =	simm.s32 @p1 $0x1;
	p0 =	seq.s32 s7, s2  }
0x1e: {  	s7 =	smul.u32 @!p0 $0xF7A, s2;
	p2 =	seq.s32 @!p0 s5, $0x0  }
0x1f: {  	s9 =	smul.u32 $0xF7A, s1;
	s8 =	simm.s32 @!p0 $0x1BF5;
	p2 =	por !p2, p0  }
0x20: {  	[sflag:s8] =	ssyncset.s32 @!p0 $0xFFFFF086;
	s6 =	sadd.s32 @!p0 s3, s7;
	s7 =	simm.s32 @!p0 $0x108  }
0x21: {  	s3 =	sadd.s32 s3, s9;
	s6 =	sadd.s32 @!p0 $0x88, s6;
	s7 =	simm.s32 @p2 $0x1082  }
0x22: {  	[simem:s7], [sflag:s8] =	dma.local @!p0 [hbm:s6], $0xF7A  }
0x23: {  	s9 =	sor.u32 $0xD0000000, s2;
	s6 =	simm.s32 $0x108;
	_ =	swait.ge @!p0 [sflag:s8], $0x0  }
0x24: {  	s3 =	sadd.s32 $0x88, s3;
	s6 =	simm.s32 @!p1 $0x1082;
	[sflag:s4] =	ssyncset.s32 $0xFFFFF086  }
0x25: {  	[simem:s6], [sflag:s4] =	dma.local [hbm:s3], $0xF7A  }
0x26: {  	[smem:$0x3F95] =	sst s1;
	(tag) =	ssettag s2;
	_ =	strace s9  }
0x27: {  	s1 =	sld [smem:$0x3FA5]  }
0x28: {  	s2 =	sld [smem:$0x3FA6]  }
0x29: {  	s4 =	sld [smem:$0x3FA8]  }
0x2a: {  	p0 =	seq.s32 s5, $0x0;
	s5 =	sld [smem:$0x3FA9]  }
0x2b: {  	s6 =	sld [smem:$0x3FAA]  }
0x2c: {  	s7 =	sld [smem:$0x3FAB]  }
0x2d: {  	s3 =	simm.s32 $0x108;
	s8 =	sld [smem:$0x3FAC]  }
0x2e: {  	s3 =	simm.s32 @!p0 $0x1082;
	s9 =	sld [smem:$0x3FAD]  }
0x2f: {  	lr =	sadd.s32 s0, s3;
	s0 =	sld [smem:$0x3FA4]  }
0x30: {  	s3 =	sld [smem:$0x3FA7]  }
0x31: {  	[smem:$0x3FB0] =	sst s10  }
0x32: {  	s10 =	sld [smem:$0x3FAE];
	_ =	sdelay $0x3  }
0x33: {  	p0 =	seq.s32 s10, $0x1;
	s10 =	sld [smem:$0x3FB0];
	_ =	sdelay $0x3  }
0x34: {  	[smem:$0x3FB0] =	sst s10  }
0x35: {  	s10 =	sld [smem:$0x3FAF];
	_ =	sdelay $0x3  }
0x36: {  	p1 =	seq.s32 s10, $0x1;
	s10 =	sld [smem:$0x3FB0];
	_ =	sdelay $0x3  }
0x37: {  	[smem:$0x3FB0] =	sst s10  }
0x38: {  	s10 =	sld [smem:$0x3FB1]  }
0x39: {  	_ = 	snop;
	(pc) =	sbr.ind lr, $3  }
0x3a: {  	_ = 	snop  }
0x3b: {  	_ = 	snop  }
0x3c: {  	p2 =	seq.s32 s10, $0x1;
	s10 =	sld [smem:$0x3FB0]  }
0x3d: {  	_ =	shalt  }
0x3e: {  	_ =	shalt  }
0x3f: {  	_ =	shalt  }
0x40: {  	_ =	shalt  }
0x41: {  	_ =	shalt  }
0x42: {  	_ =	shalt  }
0x43: {  	_ =	shalt  }
0x44: {  	_ =	shalt  }
0x45: {  	_ =	shalt  }
0x46: {  	_ =	shalt  }
0x47: {  	_ =	shalt  }
0x48: {  	_ =	shalt  }
0x49: {  	_ =	shalt  }
0x4a: {  	_ =	shalt  }
0x4b: {  	_ =	shalt  }
0x4c: {  	_ =	shalt  }
0x4d: {  	_ =	shalt  }
0x4e: {  	_ =	shalt  }
0x4f: {  	_ =	shalt  }
0x50: {  	_ =	shalt  }
0x51: {  	_ =	shalt  }
0x52: {  	_ =	shalt  }
0x53: {  	_ =	shalt  }
0x54: {  	_ =	shalt  }
0x55: {  	_ =	shalt  }
0x56: {  	_ =	shalt  }
0x57: {  	_ =	shalt  }
0x58: {  	_ =	shalt  }
0x59: {  	_ =	shalt  }
0x5a: {  	_ =	shalt  }
0x5b: {  	_ =	shalt  }
0x5c: {  	_ =	shalt  }
0x5d: {  	_ =	shalt  }
0x5e: {  	_ =	shalt  }
0x5f: {  	_ =	shalt  }
0x60: {  	_ =	shalt  }
0x61: {  	_ =	shalt  }
0x62: {  	_ =	shalt  }
0x63: {  	_ =	shalt  }
0x64: {  	_ =	shalt  }
0x65: {  	_ =	shalt  }
0x66: {  	_ =	shalt  }
0x67: {  	_ =	shalt  }
0x68: {  	_ =	shalt  }
0x69: {  	_ =	shalt  }
0x6a: {  	_ =	shalt  }
0x6b: {  	_ =	shalt  }
0x6c: {  	_ =	shalt  }
0x6d: {  	_ =	shalt  }
0x6e: {  	_ =	shalt  }
0x6f: {  	_ =	shalt  }
0x70: {  	_ =	shalt  }
0x71: {  	_ =	shalt  }
0x72: {  	_ =	shalt  }
0x73: {  	_ =	shalt  }
0x74: {  	_ =	shalt  }
0x75: {  	_ =	shalt  }
0x76: {  	_ =	shalt  }
0x77: {  	_ =	shalt  }
0x78: {  	_ =	shalt  }
0x79: {  	_ =	shalt  }
0x7a: {  	_ =	shalt  }
0x7b: {  	_ =	shalt  }
0x7c: {  	_ =	shalt  }
0x7d: {  	_ =	shalt  }
0x7e: {  	_ =	shalt  }
0x7f: {  	_ =	shalt  }
0x80: {  	_ =	shalt  }
0x81: {  	_ =	shalt  }
0x82: {  	_ =	shalt  }
0x83: {  	_ =	shalt  }
0x84: {  	_ =	shalt  }
0x85: {  	_ =	shalt  }
0x86: {  	_ =	shalt  }
0x87: {  	_ =	shalt  }
.Lfunc_end0:
.L_simem_size_0:
called_computation.2_lowered:
.L_overlay_start_0:
0x88: {  	s2 =	sld [smem:$0x3FD9]  }
0x89: {  	s3 =	sld [smem:$0x3FFE];
	_ =	sdelay $0x1  }
0x8a: {  	s1 =	srdreg.scid  }
0x8b: {  	s0 =	sand.u32 $0x1, s1  }
0x8c: {  	s16 =	sshll.u32 s0, $0xA;
	s2 =	sadd.s32 s3, s2  }
0x8d: {  	s2 =	sadd.s32 s2, s16  }
0x8e: {  	[smem:$0x3FBC] =	sst s2  }
0x8f: {  	_ = 	snop  }
0x90: {  	(tm) =	ssettm $0x1  }
0x91: {  	s17 =	sld [smem:$0x3FFB];
	_ =	sdelay $0x3  }
0x92: {  	_ =	strace s17  }
0x93: {  	s2 =	sld [smem:$0x3FFC];
	_ =	sdelay $0x3  }
0x94: {  	_ =	strace s2  }
0x95: {  	s2 =	sld [smem:$0x3FFD];
	_ =	sdelay $0x3  }
0x96: {  	_ =	strace s2  }
0x97: {  	_ =	strace $0x8FFFFFFF  }
0x98: {  	s18 =	sld [smem:$0x3FDB];
	_ =	sdelay $0x1  }
0x99: {  	s19 =	simm.s32 $_scs_section_size  }
0x9a: {  	s4 =	simm.s32 $_size__tile_overlayer_lowered;
	s5 =	simm.s32 $_tile_overlayer_lowered  }
0x9b: {  	s22 =	simm.s32 $0x1BFF;
	s21 =	sshll.u32 s5, $0x1;
	s2 =	sadd.s32 s19, s18  }
0x9c: {  	s6 =	simm.s32 $0x0;
	s20 =	sshll.u32 s4, $0x1;
	s4 =	sadd.s32 s21, s2  }
0x9d: {  	[timem:s6], [sflag:s22] =	dma.local [hbm:s4], s20  }
0x9e: {  	_ =	swait.ge [sflag:s22], s20  }
0x9f: {  	s3 =	ssub.s32 $0x0, s20;
	[sflag:s22] =	ssyncset.done $0x0  }
0xa0: {  	[sflag:s22] =	ssyncadd.s32 s3;
	_ =	sdelay $0x1  }
0xa1: {  	s23 =	simm.s32 $0x1B8B  }
0xa2: {  	_ =	swait.ge [sflag:s23], $0x1  }
0xa3: {  	[sflag:s23] =	ssyncset.done $0x0  }
0xa4: {  	s25 =	simm.s32 $0x1B8E;
	s24 =	sld [smem:$0x3FFE];
	[sflag:s23] =	ssyncadd.s32 $0xFFFFFFFF  }
0xa5: {  	s26 =	simm.s32 $execute0_lowered;
	[smem:$0x3FD2] =	sst s25  }
0xa6: {  	s4 =	sshll.u32 s26, $0x1;
	_ =	strace $0x8000004C;
	[dreg:$0x1] =	wrdreg $0xFFFFFFFF  }
0xa7: {  	s28 =	simm.s32 $_size_execute0_lowered;
	s2 =	sadd.s32 s2, s4;
	[dreg:$0x0] =	wrdreg $0x0  }
0xa8: {  	s4 =	sshll.u32 s28, $0x1;
	[dreg:$0x2] =	wrdreg s2  }
0xa9: {  	[dreg:$0x3] =	wrdreg s4  }
0xaa: {  	[dreg:$0x4] =	wrdreg $0xC0  }
0xab: {  	_ =	task [dreg:s6], $0x5FFFF  }
0xac: {  	[dreg:$0x1] =	wrdreg $0xFFFFFFFF  }
0xad: {  	[dreg:$0x0] =	wrdreg $0x60  }
0xae: {  	[dreg:$0x2] =	wrdreg s24  }
0xaf: {  	[dreg:$0x3] =	wrdreg $0xA9000  }
0xb0: {  	[dreg:$0x4] =	wrdreg $0x9  }
0xb1: {  	_ =	task.clear_ibuf [dreg:s6], $0x5FFFF;
	_ =	strace $0x9000004C  }
0xb2: {  	s29 =	simm.s32 $0x9;
	_ =	strace $0x8000004E  }
0xb3: {  	_ =	swait.ge [sflag:s29], $0x1  }
0xb4: {  	[sflag:s29] =	ssyncadd.s32 $0xFFFFFFFF  }
0xb5: {  	_ =	strace $0x9000004E  }
0xb6: {  	_ =	sfence  }
0xb7: {  	s30 =	sld [smem:$0x0];
	_ =	sdelay $0x2  }
0xb8: {  	s31 =	sshll.u32 s1, $0xD;
	s1 =	sshrl.u32 s1, $0x2  }
0xb9: {  	s3 =	sand.u32 $0x4000, s31;
	s1 =	sadd.s32 s1, s30  }
0xba: {  	s0 =	sor.u32 s3, s0;
	s1 =	sshll.u32 s1, $0x11  }
0xbb: {  	s0 =	sor.u32 s1, s0  }
0xbc: {  	s0 =	sadd.s32 $0x8F2B, s0  }
0xbd: {  	[sflag:s0] =	ssyncadd.remote.s32 $0x1  }
0xbe: {  	_ =	sfence.sel $0xFFFF  }
0xbf: {  	[dreg:$0x0] =	wrdreg $0xFFFFFFFF;
	(pc) =	sbr.abs _section_cstart, $3  }
0xc0: {  	[dreg:$0x1] =	wrdreg $0xFFFFFFFF  }
0xc1: {  	_ =	task.clear_ibuf [dreg:s6], $0x2FFFF;
	_ =	strace $0x9FFFFFFF  }
0xc2: {  	(tm) =	ssettm $0x7FFFFFFF  }
0xc3: {  	_ =	shalt  }
tec
execute0_lowered:
.L_overlay_start_1:
0x0: {  	(tag) =	ssettag $0x1  }
0x1: {  	s0 =	srdreg.scid  }
0x2: {  	s12 =	stileid.u32;
	s6 =	rddreg [dreg:$0x0]  }
0x3: {  	s2 =	rddreg [dreg:$0x1];
	s3 =	simm.s32 $0x0;
	s17 =	simm.s32 $0x7  }
0x4: {  	s18 =	simm.s32 $0x100;
	s19 =	simm.s32 $0x1;
	s20 =	simm.s32 $0x80  }
0x5: {  	s21 =	simm.s32 $0x2900;
	s22 =	simm.s32 $0x3;
	s23 =	simm.s32 $0x2  }
0x6: {  	s24 =	simm.s32 $0x6900;
	s25 =	simm.s32 $0x4;
	s29 =	simm.s32 $0x6  }
0x7: {  	s31 =	simm.s32 $0x0;
	s0 =	sand.u32 $0x1, s0;
	s7 =	smul.u32 $0x13C00, s12  }
0x8: {  	[smem:$0x7FF] =	sst s3;
	s4 =	sadd.s32 $0x2B200, s6;
	s15 =	sadd.s32 $0x17200, s6  }
0x9: {  	s28 =	sshll.u32 s12, $0x6;
	s1 =	sshll.u32 s0, $0x4;
	s5 =	smul.u32 $0x13C000, s0  }
0xa: {  	_ =	strace $0x8000004D;
	s11 =	ssub.s32 $0x2, s0;
	s0 =	smul.u32 $0x28000, s0  }
0xb: {  	s1 =	sor.u32 s12, s1;
	s26 =	sshrl.u32 s11, $0x1;
	s12 =	smul.u32 $0x2800, s12  }
0xc: {  	s16 =	sadd.s32 s7, s2;
	s1 =	smul.u32 $0x2800, s1;
	s5 =	sadd.s32 s7, s5  }
0xd: {  	s11 =	ssub.s32 s11, s26;
	s16 =	sshrl.u32 s16, $0x3;
	s26 =	simm.s32 $0x5  }
0xe: {  	s10 =	sshrl.u32 s5, $0x3;
	s5 =	sadd.s32 $0x3200, s6;
	s11 =	smax.u32 s11, $0x1  }
0xf: {  	s0 =	sadd.s32 s12, s0;
	s8 =	sshrl.u32 s1, $0x3;
	s10 =	sadd.s32 s10, s6  }
0x10: {  	s13 =	sor.u32 $0x100, s1;
	s1 =	sor.u32 $0x180, s1;
	s30 =	sor.u32 $0x280, s0  }
0x11: {  	s0 =	sor.u32 $0x200, s0;
	s9 =	sadd.s32 s8, s6;
	s6 =	sor.u32 $0x1C07, s28  }
0x12: {  	s7 =	sadd.s32 s15, s8;
	s10 =	sadd.s32 $0x52400, s10;
	s13 =	sshrl.u32 s13, $0x3  }
0x13: {  	s1 =	sshrl.u32 s1, $0x3;
	s14 =	sshrl.u32 s30, $0x3;
	s0 =	sshrl.u32 s0, $0x3  }
0x14: {  	s8 =	sadd.s32 $0x21200, s9;
	s9 =	sadd.s32 $0x10, s7;
	s12 =	sadd.s32 s15, s13  }
0x15: {  	s13 =	sadd.s32 s15, s1;
	s14 =	sadd.s32 s14, s15;
	s15 =	sadd.s32 s0, s15  }
.LBB2_1:
0x16: {  	[spmem:s16], [sflag:s6] =	dma.local [hbm:s5], $0x2780  }
0x17: {  	_ =	swait.ge [sflag:s17], $0x2780  }
0x18: {  	[sflag:s17] =	ssyncset.done $0x0  }
0x19: {  	[sflag:s17] =	ssyncadd.s32 $0xFFFFD880  }
0x1a: {  	[tilespmem:s18], [sflag:$0x7] =	stream.linear.gather [hbm4b:s8+s3], $0x2800, $0x38;
	[tilespmem:$0x1E500] =	vst v63  }
0x1b: {  	_ =	swait.ge [sflag:s17], $0x2800  }
0x1c: {  	[sflag:s17] =	ssyncset.done $0x0  }
0x1d: {  	[sflag:s17] =	ssyncadd.s32 $0xFFFFD800  }
0x1e: {  	[bflag:$0x0] =	sbarrier.arrive $0xFFFF  }
0x1f: {  	[tilespmem:s3], [sflag:$0x1] =	stream.linear.gather [hbm4b:s7+s3], $0x80, $0x38;
	[tilespmem:$0x1E500] =	vst v63  }
0x20: {  	_ =	swait.ge [sflag:s19], $0x80  }
0x21: {  	[sflag:s19] =	ssyncset.done $0x0  }
0x22: {  	[sflag:s19] =	ssyncadd.s32 $0xFFFFFF80  }
0x23: {  	[tilespmem:s21], [sflag:$0x3] =	stream.indirect.gather [hbm4b:s4+s20], $0x80, s3, s20, $0xb8;
	[tilespmem:$0x1E500] =	vst v63  }
0x24: {  	_ = 	snop  }
0x25: {  	[tilespmem:s20], [sflag:$0x2] =	stream.linear.gather [hbm4b:s9+s3], $0x80, $0x38;
	[tilespmem:$0x1E500] =	vst v63  }
0x26: {  	_ =	swait.ge [sflag:s22], $0x4000  }
0x27: {  	[sflag:s22] =	ssyncset.done $0x0  }
0x28: {  	[sflag:s22] =	ssyncadd.s32 $0xFFFFC000  }
0x29: {  	_ =	swait.ge [sflag:s23], $0x80  }
0x2a: {  	[sflag:s23] =	ssyncset.done $0x0  }
0x2b: {  	[sflag:s23] =	ssyncadd.s32 $0xFFFFFF80  }
0x2c: {  	[tilespmem:s24], [sflag:$0x4] =	stream.indirect.gather [hbm4b:s4+s20], $0x80, s20, s20, $0xb8;
	[tilespmem:$0x1E500] =	vst v63  }
0x2d: {  	_ = 	snop  }
0x2e: {  	[spmem:s2] =	stream.indirect.scatter.add.f32 [tilespmem:s21], [sflag:$0x5], $0x80, s18, s20, $0xb8;
	[tilespmem:$0x1E500] =	vst v63  }
0x2f: {  	_ = 	snop  }
0x30: {  	[tilespmem:s3], [sflag:$0x1] =	stream.linear.gather [hbm4b:s12+s3], $0x80, $0x38;
	[tilespmem:$0x1E500] =	vst v63  }
0x31: {  	_ =	swait.ge [sflag:s25], $0x4000  }
0x32: {  	[sflag:s25] =	ssyncset.done $0x0  }
0x33: {  	[sflag:s25] =	ssyncadd.s32 $0xFFFFC000  }
0x34: {  	_ =	swait.ge [sflag:s26], $0x4000  }
0x35: {  	[sflag:s26] =	ssyncset.done $0x0  }
0x36: {  	[sflag:s26] =	ssyncadd.s32 $0xFFFFC000  }
0x37: {  	_ =	swait.ge [sflag:s19], $0x80  }
0x38: {  	[sflag:s19] =	ssyncset.done $0x0  }
0x39: {  	[sflag:s19] =	ssyncadd.s32 $0xFFFFFF80  }
0x3a: {  	[tilespmem:s21], [sflag:$0x3] =	stream.indirect.gather [hbm4b:s4+s20], $0x80, s3, s20, $0xb8;
	[tilespmem:$0x1E500] =	vst v63  }
0x3b: {  	s0 =	simm.s32 $0x180  }
0x3c: {  	[spmem:s2] =	stream.indirect.scatter.add.f32 [tilespmem:s24], [sflag:$0x6], $0x80, s0, s20, $0xb8;
	[tilespmem:$0x1E500] =	vst v63  }
0x3d: {  	_ = 	snop  }
0x3e: {  	[tilespmem:s20], [sflag:$0x2] =	stream.linear.gather [hbm4b:s13+s3], $0x80, $0x38;
	[tilespmem:$0x1E500] =	vst v63  }
0x3f: {  	_ =	swait.ge [sflag:s29], $0x4000  }
0x40: {  	[sflag:s29] =	ssyncset.done $0x0  }
0x41: {  	[sflag:s29] =	ssyncadd.s32 $0xFFFFC000  }
0x42: {  	_ =	swait.ge [sflag:s22], $0x4000  }
0x43: {  	[sflag:s22] =	ssyncset.done $0x0  }
0x44: {  	[sflag:s22] =	ssyncadd.s32 $0xFFFFC000  }
0x45: {  	_ =	swait.ge [sflag:s23], $0x80  }
0x46: {  	[sflag:s23] =	ssyncset.done $0x0  }
0x47: {  	[sflag:s23] =	ssyncadd.s32 $0xFFFFFF80  }
0x48: {  	[tilespmem:s24], [sflag:$0x4] =	stream.indirect.gather [hbm4b:s4+s20], $0x80, s20, s20, $0xb8;
	[tilespmem:$0x1E500] =	vst v63  }
0x49: {  	s1 =	simm.s32 $0x200  }
0x4a: {  	[spmem:s2] =	stream.indirect.scatter.add.f32 [tilespmem:s21], [sflag:$0x5], $0x80, s1, s20, $0xb8;
	[tilespmem:$0x1E500] =	vst v63  }
0x4b: {  	s30 =	sadd.s32 $0x0, s15  }
0x4c: {  	[tilespmem:s3], [sflag:$0x1] =	stream.linear.gather [hbm4b:s30+s3], $0x80, $0x38;
	[tilespmem:$0x1E500] =	vst v63  }
0x4d: {  	_ =	swait.ge [sflag:s25], $0x4000  }
0x4e: {  	[sflag:s25] =	ssyncset.done $0x0  }
0x4f: {  	[sflag:s25] =	ssyncadd.s32 $0xFFFFC000  }
0x50: {  	_ =	swait.ge [sflag:s26], $0x4000  }
0x51: {  	[sflag:s26] =	ssyncset.done $0x0  }
0x52: {  	[sflag:s26] =	ssyncadd.s32 $0xFFFFC000  }
0x53: {  	_ =	swait.ge [sflag:s19], $0x80  }
0x54: {  	[sflag:s19] =	ssyncset.done $0x0  }
0x55: {  	[sflag:s19] =	ssyncadd.s32 $0xFFFFFF80  }
0x56: {  	[tilespmem:s21], [sflag:$0x3] =	stream.indirect.gather [hbm4b:s4+s20], $0x80, s3, s20, $0xb8;
	[tilespmem:$0x1E500] =	vst v63  }
0x57: {  	s1 =	simm.s32 $0x280  }
0x58: {  	[spmem:s2] =	stream.indirect.scatter.add.f32 [tilespmem:s24], [sflag:$0x6], $0x80, s1, s20, $0xb8;
	[tilespmem:$0x1E500] =	vst v63  }
0x59: {  	s30 =	sadd.s32 $0x0, s14  }
0x5a: {  	[tilespmem:s20], [sflag:$0x2] =	stream.linear.gather [hbm4b:s30+s3], $0x80, $0x38;
	[tilespmem:$0x1E500] =	vst v63  }
0x5b: {  	_ =	swait.ge [sflag:s29], $0x4000  }
0x5c: {  	[sflag:s29] =	ssyncset.done $0x0  }
0x5d: {  	[sflag:s29] =	ssyncadd.s32 $0xFFFFC000  }
0x5e: {  	_ =	swait.ge [sflag:s22], $0x4000  }
0x5f: {  	[sflag:s22] =	ssyncset.done $0x0  }
0x60: {  	[sflag:s22] =	ssyncadd.s32 $0xFFFFC000  }
0x61: {  	_ =	swait.ge [sflag:s23], $0x80  }
0x62: {  	s28 =	simm.s32 $0x300;
	[sflag:s23] =	ssyncset.done $0x0  }
0x63: {  	s0 =	simm.s32 $0x20;
	s1 =	simm.s32 $0x380;
	[sflag:s23] =	ssyncadd.s32 $0xFFFFFF80  }
0x64: {  	[tilespmem:s24], [sflag:$0x4] =	stream.indirect.gather [hbm4b:s4+s20], $0x80, s20, s20, $0xb8;
	[tilespmem:$0x1E500] =	vst v63  }
.LBB2_2:
0x65: {  	[spmem:s2] =	stream.indirect.scatter.add.f32 [tilespmem:s21], [sflag:$0x5], $0x80, s28, s20, $0xb8;
	[tilespmem:$0x1E500] =	vst v63  }
0x66: {  	s28 =	smov.u32 s0  }
0x67: {  	p0 =	sne.s32 s0, $0x4A0;
	s0 =	sadd.s32 $0x20, s0;
	s30 =	sadd.s32 s28, s15  }
0x68: {  	[tilespmem:s3], [sflag:$0x1] =	stream.linear.gather [hbm4b:s30+s3], $0x80, $0x38;
	[tilespmem:$0x1E500] =	vst v63  }
0x69: {  	_ =	swait.ge [sflag:s25], $0x4000  }
0x6a: {  	[sflag:s25] =	ssyncset.done $0x0  }
0x6b: {  	[sflag:s25] =	ssyncadd.s32 $0xFFFFC000  }
0x6c: {  	_ =	swait.ge [sflag:s26], $0x4000  }
0x6d: {  	[sflag:s26] =	ssyncset.done $0x0  }
0x6e: {  	[sflag:s26] =	ssyncadd.s32 $0xFFFFC000  }
0x6f: {  	_ =	swait.ge [sflag:s19], $0x80  }
0x70: {  	[sflag:s19] =	ssyncset.done $0x0  }
0x71: {  	[sflag:s19] =	ssyncadd.s32 $0xFFFFFF80  }
0x72: {  	[tilespmem:s21], [sflag:$0x3] =	stream.indirect.gather [hbm4b:s4+s20], $0x80, s3, s20, $0xb8;
	[tilespmem:$0x1E500] =	vst v63  }
0x73: {  	_ = 	snop  }
0x74: {  	[spmem:s2] =	stream.indirect.scatter.add.f32 [tilespmem:s24], [sflag:$0x6], $0x80, s1, s20, $0xb8;
	[tilespmem:$0x1E500] =	vst v63  }
0x75: {  	s28 =	sadd.s32 s28, s14  }
0x76: {  	[tilespmem:s20], [sflag:$0x2] =	stream.linear.gather [hbm4b:s28+s3], $0x80, $0x38;
	[tilespmem:$0x1E500] =	vst v63  }
0x77: {  	_ =	swait.ge [sflag:s29], $0x4000  }
0x78: {  	[sflag:s29] =	ssyncset.done $0x0  }
0x79: {  	[sflag:s29] =	ssyncadd.s32 $0xFFFFC000  }
0x7a: {  	_ =	swait.ge [sflag:s22], $0x4000  }
0x7b: {  	[sflag:s22] =	ssyncset.done $0x0  }
0x7c: {  	[sflag:s22] =	ssyncadd.s32 $0xFFFFC000  }
.Ltmp0:
0x7d: {  	_ =	swait.ge [sflag:s23], $0x80;
	(pc) =	sbr.rel @p0 .LBB2_2-.Ltmp0, $4  }
0x7e: {  	[sflag:s23] =	ssyncset.done $0x0  }
0x7f: {  	[sflag:s23] =	ssyncadd.s32 $0xFFFFFF80  }
0x80: {  	[tilespmem:s24], [sflag:$0x4] =	stream.indirect.gather [hbm4b:s4+s20], $0x80, s20, s20, $0xb8;
	[tilespmem:$0x1E500] =	vst v63  }
0x81: {  	s28 =	sadd.s32 $0x80, s1;
	s1 =	sadd.s32 $0x100, s1  }
0x82: {  	[spmem:s2] =	stream.indirect.scatter.add.f32 [tilespmem:s21], [sflag:$0x5], $0x80, s28, s20, $0xb8;
	[tilespmem:$0x1E500] =	vst v63  }
0x83: {  	_ =	swait.ge [sflag:s25], $0x4000  }
0x84: {  	[sflag:s25] =	ssyncset.done $0x0  }
0x85: {  	[sflag:s25] =	ssyncadd.s32 $0xFFFFC000  }
0x86: {  	_ =	swait.ge [sflag:s26], $0x4000  }
0x87: {  	[sflag:s26] =	ssyncset.done $0x0  }
0x88: {  	[sflag:s26] =	ssyncadd.s32 $0xFFFFC000  }
0x89: {  	[spmem:s2] =	stream.indirect.scatter.add.f32 [tilespmem:s24], [sflag:$0x6], $0x80, s1, s20, $0xb8;
	[tilespmem:$0x1E500] =	vst v63  }
0x8a: {  	_ =	swait.ge [sflag:s29], $0x4000  }
0x8b: {  	s31 =	sadd.s32 $0x1, s31;
	[sflag:s29] =	ssyncset.done $0x0  }
0x8c: {  	p0 =	sne.s32 s31, s11;
	[sflag:s29] =	ssyncadd.s32 $0xFFFFC000  }
.Ltmp1:
0x8d: {  	[bflag:$0x0] =	sbarrier.arrive $0xFFFF;
	(pc) =	sbr.rel @p0 .LBB2_1-.Ltmp1, $4  }
0x8e: {  	[hbm:s10], [sflag:s6] =	dma.local [spmem:s16], $0x2780  }
0x8f: {  	_ =	swait.ge [sflag:s17], $0x2780  }
0x90: {  	[sflag:s17] =	ssyncset.done $0x0  }
0x91: {  	[sflag:s17] =	ssyncadd.s32 $0xFFFFD880  }
0x92: {  	_ =	sfence.sel $0x180000  }
0x93: {  	[bflag:$0x0] =	sbarrier.arrive $0xFFFF  }
0x94: {  	_ =	strace $0x9000004D  }
0x95: {  	s0 =	stileid.u32;
	[bflag:$0x2] =	sbarrier.arrive $0xFFFF  }
0x96: {  	p0 =	sne.s32 s0, $0x0;
	s0 =	rddreg [dreg:$0x2]  }
0x97: {  	s0 =	sadd.s32 @!p0 $0x100000, s0  }
0x98: {  	[sflag:s0] =	ssyncadd.tile.s32 @!p0 $0x1;
	_ =	shalt  }
.Lfunc_end2:
_tile_overlayer_lowered:
.L_overlay_start_2:
0x99: {  	(tag) =	ssettag $0x2  }
0x9a: {  	s0 =	rddreg [dreg:$0x0];
	s2 =	stileid.u32  }
0x9b: {  	s1 =	rddreg [dreg:$0x1];
	p0 =	sne.s32 s2, $0x0  }
0x9c: {  	s3 =	rddreg [dreg:$0x2];
	[bflag:$0x3] =	sbarrier.arrive $0xFFFF;
	s2 =	simm.s32 @!p0 $0x1C07  }
0x9d: {  	[timem:s3], [sflag:s2] =	dma.local @!p0 [hbm:s0], s1  }
0x9e: {  	s0 =	simm.s32 @!p0 $0x7  }
0x9f: {  	_ =	swait.ge @!p0 [sflag:s0], s1  }
0xa0: {  	s1 =	ssub.s32 @!p0 $0x0, s1;
	[sflag:s0] =	ssyncset.done @!p0 $0x0  }
0xa1: {  	[sflag:s0] =	ssyncadd.s32 @!p0 s1  }
0xa2: {  	[bflag:$0x3] =	sbarrier.arrive $0xFFFF  }
0xa3: {  	_ =	shalt  }

// kernel: kernel.19.cloned.1.call-start
scs
__scs_entry_jumppad:
0x0: {  	(pc) =	sbr.rel $0x88, $3  }
0x1: {  	(tag) =	ssettag $0x0;
	lr =	simm.s32 $0x1  }
0x2: {  	[smem:$0x3F95] =	sst lr;
	_ =	strace $0xD0000000  }
0x3: {  	_ = 	snop  }
0x4: {  	_ = 	snop  }
0x5: {  	_ = 	snop  }
0x6: {  	_ = 	snop  }
0x7: {  	_ = 	snop  }
__scs_overlays_trampoline_lowered:
0x8: {  	[smem:$0x3FA4] =	sst s0  }
0x9: {  	[smem:$0x3FA5] =	sst s1  }
0xa: {  	[smem:$0x3FA6] =	sst s2  }
0xb: {  	[smem:$0x3FA7] =	sst s3  }
0xc: {  	[smem:$0x3FA8] =	sst s4  }
0xd: {  	[smem:$0x3FA9] =	sst s5  }
0xe: {  	[smem:$0x3FAA] =	sst s6  }
0xf: {  	[smem:$0x3FAB] =	sst s7  }
0x10: {  	[smem:$0x3FAC] =	sst s8  }
0x11: {  	[smem:$0x3FAD] =	sst s9;
	s0 =	simm.s32 @!p0 $0x0  }
0x12: {  	s1 =	sld [smem:$0x3F93];
	s0 =	simm.s32 @p0 $0x1  }
0x13: {  	[smem:$0x3FAE] =	sst s0;
	s0 =	simm.s32 @!p1 $0x0  }
0x14: {  	s2 =	sld [smem:$0x3F92];
	s0 =	simm.s32 @p1 $0x1  }
0x15: {  	[smem:$0x3FAF] =	sst s0;
	s0 =	simm.s32 @!p2 $0x0  }
0x16: {  	s3 =	sld [smem:$0x3FDB];
	s0 =	simm.s32 @p2 $0x1  }
0x17: {  	s4 =	simm.s32 $0x1BF5;
	[smem:$0x3FB1] =	sst s0  }
0x18: {  	s0 =	sld [smem:$0x3F94];
	_ =	swait.ge [sflag:s4], $0x0  }
0x19: {  	s7 =	sld [smem:$0x3F95]  }
0x1a: {  	s8 =	sadd.s32 $0xFFFFE003, lr  }
0x1b: {  	s9 =	sadd.s32 $0xFFFFFEF7, lr;
	s5 =	simm.s32 $0xFFFFFFFF;
	p2 =	slt.u32 s8, $0xFFFFF086  }
0x1c: {  	p1 =	slt.u32 s9, $0xF7A;
	s5 =	simm.s32 @!p2 $0x0  }
0x1d: {  	s5 =	simm.s32 @p1 $0x1;
	p0 =	seq.s32 s7, s2  }
0x1e: {  	s7 =	smul.u32 @!p0 $0xF7A, s2;
	p2 =	seq.s32 @!p0 s5, $0x0  }
0x1f: {  	s9 =	smul.u32 $0xF7A, s1;
	s8 =	simm.s32 @!p0 $0x1BF5;
	p2 =	por !p2, p0  }
0x20: {  	[sflag:s8] =	ssyncset.s32 @!p0 $0xFFFFF086;
	s6 =	sadd.s32 @!p0 s3, s7;
	s7 =	simm.s32 @!p0 $0x108  }
0x21: {  	s3 =	sadd.s32 s3, s9;
	s6 =	sadd.s32 @!p0 $0x88, s6;
	s7 =	simm.s32 @p2 $0x1082  }
0x22: {  	[simem:s7], [sflag:s8] =	dma.local @!p0 [hbm:s6], $0xF7A  }
0x23: {  	s9 =	sor.u32 $0xD0000000, s2;
	s6 =	simm.s32 $0x108;
	_ =	swait.ge @!p0 [sflag:s8], $0x0  }
0x24: {  	s3 =	sadd.s32 $0x88, s3;
	s6 =	simm.s32 @!p1 $0x1082;
	[sflag:s4] =	ssyncset.s32 $0xFFFFF086  }
0x25: {  	[simem:s6], [sflag:s4] =	dma.local [hbm:s3], $0xF7A  }
0x26: {  	[smem:$0x3F95] =	sst s1;
	(tag) =	ssettag s2;
	_ =	strace s9  }
0x27: {  	s1 =	sld [smem:$0x3FA5]  }
0x28: {  	s2 =	sld [smem:$0x3FA6]  }
0x29: {  	s4 =	sld [smem:$0x3FA8]  }
0x2a: {  	p0 =	seq.s32 s5, $0x0;
	s5 =	sld [smem:$0x3FA9]  }
0x2b: {  	s6 =	sld [smem:$0x3FAA]  }
0x2c: {  	s7 =	sld [smem:$0x3FAB]  }
0x2d: {  	s3 =	simm.s32 $0x108;
	s8 =	sld [smem:$0x3FAC]  }
0x2e: {  	s3 =	simm.s32 @!p0 $0x1082;
	s9 =	sld [smem:$0x3FAD]  }
0x2f: {  	lr =	sadd.s32 s0, s3;
	s0 =	sld [smem:$0x3FA4]  }
0x30: {  	s3 =	sld [smem:$0x3FA7]  }
0x31: {  	[smem:$0x3FB0] =	sst s10  }
0x32: {  	s10 =	sld [smem:$0x3FAE];
	_ =	sdelay $0x3  }
0x33: {  	p0 =	seq.s32 s10, $0x1;
	s10 =	sld [smem:$0x3FB0];
	_ =	sdelay $0x3  }
0x34: {  	[smem:$0x3FB0] =	sst s10  }
0x35: {  	s10 =	sld [smem:$0x3FAF];
	_ =	sdelay $0x3  }
0x36: {  	p1 =	seq.s32 s10, $0x1;
	s10 =	sld [smem:$0x3FB0];
	_ =	sdelay $0x3  }
0x37: {  	[smem:$0x3FB0] =	sst s10  }
0x38: {  	s10 =	sld [smem:$0x3FB1]  }
0x39: {  	_ = 	snop;
	(pc) =	sbr.ind lr, $3  }
0x3a: {  	_ = 	snop  }
0x3b: {  	_ = 	snop  }
0x3c: {  	p2 =	seq.s32 s10, $0x1;
	s10 =	sld [smem:$0x3FB0]  }
0x3d: {  	_ =	shalt  }
0x3e: {  	_ =	shalt  }
0x3f: {  	_ =	shalt  }
0x40: {  	_ =	shalt  }
0x41: {  	_ =	shalt  }
0x42: {  	_ =	shalt  }
0x43: {  	_ =	shalt  }
0x44: {  	_ =	shalt  }
0x45: {  	_ =	shalt  }
0x46: {  	_ =	shalt  }
0x47: {  	_ =	shalt  }
0x48: {  	_ =	shalt  }
0x49: {  	_ =	shalt  }
0x4a: {  	_ =	shalt  }
0x4b: {  	_ =	shalt  }
0x4c: {  	_ =	shalt  }
0x4d: {  	_ =	shalt  }
0x4e: {  	_ =	shalt  }
0x4f: {  	_ =	shalt  }
0x50: {  	_ =	shalt  }
0x51: {  	_ =	shalt  }
0x52: {  	_ =	shalt  }
0x53: {  	_ =	shalt  }
0x54: {  	_ =	shalt  }
0x55: {  	_ =	shalt  }
0x56: {  	_ =	shalt  }
0x57: {  	_ =	shalt  }
0x58: {  	_ =	shalt  }
0x59: {  	_ =	shalt  }
0x5a: {  	_ =	shalt  }
0x5b: {  	_ =	shalt  }
0x5c: {  	_ =	shalt  }
0x5d: {  	_ =	shalt  }
0x5e: {  	_ =	shalt  }
0x5f: {  	_ =	shalt  }
0x60: {  	_ =	shalt  }
0x61: {  	_ =	shalt  }
0x62: {  	_ =	shalt  }
0x63: {  	_ =	shalt  }
0x64: {  	_ =	shalt  }
0x65: {  	_ =	shalt  }
0x66: {  	_ =	shalt  }
0x67: {  	_ =	shalt  }
0x68: {  	_ =	shalt  }
0x69: {  	_ =	shalt  }
0x6a: {  	_ =	shalt  }
0x6b: {  	_ =	shalt  }
0x6c: {  	_ =	shalt  }
0x6d: {  	_ =	shalt  }
0x6e: {  	_ =	shalt  }
0x6f: {  	_ =	shalt  }
0x70: {  	_ =	shalt  }
0x71: {  	_ =	shalt  }
0x72: {  	_ =	shalt  }
0x73: {  	_ =	shalt  }
0x74: {  	_ =	shalt  }
0x75: {  	_ =	shalt  }
0x76: {  	_ =	shalt  }
0x77: {  	_ =	shalt  }
0x78: {  	_ =	shalt  }
0x79: {  	_ =	shalt  }
0x7a: {  	_ =	shalt  }
0x7b: {  	_ =	shalt  }
0x7c: {  	_ =	shalt  }
0x7d: {  	_ =	shalt  }
0x7e: {  	_ =	shalt  }
0x7f: {  	_ =	shalt  }
0x80: {  	_ =	shalt  }
0x81: {  	_ =	shalt  }
0x82: {  	_ =	shalt  }
0x83: {  	_ =	shalt  }
0x84: {  	_ =	shalt  }
0x85: {  	_ =	shalt  }
0x86: {  	_ =	shalt  }
0x87: {  	_ =	shalt  }
.Lfunc_end0:
.L_simem_size_0:
called_computation.3_lowered:
.L_overlay_start_0:
0x88: {  	s2 =	sld [smem:$0x3FD9]  }
0x89: {  	s3 =	sld [smem:$0x3FFE];
	_ =	sdelay $0x1  }
0x8a: {  	s1 =	srdreg.scid  }
0x8b: {  	s0 =	sand.u32 $0x1, s1  }
0x8c: {  	s16 =	sshll.u32 s0, $0xA;
	s2 =	sadd.s32 s3, s2  }
0x8d: {  	s2 =	sadd.s32 s2, s16  }
0x8e: {  	[smem:$0x3FBC] =	sst s2  }
0x8f: {  	_ = 	snop  }
0x90: {  	(tm) =	ssettm $0x1  }
0x91: {  	s17 =	sld [smem:$0x3FFB];
	_ =	sdelay $0x3  }
0x92: {  	_ =	strace s17  }
0x93: {  	s2 =	sld [smem:$0x3FFC];
	_ =	sdelay $0x3  }
0x94: {  	_ =	strace s2  }
0x95: {  	s2 =	sld [smem:$0x3FFD];
	_ =	sdelay $0x3  }
0x96: {  	_ =	strace s2  }
0x97: {  	_ =	strace $0x8FFFFFFF  }
0x98: {  	s18 =	sld [smem:$0x3FDB];
	_ =	sdelay $0x1  }
0x99: {  	s19 =	simm.s32 $_scs_section_size  }
0x9a: {  	s4 =	simm.s32 $_size__tile_overlayer_lowered;
	s5 =	simm.s32 $_tile_overlayer_lowered  }
0x9b: {  	s22 =	simm.s32 $0x1BFF;
	s21 =	sshll.u32 s5, $0x1;
	s2 =	sadd.s32 s19, s18  }
0x9c: {  	s6 =	simm.s32 $0x0;
	s20 =	sshll.u32 s4, $0x1;
	s4 =	sadd.s32 s21, s2  }
0x9d: {  	[timem:s6], [sflag:s22] =	dma.local [hbm:s4], s20  }
0x9e: {  	_ =	swait.ge [sflag:s22], s20  }
0x9f: {  	s3 =	ssub.s32 $0x0, s20;
	[sflag:s22] =	ssyncset.done $0x0  }
0xa0: {  	[sflag:s22] =	ssyncadd.s32 s3;
	_ =	sdelay $0x1  }
0xa1: {  	s23 =	simm.s32 $0x1B8B  }
0xa2: {  	_ =	swait.ge [sflag:s23], $0x1  }
0xa3: {  	[sflag:s23] =	ssyncset.done $0x0  }
0xa4: {  	s25 =	simm.s32 $0x1B8E;
	s24 =	sld [smem:$0x3FFE];
	[sflag:s23] =	ssyncadd.s32 $0xFFFFFFFF  }
0xa5: {  	s26 =	simm.s32 $execute0_lowered;
	[smem:$0x3FD2] =	sst s25  }
0xa6: {  	s4 =	sshll.u32 s26, $0x1;
	_ =	strace $0x8000004F;
	[dreg:$0x1] =	wrdreg $0xFFFFFFFF  }
0xa7: {  	s28 =	simm.s32 $_size_execute0_lowered;
	s2 =	sadd.s32 s2, s4;
	[dreg:$0x0] =	wrdreg $0x0  }
0xa8: {  	s4 =	sshll.u32 s28, $0x1;
	[dreg:$0x2] =	wrdreg s2  }
0xa9: {  	[dreg:$0x3] =	wrdreg s4  }
0xaa: {  	[dreg:$0x4] =	wrdreg $0xC0  }
0xab: {  	_ =	task [dreg:s6], $0x5FFFF  }
0xac: {  	[dreg:$0x1] =	wrdreg $0xFFFFFFFF  }
0xad: {  	[dreg:$0x0] =	wrdreg $0x60  }
0xae: {  	[dreg:$0x2] =	wrdreg s24  }
0xaf: {  	[dreg:$0x3] =	wrdreg $0xA9000  }
0xb0: {  	[dreg:$0x4] =	wrdreg $0x9  }
0xb1: {  	_ =	task.clear_ibuf [dreg:s6], $0x5FFFF;
	_ =	strace $0x9000004F  }
0xb2: {  	s29 =	simm.s32 $0x9;
	_ =	strace $0x80000051  }
0xb3: {  	_ =	swait.ge [sflag:s29], $0x1  }
0xb4: {  	[sflag:s29] =	ssyncadd.s32 $0xFFFFFFFF  }
0xb5: {  	_ =	strace $0x90000051  }
0xb6: {  	_ =	sfence  }
0xb7: {  	s30 =	sld [smem:$0x0];
	_ =	sdelay $0x2  }
0xb8: {  	s31 =	sshll.u32 s1, $0xD;
	s1 =	sshrl.u32 s1, $0x2  }
0xb9: {  	s3 =	sand.u32 $0x4000, s31;
	s1 =	sadd.s32 s1, s30  }
0xba: {  	s0 =	sor.u32 s3, s0;
	s1 =	sshll.u32 s1, $0x11  }
0xbb: {  	s0 =	sor.u32 s1, s0  }
0xbc: {  	s0 =	sadd.s32 $0x8F2B, s0  }
0xbd: {  	[sflag:s0] =	ssyncadd.remote.s32 $0x1  }
0xbe: {  	_ =	sfence.sel $0xFFFF  }
0xbf: {  	[dreg:$0x0] =	wrdreg $0xFFFFFFFF;
	(pc) =	sbr.abs _section_cstart, $3  }
0xc0: {  	[dreg:$0x1] =	wrdreg $0xFFFFFFFF  }
0xc1: {  	_ =	task.clear_ibuf [dreg:s6], $0x2FFFF;
	_ =	strace $0x9FFFFFFF  }
0xc2: {  	(tm) =	ssettm $0x7FFFFFFF  }
0xc3: {  	_ =	shalt  }
tec
execute0_lowered:
.L_overlay_start_1:
0x0: {  	(tag) =	ssettag $0x1  }
0x1: {  	s0 =	srdreg.scid  }
0x2: {  	s12 =	stileid.u32;
	s6 =	rddreg [dreg:$0x0]  }
0x3: {  	s2 =	rddreg [dreg:$0x1];
	s3 =	simm.s32 $0x0;
	s17 =	simm.s32 $0x7  }
0x4: {  	s18 =	simm.s32 $0x100;
	s19 =	simm.s32 $0x1;
	s20 =	simm.s32 $0x80  }
0x5: {  	s21 =	simm.s32 $0x2900;
	s22 =	simm.s32 $0x3;
	s23 =	simm.s32 $0x2  }
0x6: {  	s24 =	simm.s32 $0x6900;
	s25 =	simm.s32 $0x4;
	s29 =	simm.s32 $0x6  }
0x7: {  	s31 =	simm.s32 $0x0;
	s0 =	sand.u32 $0x1, s0;
	s7 =	smul.u32 $0x13C00, s12  }
0x8: {  	[smem:$0x7FF] =	sst s3;
	s4 =	sadd.s32 $0x2B200, s6;
	s15 =	sadd.s32 $0x17200, s6  }
0x9: {  	s28 =	sshll.u32 s12, $0x6;
	s1 =	sshll.u32 s0, $0x4;
	s5 =	smul.u32 $0x13C000, s0  }
0xa: {  	_ =	strace $0x80000050;
	s11 =	ssub.s32 $0x2, s0;
	s0 =	smul.u32 $0x28000, s0  }
0xb: {  	s1 =	sor.u32 s12, s1;
	s26 =	sshrl.u32 s11, $0x1;
	s12 =	smul.u32 $0x2800, s12  }
0xc: {  	s16 =	sadd.s32 s7, s2;
	s1 =	smul.u32 $0x2800, s1;
	s5 =	sadd.s32 s7, s5  }
0xd: {  	s11 =	ssub.s32 s11, s26;
	s16 =	sshrl.u32 s16, $0x3;
	s26 =	simm.s32 $0x5  }
0xe: {  	s10 =	sshrl.u32 s5, $0x3;
	s5 =	sadd.s32 $0x3200, s6;
	s11 =	smax.u32 s11, $0x1  }
0xf: {  	s0 =	sadd.s32 s12, s0;
	s8 =	sshrl.u32 s1, $0x3;
	s10 =	sadd.s32 s10, s6  }
0x10: {  	s13 =	sor.u32 $0x100, s1;
	s1 =	sor.u32 $0x180, s1;
	s30 =	sor.u32 $0x280, s0  }
0x11: {  	s0 =	sor.u32 $0x200, s0;
	s9 =	sadd.s32 s8, s6;
	s6 =	sor.u32 $0x1C07, s28  }
0x12: {  	s7 =	sadd.s32 s15, s8;
	s10 =	sadd.s32 $0x52400, s10;
	s13 =	sshrl.u32 s13, $0x3  }
0x13: {  	s1 =	sshrl.u32 s1, $0x3;
	s14 =	sshrl.u32 s30, $0x3;
	s0 =	sshrl.u32 s0, $0x3  }
0x14: {  	s8 =	sadd.s32 $0x21200, s9;
	s9 =	sadd.s32 $0x10, s7;
	s12 =	sadd.s32 s15, s13  }
0x15: {  	s13 =	sadd.s32 s15, s1;
	s14 =	sadd.s32 s14, s15;
	s15 =	sadd.s32 s0, s15  }
.LBB2_1:
0x16: {  	[spmem:s16], [sflag:s6] =	dma.local [hbm:s5], $0x2780  }
0x17: {  	_ =	swait.ge [sflag:s17], $0x2780  }
0x18: {  	[sflag:s17] =	ssyncset.done $0x0  }
0x19: {  	[sflag:s17] =	ssyncadd.s32 $0xFFFFD880  }
0x1a: {  	[tilespmem:s18], [sflag:$0x7] =	stream.linear.gather [hbm4b:s8+s3], $0x2800, $0x38;
	[tilespmem:$0x1E500] =	vst v63  }
0x1b: {  	_ =	swait.ge [sflag:s17], $0x2800  }
0x1c: {  	[sflag:s17] =	ssyncset.done $0x0  }
0x1d: {  	[sflag:s17] =	ssyncadd.s32 $0xFFFFD800  }
0x1e: {  	[bflag:$0x0] =	sbarrier.arrive $0xFFFF  }
0x1f: {  	[tilespmem:s3], [sflag:$0x1] =	stream.linear.gather [hbm4b:s7+s3], $0x80, $0x38;
	[tilespmem:$0x1E500] =	vst v63  }
0x20: {  	_ =	swait.ge [sflag:s19], $0x80  }
0x21: {  	[sflag:s19] =	ssyncset.done $0x0  }
0x22: {  	[sflag:s19] =	ssyncadd.s32 $0xFFFFFF80  }
0x23: {  	[tilespmem:s21], [sflag:$0x3] =	stream.indirect.gather [hbm4b:s4+s20], $0x80, s3, s20, $0xb8;
	[tilespmem:$0x1E500] =	vst v63  }
0x24: {  	_ = 	snop  }
0x25: {  	[tilespmem:s20], [sflag:$0x2] =	stream.linear.gather [hbm4b:s9+s3], $0x80, $0x38;
	[tilespmem:$0x1E500] =	vst v63  }
0x26: {  	_ =	swait.ge [sflag:s22], $0x4000  }
0x27: {  	[sflag:s22] =	ssyncset.done $0x0  }
0x28: {  	[sflag:s22] =	ssyncadd.s32 $0xFFFFC000  }
0x29: {  	_ =	swait.ge [sflag:s23], $0x80  }
0x2a: {  	[sflag:s23] =	ssyncset.done $0x0  }
0x2b: {  	[sflag:s23] =	ssyncadd.s32 $0xFFFFFF80  }
0x2c: {  	[tilespmem:s24], [sflag:$0x4] =	stream.indirect.gather [hbm4b:s4+s20], $0x80, s20, s20, $0xb8;
	[tilespmem:$0x1E500] =	vst v63  }
0x2d: {  	_ = 	snop  }
0x2e: {  	[spmem:s2] =	stream.indirect.scatter.add.f32 [tilespmem:s21], [sflag:$0x5], $0x80, s18, s20, $0xb8;
	[tilespmem:$0x1E500] =	vst v63  }
0x2f: {  	_ = 	snop  }
0x30: {  	[tilespmem:s3], [sflag:$0x1] =	stream.linear.gather [hbm4b:s12+s3], $0x80, $0x38;
	[tilespmem:$0x1E500] =	vst v63  }
0x31: {  	_ =	swait.ge [sflag:s25], $0x4000  }
0x32: {  	[sflag:s25] =	ssyncset.done $0x0  }
0x33: {  	[sflag:s25] =	ssyncadd.s32 $0xFFFFC000  }
0x34: {  	_ =	swait.ge [sflag:s26], $0x4000  }
0x35: {  	[sflag:s26] =	ssyncset.done $0x0  }
0x36: {  	[sflag:s26] =	ssyncadd.s32 $0xFFFFC000  }
0x37: {  	_ =	swait.ge [sflag:s19], $0x80  }
0x38: {  	[sflag:s19] =	ssyncset.done $0x0  }
0x39: {  	[sflag:s19] =	ssyncadd.s32 $0xFFFFFF80  }
0x3a: {  	[tilespmem:s21], [sflag:$0x3] =	stream.indirect.gather [hbm4b:s4+s20], $0x80, s3, s20, $0xb8;
	[tilespmem:$0x1E500] =	vst v63  }
0x3b: {  	s0 =	simm.s32 $0x180  }
0x3c: {  	[spmem:s2] =	stream.indirect.scatter.add.f32 [tilespmem:s24], [sflag:$0x6], $0x80, s0, s20, $0xb8;
	[tilespmem:$0x1E500] =	vst v63  }
0x3d: {  	_ = 	snop  }
0x3e: {  	[tilespmem:s20], [sflag:$0x2] =	stream.linear.gather [hbm4b:s13+s3], $0x80, $0x38;
	[tilespmem:$0x1E500] =	vst v63  }
0x3f: {  	_ =	swait.ge [sflag:s29], $0x4000  }
0x40: {  	[sflag:s29] =	ssyncset.done $0x0  }
0x41: {  	[sflag:s29] =	ssyncadd.s32 $0xFFFFC000  }
0x42: {  	_ =	swait.ge [sflag:s22], $0x4000  }
0x43: {  	[sflag:s22] =	ssyncset.done $0x0  }
0x44: {  	[sflag:s22] =	ssyncadd.s32 $0xFFFFC000  }
0x45: {  	_ =	swait.ge [sflag:s23], $0x80  }
0x46: {  	[sflag:s23] =	ssyncset.done $0x0  }
0x47: {  	[sflag:s23] =	ssyncadd.s32 $0xFFFFFF80  }
0x48: {  	[tilespmem:s24], [sflag:$0x4] =	stream.indirect.gather [hbm4b:s4+s20], $0x80, s20, s20, $0xb8;
	[tilespmem:$0x1E500] =	vst v63  }
0x49: {  	s1 =	simm.s32 $0x200  }
0x4a: {  	[spmem:s2] =	stream.indirect.scatter.add.f32 [tilespmem:s21], [sflag:$0x5], $0x80, s1, s20, $0xb8;
	[tilespmem:$0x1E500] =	vst v63  }
0x4b: {  	s30 =	sadd.s32 $0x0, s15  }
0x4c: {  	[tilespmem:s3], [sflag:$0x1] =	stream.linear.gather [hbm4b:s30+s3], $0x80, $0x38;
	[tilespmem:$0x1E500] =	vst v63  }
0x4d: {  	_ =	swait.ge [sflag:s25], $0x4000  }
0x4e: {  	[sflag:s25] =	ssyncset.done $0x0  }
0x4f: {  	[sflag:s25] =	ssyncadd.s32 $0xFFFFC000  }
0x50: {  	_ =	swait.ge [sflag:s26], $0x4000  }
0x51: {  	[sflag:s26] =	ssyncset.done $0x0  }
0x52: {  	[sflag:s26] =	ssyncadd.s32 $0xFFFFC000  }
0x53: {  	_ =	swait.ge [sflag:s19], $0x80  }
0x54: {  	[sflag:s19] =	ssyncset.done $0x0  }
0x55: {  	[sflag:s19] =	ssyncadd.s32 $0xFFFFFF80  }
0x56: {  	[tilespmem:s21], [sflag:$0x3] =	stream.indirect.gather [hbm4b:s4+s20], $0x80, s3, s20, $0xb8;
	[tilespmem:$0x1E500] =	vst v63  }
0x57: {  	s1 =	simm.s32 $0x280  }
0x58: {  	[spmem:s2] =	stream.indirect.scatter.add.f32 [tilespmem:s24], [sflag:$0x6], $0x80, s1, s20, $0xb8;
	[tilespmem:$0x1E500] =	vst v63  }
0x59: {  	s30 =	sadd.s32 $0x0, s14  }
0x5a: {  	[tilespmem:s20], [sflag:$0x2] =	stream.linear.gather [hbm4b:s30+s3], $0x80, $0x38;
	[tilespmem:$0x1E500] =	vst v63  }
0x5b: {  	_ =	swait.ge [sflag:s29], $0x4000  }
0x5c: {  	[sflag:s29] =	ssyncset.done $0x0  }
0x5d: {  	[sflag:s29] =	ssyncadd.s32 $0xFFFFC000  }
0x5e: {  	_ =	swait.ge [sflag:s22], $0x4000  }
0x5f: {  	[sflag:s22] =	ssyncset.done $0x0  }
0x60: {  	[sflag:s22] =	ssyncadd.s32 $0xFFFFC000  }
0x61: {  	_ =	swait.ge [sflag:s23], $0x80  }
0x62: {  	s28 =	simm.s32 $0x300;
	[sflag:s23] =	ssyncset.done $0x0  }
0x63: {  	s0 =	simm.s32 $0x20;
	s1 =	simm.s32 $0x380;
	[sflag:s23] =	ssyncadd.s32 $0xFFFFFF80  }
0x64: {  	[tilespmem:s24], [sflag:$0x4] =	stream.indirect.gather [hbm4b:s4+s20], $0x80, s20, s20, $0xb8;
	[tilespmem:$0x1E500] =	vst v63  }
.LBB2_2:
0x65: {  	[spmem:s2] =	stream.indirect.scatter.add.f32 [tilespmem:s21], [sflag:$0x5], $0x80, s28, s20, $0xb8;
	[tilespmem:$0x1E500] =	vst v63  }
0x66: {  	s28 =	smov.u32 s0  }
0x67: {  	p0 =	sne.s32 s0, $0x4A0;
	s0 =	sadd.s32 $0x20, s0;
	s30 =	sadd.s32 s28, s15  }
0x68: {  	[tilespmem:s3], [sflag:$0x1] =	stream.linear.gather [hbm4b:s30+s3], $0x80, $0x38;
	[tilespmem:$0x1E500] =	vst v63  }
0x69: {  	_ =	swait.ge [sflag:s25], $0x4000  }
0x6a: {  	[sflag:s25] =	ssyncset.done $0x0  }
0x6b: {  	[sflag:s25] =	ssyncadd.s32 $0xFFFFC000  }
0x6c: {  	_ =	swait.ge [sflag:s26], $0x4000  }
0x6d: {  	[sflag:s26] =	ssyncset.done $0x0  }
0x6e: {  	[sflag:s26] =	ssyncadd.s32 $0xFFFFC000  }
0x6f: {  	_ =	swait.ge [sflag:s19], $0x80  }
0x70: {  	[sflag:s19] =	ssyncset.done $0x0  }
0x71: {  	[sflag:s19] =	ssyncadd.s32 $0xFFFFFF80  }
0x72: {  	[tilespmem:s21], [sflag:$0x3] =	stream.indirect.gather [hbm4b:s4+s20], $0x80, s3, s20, $0xb8;
	[tilespmem:$0x1E500] =	vst v63  }
0x73: {  	_ = 	snop  }
0x74: {  	[spmem:s2] =	stream.indirect.scatter.add.f32 [tilespmem:s24], [sflag:$0x6], $0x80, s1, s20, $0xb8;
	[tilespmem:$0x1E500] =	vst v63  }
0x75: {  	s28 =	sadd.s32 s28, s14  }
0x76: {  	[tilespmem:s20], [sflag:$0x2] =	stream.linear.gather [hbm4b:s28+s3], $0x80, $0x38;
	[tilespmem:$0x1E500] =	vst v63  }
0x77: {  	_ =	swait.ge [sflag:s29], $0x4000  }
0x78: {  	[sflag:s29] =	ssyncset.done $0x0  }
0x79: {  	[sflag:s29] =	ssyncadd.s32 $0xFFFFC000  }
0x7a: {  	_ =	swait.ge [sflag:s22], $0x4000  }
0x7b: {  	[sflag:s22] =	ssyncset.done $0x0  }
0x7c: {  	[sflag:s22] =	ssyncadd.s32 $0xFFFFC000  }
.Ltmp0:
0x7d: {  	_ =	swait.ge [sflag:s23], $0x80;
	(pc) =	sbr.rel @p0 .LBB2_2-.Ltmp0, $4  }
0x7e: {  	[sflag:s23] =	ssyncset.done $0x0  }
0x7f: {  	[sflag:s23] =	ssyncadd.s32 $0xFFFFFF80  }
0x80: {  	[tilespmem:s24], [sflag:$0x4] =	stream.indirect.gather [hbm4b:s4+s20], $0x80, s20, s20, $0xb8;
	[tilespmem:$0x1E500] =	vst v63  }
0x81: {  	s28 =	sadd.s32 $0x80, s1;
	s1 =	sadd.s32 $0x100, s1  }
0x82: {  	[spmem:s2] =	stream.indirect.scatter.add.f32 [tilespmem:s21], [sflag:$0x5], $0x80, s28, s20, $0xb8;
	[tilespmem:$0x1E500] =	vst v63  }
0x83: {  	_ =	swait.ge [sflag:s25], $0x4000  }
0x84: {  	[sflag:s25] =	ssyncset.done $0x0  }
0x85: {  	[sflag:s25] =	ssyncadd.s32 $0xFFFFC000  }
0x86: {  	_ =	swait.ge [sflag:s26], $0x4000  }
0x87: {  	[sflag:s26] =	ssyncset.done $0x0  }
0x88: {  	[sflag:s26] =	ssyncadd.s32 $0xFFFFC000  }
0x89: {  	[spmem:s2] =	stream.indirect.scatter.add.f32 [tilespmem:s24], [sflag:$0x6], $0x80, s1, s20, $0xb8;
	[tilespmem:$0x1E500] =	vst v63  }
0x8a: {  	_ =	swait.ge [sflag:s29], $0x4000  }
0x8b: {  	s31 =	sadd.s32 $0x1, s31;
	[sflag:s29] =	ssyncset.done $0x0  }
0x8c: {  	p0 =	sne.s32 s31, s11;
	[sflag:s29] =	ssyncadd.s32 $0xFFFFC000  }
.Ltmp1:
0x8d: {  	[bflag:$0x0] =	sbarrier.arrive $0xFFFF;
	(pc) =	sbr.rel @p0 .LBB2_1-.Ltmp1, $4  }
0x8e: {  	[hbm:s10], [sflag:s6] =	dma.local [spmem:s16], $0x2780  }
0x8f: {  	_ =	swait.ge [sflag:s17], $0x2780  }
0x90: {  	[sflag:s17] =	ssyncset.done $0x0  }
0x91: {  	[sflag:s17] =	ssyncadd.s32 $0xFFFFD880  }
0x92: {  	_ =	sfence.sel $0x180000  }
0x93: {  	[bflag:$0x0] =	sbarrier.arrive $0xFFFF  }
0x94: {  	_ =	strace $0x90000050  }
0x95: {  	s0 =	stileid.u32;
	[bflag:$0x2] =	sbarrier.arrive $0xFFFF  }
0x96: {  	p0 =	sne.s32 s0, $0x0;
	s0 =	rddreg [dreg:$0x2]  }
0x97: {  	s0 =	sadd.s32 @!p0 $0x100000, s0  }
0x98: {  	[sflag:s0] =	ssyncadd.tile.s32 @!p0 $0x1;
	_ =	shalt  }
.Lfunc_end2:
_tile_overlayer_lowered:
.L_overlay_start_2:
0x99: {  	(tag) =	ssettag $0x2  }
0x9a: {  	s0 =	rddreg [dreg:$0x0];
	s2 =	stileid.u32  }
0x9b: {  	s1 =	rddreg [dreg:$0x1];
	p0 =	sne.s32 s2, $0x0  }
0x9c: {  	s3 =	rddreg [dreg:$0x2];
	[bflag:$0x3] =	sbarrier.arrive $0xFFFF;
	s2 =	simm.s32 @!p0 $0x1C07  }
0x9d: {  	[timem:s3], [sflag:s2] =	dma.local @!p0 [hbm:s0], s1  }
0x9e: {  	s0 =	simm.s32 @!p0 $0x7  }
0x9f: {  	_ =	swait.ge @!p0 [sflag:s0], s1  }
0xa0: {  	s1 =	ssub.s32 @!p0 $0x0, s1;
	[sflag:s0] =	ssyncset.done @!p0 $0x0  }
0xa1: {  	[sflag:s0] =	ssyncadd.s32 @!p0 s1  }
0xa2: {  	[bflag:$0x3] =	sbarrier.arrive $0xFFFF  }
0xa3: {  	_ =	shalt  }

</sc_bundles>
